<compile_context>
chip_gen: v7x
topology: tpu7x:2x2x1
jax: 0.10.2.dev20260603
libtpu: 0.0.44.dev20260713+nightly
codegen_flags: <defaults>
</compile_context>

<pallas_src>
import jax
import jax.numpy as jnp
from jax import lax
from jax.experimental import pallas as pl
from jax.experimental.pallas import tpu as pltpu
from jax.experimental.pallas import tpu_sc as plsc

_NW = 16
_NJ = 3
_CHUNK = 38
_GS = (64, 32, 16)
_C = 85


def _sc_body(p0, p1, p2, tg, out,
             tgt_v, idx_v, dst0_v, dst1_v, dst2_v, stage_v,
             stg_sem, sem0, sem1, sem2):
    preds = (p0, p1, p2)
    dsts = (dst0_v, dst1_v, dst2_v)
    sems = (sem0, sem1, sem2)

    wid = lax.axis_index("s")

    pltpu.async_copy(tg, tgt_v, stg_sem).wait()

    base = wid * _CHUNK
    lane = lax.iota(jnp.int32, 16)

    av, validv = [], []
    bfv, xv, yv, wv, hv = [], [], [], [], []
    for j in range(_NJ):
        p = base + j * 16 + lane
        valid = jnp.logical_and(j * 16 + lane < _CHUNK, p < 600)
        a = lax.div(p, jnp.int32(200))
        n = lax.rem(p, jnp.int32(200))
        av.append(a); validv.append(valid)
        n6 = n * 6
        col = lambda c: plsc.load_gather(tgt_v, [n6 + c])
        bfv.append(col(0))
        xv.append(col(2)); yv.append(col(3))
        wv.append(col(4)); hv.append(col(5))

    for l in range(3):
        G = _GS[l]
        for j in range(_NJ):
            gi = jnp.clip((xv[j] * float(G)).astype(jnp.int32), 0, G - 1)
            gj = jnp.clip((yv[j] * float(G)).astype(jnp.int32), 0, G - 1)
            b = bfv[j].astype(jnp.int32)
            row = ((b * 3 + av[j]) * G + gj) * G + gi
            idx_v[pl.ds(l * 48 + j * 16, 16)] = jnp.where(validv[j], row, 0)
    for l in range(3):
        def enqueue(k, carry, l=l):
            r = plsc.load_gather(
                idx_v, [jnp.full((16,), l * 48, jnp.int32) + k])[0]
            pltpu.async_copy(
                preds[l].at[pl.ds(r, 1), :],
                dsts[l].at[pl.ds(k, 1), :],
                sems[l])
            return carry
        lax.fori_loop(0, _CHUNK, enqueue, jnp.int32(0))

    for l in range(3):
        G = _GS[l]
        gf = float(G)
        pltpu.make_async_copy(
            preds[l].at[pl.ds(0, 32), :],
            dsts[l].at[pl.ds(0, 32), :], sems[l]).wait()
        for k in range(32, _CHUNK):
            pltpu.make_async_copy(
                preds[l].at[pl.ds(0, 1), :],
                dsts[l].at[pl.ds(k, 1), :], sems[l]).wait()
        acc_s = jnp.zeros((16,), jnp.float32)
        acc_c = jnp.zeros((16,), jnp.float32)
        for j in range(_NJ):
            gx = xv[j] * gf
            gy = yv[j] * gf
            gw = wv[j] * gf
            gh = hv[j] * gf
            tbx = gx - gx.astype(jnp.int32).astype(jnp.float32)
            tby = gy - gy.astype(jnp.int32).astype(jnp.float32)
            amin = jnp.minimum(av[j], 2)
            abase = 1200 + l * 8 + amin * 2
            aw = plsc.load_gather(tgt_v, [abase])
            ah = plsc.load_gather(tgt_v, [abase + 1])
            rw = gw / aw
            rh = gh / ah
            rmax = jnp.maximum(jnp.maximum(rw, 1.0 / rw),
                               jnp.maximum(rh, 1.0 / rh))
            jf = jnp.where(jnp.logical_and(validv[j], rmax < 4.0), 1.0, 0.0)
            kidx = jnp.minimum(j * 16 + lane, _CHUNK - 1)
            psc = lambda c: plsc.load_gather(
                dsts[l], [kidx, jnp.full((16,), c, jnp.int32)])
            ps0 = psc(0)
            ps1 = psc(1)
            ps2 = psc(2)
            ps3 = psc(3)
            px = 1.0 / (1.0 + jnp.exp(-ps0))
            py = 1.0 / (1.0 + jnp.exp(-ps1))
            pw = jnp.exp(ps2) * aw
            ph = jnp.exp(ps3) * ah
            iw = jnp.maximum(
                jnp.minimum(px + pw * 0.5, tbx + gw * 0.5)
                - jnp.maximum(px - pw * 0.5, tbx - gw * 0.5), 0.0)
            ih = jnp.maximum(
                jnp.minimum(py + ph * 0.5, tby + gh * 0.5)
                - jnp.maximum(py - ph * 0.5, tby - gh * 0.5), 0.0)
            inter = iw * ih
            union = pw * ph + gw * gh - inter + 1e-7
            iou = inter / union
            acc_s = acc_s + (1.0 - iou) * jf
            acc_c = acc_c + jf
        stage_v[pl.ds(l * 16, 16)] = acc_s
        stage_v[pl.ds((3 + l) * 16, 16)] = acc_c

    pltpu.sync_copy(stage_v, out.at[wid])


@jax.jit
def _sc_partials(p0, p1, p2, table):
    mesh = plsc.VectorSubcoreMesh(core_axis_name="c", subcore_axis_name="s", num_cores=1)
    fn = pl.kernel(
        _sc_body,
        mesh=mesh,
        compiler_params=pltpu.CompilerParams(needs_layout_passes=False),
        out_type=jax.ShapeDtypeStruct((_NW, 96), jnp.float32),
        scratch_types=[
            pltpu.VMEM((1224,), jnp.float32),
            pltpu.VMEM((144,), jnp.int32),
            pltpu.VMEM((_CHUNK, _C), jnp.float32),
            pltpu.VMEM((_CHUNK, _C), jnp.float32),
            pltpu.VMEM((_CHUNK, _C), jnp.float32),
            pltpu.VMEM((96,), jnp.float32),
            pltpu.SemaphoreType.DMA,
            pltpu.SemaphoreType.DMA,
            pltpu.SemaphoreType.DMA,
            pltpu.SemaphoreType.DMA,
        ],
    )
    return fn(p0, p1, p2, table)


def kernel(pred0, pred1, pred2, targets, anchors0, anchors1, anchors2):
    p0 = pred0.reshape(-1, _C)
    p1 = pred1.reshape(-1, _C)
    p2 = pred2.reshape(-1, _C)
    pad2 = jnp.ones((2,), jnp.float32)
    table = jnp.concatenate(
        [targets.reshape(1200), anchors0.reshape(6), pad2,
         anchors1.reshape(6), pad2, anchors2.reshape(6), pad2])
    parts = _sc_partials(p0, p1, p2, table)
    t = parts.reshape(_NW, 6, 16).sum(axis=(0, 2))
    lbox = (t[0] / jnp.maximum(t[3], 1.0)
            + t[1] / jnp.maximum(t[4], 1.0)
            + t[2] / jnp.maximum(t[5], 1.0))
    return lbox.astype(jnp.float32)

# --- scband reference (transcript-rebuilt; emitter-appended) ---
"""Pipeline reference for scband-yololoss-9887014716251 (READ-ONLY COPY).

The authoritative reference and input builder live on the scoring server;
editing this copy changes nothing except your own understanding.
"""

import jax, jax.numpy as jnp
import numpy as np

_ANCHORS = [np.array([[10.,13.],[16.,30.],[33.,23.]], dtype=np.float32), np.array([[30.,61.],[62.,45.],[59.,119.]], dtype=np.float32), np.array([[116.,90.],[156.,198.],[373.,326.]], dtype=np.float32)]
_STRIDES = [8.0, 16.0, 32.0]


def setup_inputs(seed: int = 0):
    key = jax.random.key(seed)
    ks = jax.random.split(key, 7)
    B, A, C, N = 16, 3, 85, 200
    pred0 = jax.random.normal(ks[0], (B, A, 64, 64, C), dtype=jnp.float32)
    pred1 = jax.random.normal(ks[1], (B, A, 32, 32, C), dtype=jnp.float32)
    pred2 = jax.random.normal(ks[2], (B, A, 16, 16, C), dtype=jnp.float32)
    bidx = jax.random.randint(ks[3], (N, 1), 0, B).astype(jnp.float32)
    cls = jax.random.randint(ks[4], (N, 1), 0, 80).astype(jnp.float32)
    xy = jax.random.uniform(ks[5], (N, 2), jnp.float32, minval=0.05, maxval=0.95)
    wh = jax.random.uniform(ks[6], (N, 2), jnp.float32, minval=0.02, maxval=0.4)
    targets = jnp.concatenate([bidx, cls, xy, wh], axis=1)
    anchors = [jnp.asarray(a / s) for a, s in zip(_ANCHORS, _STRIDES)]
    return {"pred0": pred0, "pred1": pred1, "pred2": pred2, "targets": targets, "anchors0": anchors[0], "anchors1": anchors[1], "anchors2": anchors[2]}


def _get_targets(preds, targets, anchors_list):
    num_anc = 3
    nt = targets.shape[0]
    ai = jnp.tile(jnp.arange(num_anc, dtype=jnp.float32)[:, None], (1, nt))
    tg = jnp.concatenate([jnp.tile(targets[None], (num_anc, 1, 1)), ai[:, :, None]], axis=2)
    tcls, tboxes, indices, anch, masks = [], [], [], [], []
    for yi, p in enumerate(preds):
        anchors = anchors_list[yi]
        H, W = p.shape[2], p.shape[3]
        gain = jnp.array([1.0, 1.0, W, H, W, H, 1.0], dtype=jnp.float32)
        t = tg * gain
        if nt:
            r = t[:, :, 4:6] / anchors[:, None]
            j = jnp.max(jnp.maximum(r, 1.0 / r), axis=2) < 4.0
            t = t.reshape(-1, 7)
            j = j.reshape(-1)
        else:
            t = tg[0]
            j = jnp.ones((t.shape[0],), dtype=bool)
        b = t[:, 0].astype(jnp.int32)
        c = t[:, 1].astype(jnp.int32)
        gxy = t[:, 2:4]
        gwh = t[:, 4:6]
        gij = gxy.astype(jnp.int32)
        gi = gij[:, 0]
        gj = gij[:, 1]
        a = t[:, 6].astype(jnp.int32)
        indices.append((b, a, jnp.clip(gj, 0, H - 1), jnp.clip(gi, 0, W - 1)))
        tboxes.append(jnp.concatenate([gxy - gij.astype(jnp.float32), gwh], axis=1))
        anch.append(anchors[a])
        tcls.append(c)
        masks.append(j)
    return tcls, tboxes, indices, anch, masks


def _bbox_iou(box1, box2, eps=1e-7):
    b1x1 = box1[:, 0] - box1[:, 2] / 2.0
    b1y1 = box1[:, 1] - box1[:, 3] / 2.0
    b1x2 = box1[:, 0] + box1[:, 2] / 2.0
    b1y2 = box1[:, 1] + box1[:, 3] / 2.0
    b2x1 = box2[:, 0] - box2[:, 2] / 2.0
    b2y1 = box2[:, 1] - box2[:, 3] / 2.0
    b2x2 = box2[:, 0] + box2[:, 2] / 2.0
    b2y2 = box2[:, 1] + box2[:, 3] / 2.0
    iw = jnp.clip(jnp.minimum(b1x2, b2x2) - jnp.maximum(b1x1, b2x1), 0.0)
    ih = jnp.clip(jnp.minimum(b1y2, b2y2) - jnp.maximum(b1y1, b2y1), 0.0)
    inter = iw * ih
    union = box1[:, 2] * box1[:, 3] + box2[:, 2] * box2[:, 3] - inter + eps
    return inter / union


def reference(pred0, pred1, pred2, targets, anchors0, anchors1, anchors2):
    preds = [pred0, pred1, pred2]
    anchors_list = [anchors0, anchors1, anchors2]
    tcls, tbox, tind, tanch, masks = _get_targets(preds, targets, anchors_list)
    lbox = jnp.zeros((), dtype=jnp.float32)
    for pidx, pout in enumerate(preds):
        b, a, gj, gi = tind[pidx]
        nt = int(b.shape[0])
        if nt:
            ps = pout[b, a, gj, gi]
            pxy = jax.nn.sigmoid(ps[:, 0:2])
            pwh = jnp.exp(ps[:, 2:4]) * tanch[pidx]
            pbox = jnp.concatenate([pxy, pwh], axis=1)
            iou = _bbox_iou(pbox, tbox[pidx])
            mf = masks[pidx].astype(jnp.float32)
            lbox = lbox + ((1.0 - iou) * mf).sum() / jnp.maximum(mf.sum(), 1.0)
    return lbox

if __name__ == "__main__":
    import jax
    _d = setup_inputs()
    print(jax.jit(kernel)(*tuple(_d.values())))

</pallas_src>

<mosaic_0001>
#map = affine_map<(d0, d1) -> (0, 0)>
#map1 = affine_map<(d0, d1) -> (0)>
module attributes {stable_mosaic.version = 14 : i64} {
  func.func @_sc_body(%arg0: i32, %arg1: i32, %arg2: memref<196608x85xf32, #tpu.memory_space<hbm>>, %arg3: memref<49152x85xf32, #tpu.memory_space<hbm>>, %arg4: memref<12288x85xf32, #tpu.memory_space<hbm>>, %arg5: memref<1224xf32, #tpu.memory_space<hbm>>, %arg6: memref<16x96xf32, #tpu.memory_space<hbm>>, %arg7: memref<1224xf32, #tpu.memory_space<vmem>>, %arg8: memref<144xi32, #tpu.memory_space<vmem>>, %arg9: memref<38x85xf32, #tpu.memory_space<vmem>>, %arg10: memref<38x85xf32, #tpu.memory_space<vmem>>, %arg11: memref<38x85xf32, #tpu.memory_space<vmem>>, %arg12: memref<96xf32, #tpu.memory_space<vmem>>, %arg13: memref<!tpu.dma_semaphore, #tpu.memory_space<semaphore_mem>>, %arg14: memref<!tpu.dma_semaphore, #tpu.memory_space<semaphore_mem>>, %arg15: memref<!tpu.dma_semaphore, #tpu.memory_space<semaphore_mem>>, %arg16: memref<!tpu.dma_semaphore, #tpu.memory_space<semaphore_mem>>) attributes {dimension_semantics = [#tpu.dimension_semantics<core_parallel>, #tpu.dimension_semantics<subcore_parallel>], iteration_bounds = array<i64: 1, 16>, scalar_prefetch = 0 : i64, scratch_operands = 10 : i64, tpu.core_type = #tpu.core_type<sc_vector_subcore>, window_params = [{transform_indices = #map}, {transform_indices = #map}, {transform_indices = #map}, {transform_indices = #map1}, {transform_indices = #map}]} {
    tpu.enqueue_dma source(%arg5 : memref<1224xf32, #tpu.memory_space<hbm>>) target(%arg7 : memref<1224xf32, #tpu.memory_space<vmem>>) target_semaphore(%arg13 : memref<!tpu.dma_semaphore, #tpu.memory_space<semaphore_mem>>)
    tpu.wait_dma2 semaphore(%arg13 : memref<!tpu.dma_semaphore, #tpu.memory_space<semaphore_mem>>) src(%arg5 : memref<1224xf32, #tpu.memory_space<hbm>>) dst(%arg7 : memref<1224xf32, #tpu.memory_space<vmem>>)
    %mul3A = arith.constant 38 : i32
    %mul3A_0 = arith.muli %arg1, %mul3A : i32
    %iota3A = tpu.iota {dimensions = array<i32: 0>} : vector<16xi32>
    %add3A = arith.constant 0 : i32
    %add3A_1 = arith.addi %mul3A_0, %add3A : i32
    %add3A_2 = vector.broadcast %add3A_1 : i32 to vector<16xi32>
    %add3A_3 = arith.addi %add3A_2, %iota3A : vector<16xi32>
    %add3A_4 = arith.constant 0 : i32
    %add3A_5 = vector.broadcast %add3A_4 : i32 to vector<16xi32>
    %add3A_6 = arith.addi %add3A_5, %iota3A : vector<16xi32>
    %lt3A = arith.constant 38 : i32
    %lt3A_7 = vector.broadcast %lt3A : i32 to vector<16xi32>
    %lt3A_8 = arith.cmpi slt, %add3A_6, %lt3A_7 : vector<16xi32>
    %lt3A_9 = arith.constant 600 : i32
    %lt3A_10 = vector.broadcast %lt3A_9 : i32 to vector<16xi32>
    %lt3A_11 = arith.cmpi slt, %add3A_3, %lt3A_10 : vector<16xi32>
    %and3A = arith.andi %lt3A_8, %lt3A_11 : vector<16xi1>
    %div3A = arith.constant 200 : i32
    %div3A_12 = vector.broadcast %div3A : i32 to vector<16xi32>
    %div3A_13 = arith.divsi %add3A_3, %div3A_12 : vector<16xi32>
    %rem3A = arith.constant 200 : i32
    %rem3A_14 = vector.broadcast %rem3A : i32 to vector<16xi32>
    %rem3A_15 = arith.remsi %add3A_3, %rem3A_14 : vector<16xi32>
    %mul3A_16 = arith.constant 6 : i32
    %mul3A_17 = vector.broadcast %mul3A_16 : i32 to vector<16xi32>
    %mul3A_18 = arith.muli %rem3A_15, %mul3A_17 : vector<16xi32>
    %add3A_19 = arith.constant 0 : i32
    %add3A_20 = vector.broadcast %add3A_19 : i32 to vector<16xi32>
    %add3A_21 = arith.addi %mul3A_18, %add3A_20 : vector<16xi32>
    %gather3A = tpu.vector_load_idx %arg7[%add3A_21] : memref<1224xf32, #tpu.memory_space<vmem>>[vector<16xi32>], vector<16xf32>,
    %add3A_22 = arith.constant 2 : i32
    %add3A_23 = vector.broadcast %add3A_22 : i32 to vector<16xi32>
    %add3A_24 = arith.addi %mul3A_18, %add3A_23 : vector<16xi32>
    %gather3A_25 = tpu.vector_load_idx %arg7[%add3A_24] : memref<1224xf32, #tpu.memory_space<vmem>>[vector<16xi32>], vector<16xf32>,
    %add3A_26 = arith.constant 3 : i32
    %add3A_27 = vector.broadcast %add3A_26 : i32 to vector<16xi32>
    %add3A_28 = arith.addi %mul3A_18, %add3A_27 : vector<16xi32>
    %gather3A_29 = tpu.vector_load_idx %arg7[%add3A_28] : memref<1224xf32, #tpu.memory_space<vmem>>[vector<16xi32>], vector<16xf32>,
    %add3A_30 = arith.constant 4 : i32
    %add3A_31 = vector.broadcast %add3A_30 : i32 to vector<16xi32>
    %add3A_32 = arith.addi %mul3A_18, %add3A_31 : vector<16xi32>
    %gather3A_33 = tpu.vector_load_idx %arg7[%add3A_32] : memref<1224xf32, #tpu.memory_space<vmem>>[vector<16xi32>], vector<16xf32>,
    %add3A_34 = arith.constant 5 : i32
    %add3A_35 = vector.broadcast %add3A_34 : i32 to vector<16xi32>
    %add3A_36 = arith.addi %mul3A_18, %add3A_35 : vector<16xi32>
    %gather3A_37 = tpu.vector_load_idx %arg7[%add3A_36] : memref<1224xf32, #tpu.memory_space<vmem>>[vector<16xi32>], vector<16xf32>,
    %add3A_38 = arith.constant 16 : i32
    %add3A_39 = arith.addi %mul3A_0, %add3A_38 : i32
    %add3A_40 = vector.broadcast %add3A_39 : i32 to vector<16xi32>
    %add3A_41 = arith.addi %add3A_40, %iota3A : vector<16xi32>
    %add3A_42 = arith.constant 16 : i32
    %add3A_43 = vector.broadcast %add3A_42 : i32 to vector<16xi32>
    %add3A_44 = arith.addi %add3A_43, %iota3A : vector<16xi32>
    %lt3A_45 = arith.constant 38 : i32
    %lt3A_46 = vector.broadcast %lt3A_45 : i32 to vector<16xi32>
    %lt3A_47 = arith.cmpi slt, %add3A_44, %lt3A_46 : vector<16xi32>
    %lt3A_48 = arith.constant 600 : i32
    %lt3A_49 = vector.broadcast %lt3A_48 : i32 to vector<16xi32>
    %lt3A_50 = arith.cmpi slt, %add3A_41, %lt3A_49 : vector<16xi32>
    %and3A_51 = arith.andi %lt3A_47, %lt3A_50 : vector<16xi1>
    %div3A_52 = arith.constant 200 : i32
    %div3A_53 = vector.broadcast %div3A_52 : i32 to vector<16xi32>
    %div3A_54 = arith.divsi %add3A_41, %div3A_53 : vector<16xi32>
    %rem3A_55 = arith.constant 200 : i32
    %rem3A_56 = vector.broadcast %rem3A_55 : i32 to vector<16xi32>
    %rem3A_57 = arith.remsi %add3A_41, %rem3A_56 : vector<16xi32>
    %mul3A_58 = arith.constant 6 : i32
    %mul3A_59 = vector.broadcast %mul3A_58 : i32 to vector<16xi32>
    %mul3A_60 = arith.muli %rem3A_57, %mul3A_59 : vector<16xi32>
    %add3A_61 = arith.constant 0 : i32
    %add3A_62 = vector.broadcast %add3A_61 : i32 to vector<16xi32>
    %add3A_63 = arith.addi %mul3A_60, %add3A_62 : vector<16xi32>
    %gather3A_64 = tpu.vector_load_idx %arg7[%add3A_63] : memref<1224xf32, #tpu.memory_space<vmem>>[vector<16xi32>], vector<16xf32>,
    %add3A_65 = arith.constant 2 : i32
    %add3A_66 = vector.broadcast %add3A_65 : i32 to vector<16xi32>
    %add3A_67 = arith.addi %mul3A_60, %add3A_66 : vector<16xi32>
    %gather3A_68 = tpu.vector_load_idx %arg7[%add3A_67] : memref<1224xf32, #tpu.memory_space<vmem>>[vector<16xi32>], vector<16xf32>,
    %add3A_69 = arith.constant 3 : i32
    %add3A_70 = vector.broadcast %add3A_69 : i32 to vector<16xi32>
    %add3A_71 = arith.addi %mul3A_60, %add3A_70 : vector<16xi32>
    %gather3A_72 = tpu.vector_load_idx %arg7[%add3A_71] : memref<1224xf32, #tpu.memory_space<vmem>>[vector<16xi32>], vector<16xf32>,
    %add3A_73 = arith.constant 4 : i32
    %add3A_74 = vector.broadcast %add3A_73 : i32 to vector<16xi32>
    %add3A_75 = arith.addi %mul3A_60, %add3A_74 : vector<16xi32>
    %gather3A_76 = tpu.vector_load_idx %arg7[%add3A_75] : memref<1224xf32, #tpu.memory_space<vmem>>[vector<16xi32>], vector<16xf32>,
    %add3A_77 = arith.constant 5 : i32
    %add3A_78 = vector.broadcast %add3A_77 : i32 to vector<16xi32>
    %add3A_79 = arith.addi %mul3A_60, %add3A_78 : vector<16xi32>
    %gather3A_80 = tpu.vector_load_idx %arg7[%add3A_79] : memref<1224xf32, #tpu.memory_space<vmem>>[vector<16xi32>], vector<16xf32>,
    %add3A_81 = arith.constant 32 : i32
    %add3A_82 = arith.addi %mul3A_0, %add3A_81 : i32
    %add3A_83 = vector.broadcast %add3A_82 : i32 to vector<16xi32>
    %add3A_84 = arith.addi %add3A_83, %iota3A : vector<16xi32>
    %add3A_85 = arith.constant 32 : i32
    %add3A_86 = vector.broadcast %add3A_85 : i32 to vector<16xi32>
    %add3A_87 = arith.addi %add3A_86, %iota3A : vector<16xi32>
    %lt3A_88 = arith.constant 38 : i32
    %lt3A_89 = vector.broadcast %lt3A_88 : i32 to vector<16xi32>
    %lt3A_90 = arith.cmpi slt, %add3A_87, %lt3A_89 : vector<16xi32>
    %lt3A_91 = arith.constant 600 : i32
    %lt3A_92 = vector.broadcast %lt3A_91 : i32 to vector<16xi32>
    %lt3A_93 = arith.cmpi slt, %add3A_84, %lt3A_92 : vector<16xi32>
    %and3A_94 = arith.andi %lt3A_90, %lt3A_93 : vector<16xi1>
    %div3A_95 = arith.constant 200 : i32
    %div3A_96 = vector.broadcast %div3A_95 : i32 to vector<16xi32>
    %div3A_97 = arith.divsi %add3A_84, %div3A_96 : vector<16xi32>
    %rem3A_98 = arith.constant 200 : i32
    %rem3A_99 = vector.broadcast %rem3A_98 : i32 to vector<16xi32>
    %rem3A_100 = arith.remsi %add3A_84, %rem3A_99 : vector<16xi32>
    %mul3A_101 = arith.constant 6 : i32
    %mul3A_102 = vector.broadcast %mul3A_101 : i32 to vector<16xi32>
    %mul3A_103 = arith.muli %rem3A_100, %mul3A_102 : vector<16xi32>
    %add3A_104 = arith.constant 0 : i32
    %add3A_105 = vector.broadcast %add3A_104 : i32 to vector<16xi32>
    %add3A_106 = arith.addi %mul3A_103, %add3A_105 : vector<16xi32>
    %gather3A_107 = tpu.vector_load_idx %arg7[%add3A_106] : memref<1224xf32, #tpu.memory_space<vmem>>[vector<16xi32>], vector<16xf32>,
    %add3A_108 = arith.constant 2 : i32
    %add3A_109 = vector.broadcast %add3A_108 : i32 to vector<16xi32>
    %add3A_110 = arith.addi %mul3A_103, %add3A_109 : vector<16xi32>
    %gather3A_111 = tpu.vector_load_idx %arg7[%add3A_110] : memref<1224xf32, #tpu.memory_space<vmem>>[vector<16xi32>], vector<16xf32>,
    %add3A_112 = arith.constant 3 : i32
    %add3A_113 = vector.broadcast %add3A_112 : i32 to vector<16xi32>
    %add3A_114 = arith.addi %mul3A_103, %add3A_113 : vector<16xi32>
    %gather3A_115 = tpu.vector_load_idx %arg7[%add3A_114] : memref<1224xf32, #tpu.memory_space<vmem>>[vector<16xi32>], vector<16xf32>,
    %add3A_116 = arith.constant 4 : i32
    %add3A_117 = vector.broadcast %add3A_116 : i32 to vector<16xi32>
    %add3A_118 = arith.addi %mul3A_103, %add3A_117 : vector<16xi32>
    %gather3A_119 = tpu.vector_load_idx %arg7[%add3A_118] : memref<1224xf32, #tpu.memory_space<vmem>>[vector<16xi32>], vector<16xf32>,
    %add3A_120 = arith.constant 5 : i32
    %add3A_121 = vector.broadcast %add3A_120 : i32 to vector<16xi32>
    %add3A_122 = arith.addi %mul3A_103, %add3A_121 : vector<16xi32>
    %gather3A_123 = tpu.vector_load_idx %arg7[%add3A_122] : memref<1224xf32, #tpu.memory_space<vmem>>[vector<16xi32>], vector<16xf32>,
    %mul3A_124 = arith.constant 6.400000e+01 : f32
    %mul3A_125 = vector.broadcast %mul3A_124 : f32 to vector<16xf32>
    %mul3A_126 = arith.mulf %gather3A_25, %mul3A_125 : vector<16xf32>
    %convert_element_type3A = arith.fptosi %mul3A_126 : vector<16xf32> to vector<16xi32>
    %jit3A = arith.constant 0 : i32
    %jit3A_127 = arith.constant 63 : i32
    %max3A = vector.broadcast %jit3A : i32 to vector<16xi32>
    %max3A_128 = arith.maxsi %max3A, %convert_element_type3A : vector<16xi32>
    %min3A = vector.broadcast %jit3A_127 : i32 to vector<16xi32>
    %min3A_129 = arith.minsi %min3A, %max3A_128 : vector<16xi32>
    %mul3A_130 = arith.constant 6.400000e+01 : f32
    %mul3A_131 = vector.broadcast %mul3A_130 : f32 to vector<16xf32>
    %mul3A_132 = arith.mulf %gather3A_29, %mul3A_131 : vector<16xf32>
    %convert_element_type3A_133 = arith.fptosi %mul3A_132 : vector<16xf32> to vector<16xi32>
    %jit3A_134 = arith.constant 0 : i32
    %jit3A_135 = arith.constant 63 : i32
    %max3A_136 = vector.broadcast %jit3A_134 : i32 to vector<16xi32>
    %max3A_137 = arith.maxsi %max3A_136, %convert_element_type3A_133 : vector<16xi32>
    %min3A_138 = vector.broadcast %jit3A_135 : i32 to vector<16xi32>
    %min3A_139 = arith.minsi %min3A_138, %max3A_137 : vector<16xi32>
    %convert_element_type3A_140 = arith.fptosi %gather3A : vector<16xf32> to vector<16xi32>
    %mul3A_141 = arith.constant 3 : i32
    %mul3A_142 = vector.broadcast %mul3A_141 : i32 to vector<16xi32>
    %mul3A_143 = arith.muli %convert_element_type3A_140, %mul3A_142 : vector<16xi32>
    %add3A_144 = arith.addi %mul3A_143, %div3A_13 : vector<16xi32>
    %mul3A_145 = arith.constant 64 : i32
    %mul3A_146 = vector.broadcast %mul3A_145 : i32 to vector<16xi32>
    %mul3A_147 = arith.muli %add3A_144, %mul3A_146 : vector<16xi32>
    %add3A_148 = arith.addi %mul3A_147, %min3A_139 : vector<16xi32>
    %mul3A_149 = arith.constant 64 : i32
    %mul3A_150 = vector.broadcast %mul3A_149 : i32 to vector<16xi32>
    %mul3A_151 = arith.muli %add3A_148, %mul3A_150 : vector<16xi32>
    %add3A_152 = arith.addi %mul3A_151, %min3A_129 : vector<16xi32>
    %jit3A_153 = arith.constant 0 : i32
    %broadcast_in_dim3A = vector.broadcast %jit3A_153 : i32 to vector<16xi32>
    %select_n3A = arith.select %and3A, %add3A_152, %broadcast_in_dim3A : vector<16xi1>, vector<16xi32>
    %swap3A = arith.constant 0 : index
    %swap3A_154 = tpu.vector_load %arg8[%swap3A] {strides = array<i32>} : memref<144xi32, #tpu.memory_space<vmem>>, vector<16xi32>,
    tpu.vector_store %arg8[%swap3A], %select_n3A {strides = array<i32>} : memref<144xi32, #tpu.memory_space<vmem>>, vector<16xi32>,
    %mul3A_155 = arith.constant 6.400000e+01 : f32
    %mul3A_156 = vector.broadcast %mul3A_155 : f32 to vector<16xf32>
    %mul3A_157 = arith.mulf %gather3A_68, %mul3A_156 : vector<16xf32>
    %convert_element_type3A_158 = arith.fptosi %mul3A_157 : vector<16xf32> to vector<16xi32>
    %jit3A_159 = arith.constant 0 : i32
    %jit3A_160 = arith.constant 63 : i32
    %max3A_161 = vector.broadcast %jit3A_159 : i32 to vector<16xi32>
    %max3A_162 = arith.maxsi %max3A_161, %convert_element_type3A_158 : vector<16xi32>
    %min3A_163 = vector.broadcast %jit3A_160 : i32 to vector<16xi32>
    %min3A_164 = arith.minsi %min3A_163, %max3A_162 : vector<16xi32>
    %mul3A_165 = arith.constant 6.400000e+01 : f32
    %mul3A_166 = vector.broadcast %mul3A_165 : f32 to vector<16xf32>
    %mul3A_167 = arith.mulf %gather3A_72, %mul3A_166 : vector<16xf32>
    %convert_element_type3A_168 = arith.fptosi %mul3A_167 : vector<16xf32> to vector<16xi32>
    %jit3A_169 = arith.constant 0 : i32
    %jit3A_170 = arith.constant 63 : i32
    %max3A_171 = vector.broadcast %jit3A_169 : i32 to vector<16xi32>
    %max3A_172 = arith.maxsi %max3A_171, %convert_element_type3A_168 : vector<16xi32>
    %min3A_173 = vector.broadcast %jit3A_170 : i32 to vector<16xi32>
    %min3A_174 = arith.minsi %min3A_173, %max3A_172 : vector<16xi32>
    %convert_element_type3A_175 = arith.fptosi %gather3A_64 : vector<16xf32> to vector<16xi32>
    %mul3A_176 = arith.constant 3 : i32
    %mul3A_177 = vector.broadcast %mul3A_176 : i32 to vector<16xi32>
    %mul3A_178 = arith.muli %convert_element_type3A_175, %mul3A_177 : vector<16xi32>
    %add3A_179 = arith.addi %mul3A_178, %div3A_54 : vector<16xi32>
    %mul3A_180 = arith.constant 64 : i32
    %mul3A_181 = vector.broadcast %mul3A_180 : i32 to vector<16xi32>
    %mul3A_182 = arith.muli %add3A_179, %mul3A_181 : vector<16xi32>
    %add3A_183 = arith.addi %mul3A_182, %min3A_174 : vector<16xi32>
    %mul3A_184 = arith.constant 64 : i32
    %mul3A_185 = vector.broadcast %mul3A_184 : i32 to vector<16xi32>
    %mul3A_186 = arith.muli %add3A_183, %mul3A_185 : vector<16xi32>
    %add3A_187 = arith.addi %mul3A_186, %min3A_164 : vector<16xi32>
    %jit3A_188 = arith.constant 0 : i32
    %broadcast_in_dim3A_189 = vector.broadcast %jit3A_188 : i32 to vector<16xi32>
    %select_n3A_190 = arith.select %and3A_51, %add3A_187, %broadcast_in_dim3A_189 : vector<16xi1>, vector<16xi32>
    %swap3A_191 = arith.constant 16 : index
    %swap3A_192 = tpu.vector_load %arg8[%swap3A_191] {strides = array<i32>} : memref<144xi32, #tpu.memory_space<vmem>>, vector<16xi32>,
    tpu.vector_store %arg8[%swap3A_191], %select_n3A_190 {strides = array<i32>} : memref<144xi32, #tpu.memory_space<vmem>>, vector<16xi32>,
    %mul3A_193 = arith.constant 6.400000e+01 : f32
    %mul3A_194 = vector.broadcast %mul3A_193 : f32 to vector<16xf32>
    %mul3A_195 = arith.mulf %gather3A_111, %mul3A_194 : vector<16xf32>
    %convert_element_type3A_196 = arith.fptosi %mul3A_195 : vector<16xf32> to vector<16xi32>
    %jit3A_197 = arith.constant 0 : i32
    %jit3A_198 = arith.constant 63 : i32
    %max3A_199 = vector.broadcast %jit3A_197 : i32 to vector<16xi32>
    %max3A_200 = arith.maxsi %max3A_199, %convert_element_type3A_196 : vector<16xi32>
    %min3A_201 = vector.broadcast %jit3A_198 : i32 to vector<16xi32>
    %min3A_202 = arith.minsi %min3A_201, %max3A_200 : vector<16xi32>
    %mul3A_203 = arith.constant 6.400000e+01 : f32
    %mul3A_204 = vector.broadcast %mul3A_203 : f32 to vector<16xf32>
    %mul3A_205 = arith.mulf %gather3A_115, %mul3A_204 : vector<16xf32>
    %convert_element_type3A_206 = arith.fptosi %mul3A_205 : vector<16xf32> to vector<16xi32>
    %jit3A_207 = arith.constant 0 : i32
    %jit3A_208 = arith.constant 63 : i32
    %max3A_209 = vector.broadcast %jit3A_207 : i32 to vector<16xi32>
    %max3A_210 = arith.maxsi %max3A_209, %convert_element_type3A_206 : vector<16xi32>
    %min3A_211 = vector.broadcast %jit3A_208 : i32 to vector<16xi32>
    %min3A_212 = arith.minsi %min3A_211, %max3A_210 : vector<16xi32>
    %convert_element_type3A_213 = arith.fptosi %gather3A_107 : vector<16xf32> to vector<16xi32>
    %mul3A_214 = arith.constant 3 : i32
    %mul3A_215 = vector.broadcast %mul3A_214 : i32 to vector<16xi32>
    %mul3A_216 = arith.muli %convert_element_type3A_213, %mul3A_215 : vector<16xi32>
    %add3A_217 = arith.addi %mul3A_216, %div3A_97 : vector<16xi32>
    %mul3A_218 = arith.constant 64 : i32
    %mul3A_219 = vector.broadcast %mul3A_218 : i32 to vector<16xi32>
    %mul3A_220 = arith.muli %add3A_217, %mul3A_219 : vector<16xi32>
    %add3A_221 = arith.addi %mul3A_220, %min3A_212 : vector<16xi32>
    %mul3A_222 = arith.constant 64 : i32
    %mul3A_223 = vector.broadcast %mul3A_222 : i32 to vector<16xi32>
    %mul3A_224 = arith.muli %add3A_221, %mul3A_223 : vector<16xi32>
    %add3A_225 = arith.addi %mul3A_224, %min3A_202 : vector<16xi32>
    %jit3A_226 = arith.constant 0 : i32
    %broadcast_in_dim3A_227 = vector.broadcast %jit3A_226 : i32 to vector<16xi32>
    %select_n3A_228 = arith.select %and3A_94, %add3A_225, %broadcast_in_dim3A_227 : vector<16xi1>, vector<16xi32>
    %swap3A_229 = arith.constant 32 : index
    %swap3A_230 = tpu.vector_load %arg8[%swap3A_229] {strides = array<i32>} : memref<144xi32, #tpu.memory_space<vmem>>, vector<16xi32>,
    tpu.vector_store %arg8[%swap3A_229], %select_n3A_228 {strides = array<i32>} : memref<144xi32, #tpu.memory_space<vmem>>, vector<16xi32>,
    %mul3A_231 = arith.constant 3.200000e+01 : f32
    %mul3A_232 = vector.broadcast %mul3A_231 : f32 to vector<16xf32>
    %mul3A_233 = arith.mulf %gather3A_25, %mul3A_232 : vector<16xf32>
    %convert_element_type3A_234 = arith.fptosi %mul3A_233 : vector<16xf32> to vector<16xi32>
    %jit3A_235 = arith.constant 0 : i32
    %jit3A_236 = arith.constant 31 : i32
    %max3A_237 = vector.broadcast %jit3A_235 : i32 to vector<16xi32>
    %max3A_238 = arith.maxsi %max3A_237, %convert_element_type3A_234 : vector<16xi32>
    %min3A_239 = vector.broadcast %jit3A_236 : i32 to vector<16xi32>
    %min3A_240 = arith.minsi %min3A_239, %max3A_238 : vector<16xi32>
    %mul3A_241 = arith.constant 3.200000e+01 : f32
    %mul3A_242 = vector.broadcast %mul3A_241 : f32 to vector<16xf32>
    %mul3A_243 = arith.mulf %gather3A_29, %mul3A_242 : vector<16xf32>
    %convert_element_type3A_244 = arith.fptosi %mul3A_243 : vector<16xf32> to vector<16xi32>
    %jit3A_245 = arith.constant 0 : i32
    %jit3A_246 = arith.constant 31 : i32
    %max3A_247 = vector.broadcast %jit3A_245 : i32 to vector<16xi32>
    %max3A_248 = arith.maxsi %max3A_247, %convert_element_type3A_244 : vector<16xi32>
    %min3A_249 = vector.broadcast %jit3A_246 : i32 to vector<16xi32>
    %min3A_250 = arith.minsi %min3A_249, %max3A_248 : vector<16xi32>
    %convert_element_type3A_251 = arith.fptosi %gather3A : vector<16xf32> to vector<16xi32>
    %mul3A_252 = arith.constant 3 : i32
    %mul3A_253 = vector.broadcast %mul3A_252 : i32 to vector<16xi32>
    %mul3A_254 = arith.muli %convert_element_type3A_251, %mul3A_253 : vector<16xi32>
    %add3A_255 = arith.addi %mul3A_254, %div3A_13 : vector<16xi32>
    %mul3A_256 = arith.constant 32 : i32
    %mul3A_257 = vector.broadcast %mul3A_256 : i32 to vector<16xi32>
    %mul3A_258 = arith.muli %add3A_255, %mul3A_257 : vector<16xi32>
    %add3A_259 = arith.addi %mul3A_258, %min3A_250 : vector<16xi32>
    %mul3A_260 = arith.constant 32 : i32
    %mul3A_261 = vector.broadcast %mul3A_260 : i32 to vector<16xi32>
    %mul3A_262 = arith.muli %add3A_259, %mul3A_261 : vector<16xi32>
    %add3A_263 = arith.addi %mul3A_262, %min3A_240 : vector<16xi32>
    %jit3A_264 = arith.constant 0 : i32
    %broadcast_in_dim3A_265 = vector.broadcast %jit3A_264 : i32 to vector<16xi32>
    %select_n3A_266 = arith.select %and3A, %add3A_263, %broadcast_in_dim3A_265 : vector<16xi1>, vector<16xi32>
    %swap3A_267 = arith.constant 48 : index
    %swap3A_268 = tpu.vector_load %arg8[%swap3A_267] {strides = array<i32>} : memref<144xi32, #tpu.memory_space<vmem>>, vector<16xi32>,
    tpu.vector_store %arg8[%swap3A_267], %select_n3A_266 {strides = array<i32>} : memref<144xi32, #tpu.memory_space<vmem>>, vector<16xi32>,
    %mul3A_269 = arith.constant 3.200000e+01 : f32
    %mul3A_270 = vector.broadcast %mul3A_269 : f32 to vector<16xf32>
    %mul3A_271 = arith.mulf %gather3A_68, %mul3A_270 : vector<16xf32>
    %convert_element_type3A_272 = arith.fptosi %mul3A_271 : vector<16xf32> to vector<16xi32>
    %jit3A_273 = arith.constant 0 : i32
    %jit3A_274 = arith.constant 31 : i32
    %max3A_275 = vector.broadcast %jit3A_273 : i32 to vector<16xi32>
    %max3A_276 = arith.maxsi %max3A_275, %convert_element_type3A_272 : vector<16xi32>
    %min3A_277 = vector.broadcast %jit3A_274 : i32 to vector<16xi32>
    %min3A_278 = arith.minsi %min3A_277, %max3A_276 : vector<16xi32>
    %mul3A_279 = arith.constant 3.200000e+01 : f32
    %mul3A_280 = vector.broadcast %mul3A_279 : f32 to vector<16xf32>
    %mul3A_281 = arith.mulf %gather3A_72, %mul3A_280 : vector<16xf32>
    %convert_element_type3A_282 = arith.fptosi %mul3A_281 : vector<16xf32> to vector<16xi32>
    %jit3A_283 = arith.constant 0 : i32
    %jit3A_284 = arith.constant 31 : i32
    %max3A_285 = vector.broadcast %jit3A_283 : i32 to vector<16xi32>
    %max3A_286 = arith.maxsi %max3A_285, %convert_element_type3A_282 : vector<16xi32>
    %min3A_287 = vector.broadcast %jit3A_284 : i32 to vector<16xi32>
    %min3A_288 = arith.minsi %min3A_287, %max3A_286 : vector<16xi32>
    %convert_element_type3A_289 = arith.fptosi %gather3A_64 : vector<16xf32> to vector<16xi32>
    %mul3A_290 = arith.constant 3 : i32
    %mul3A_291 = vector.broadcast %mul3A_290 : i32 to vector<16xi32>
    %mul3A_292 = arith.muli %convert_element_type3A_289, %mul3A_291 : vector<16xi32>
    %add3A_293 = arith.addi %mul3A_292, %div3A_54 : vector<16xi32>
    %mul3A_294 = arith.constant 32 : i32
    %mul3A_295 = vector.broadcast %mul3A_294 : i32 to vector<16xi32>
    %mul3A_296 = arith.muli %add3A_293, %mul3A_295 : vector<16xi32>
    %add3A_297 = arith.addi %mul3A_296, %min3A_288 : vector<16xi32>
    %mul3A_298 = arith.constant 32 : i32
    %mul3A_299 = vector.broadcast %mul3A_298 : i32 to vector<16xi32>
    %mul3A_300 = arith.muli %add3A_297, %mul3A_299 : vector<16xi32>
    %add3A_301 = arith.addi %mul3A_300, %min3A_278 : vector<16xi32>
    %jit3A_302 = arith.constant 0 : i32
    %broadcast_in_dim3A_303 = vector.broadcast %jit3A_302 : i32 to vector<16xi32>
    %select_n3A_304 = arith.select %and3A_51, %add3A_301, %broadcast_in_dim3A_303 : vector<16xi1>, vector<16xi32>
    %swap3A_305 = arith.constant 64 : index
    %swap3A_306 = tpu.vector_load %arg8[%swap3A_305] {strides = array<i32>} : memref<144xi32, #tpu.memory_space<vmem>>, vector<16xi32>,
    tpu.vector_store %arg8[%swap3A_305], %select_n3A_304 {strides = array<i32>} : memref<144xi32, #tpu.memory_space<vmem>>, vector<16xi32>,
    %mul3A_307 = arith.constant 3.200000e+01 : f32
    %mul3A_308 = vector.broadcast %mul3A_307 : f32 to vector<16xf32>
    %mul3A_309 = arith.mulf %gather3A_111, %mul3A_308 : vector<16xf32>
    %convert_element_type3A_310 = arith.fptosi %mul3A_309 : vector<16xf32> to vector<16xi32>
    %jit3A_311 = arith.constant 0 : i32
    %jit3A_312 = arith.constant 31 : i32
    %max3A_313 = vector.broadcast %jit3A_311 : i32 to vector<16xi32>
    %max3A_314 = arith.maxsi %max3A_313, %convert_element_type3A_310 : vector<16xi32>
    %min3A_315 = vector.broadcast %jit3A_312 : i32 to vector<16xi32>
    %min3A_316 = arith.minsi %min3A_315, %max3A_314 : vector<16xi32>
    %mul3A_317 = arith.constant 3.200000e+01 : f32
    %mul3A_318 = vector.broadcast %mul3A_317 : f32 to vector<16xf32>
    %mul3A_319 = arith.mulf %gather3A_115, %mul3A_318 : vector<16xf32>
    %convert_element_type3A_320 = arith.fptosi %mul3A_319 : vector<16xf32> to vector<16xi32>
    %jit3A_321 = arith.constant 0 : i32
    %jit3A_322 = arith.constant 31 : i32
    %max3A_323 = vector.broadcast %jit3A_321 : i32 to vector<16xi32>
    %max3A_324 = arith.maxsi %max3A_323, %convert_element_type3A_320 : vector<16xi32>
    %min3A_325 = vector.broadcast %jit3A_322 : i32 to vector<16xi32>
    %min3A_326 = arith.minsi %min3A_325, %max3A_324 : vector<16xi32>
    %convert_element_type3A_327 = arith.fptosi %gather3A_107 : vector<16xf32> to vector<16xi32>
    %mul3A_328 = arith.constant 3 : i32
    %mul3A_329 = vector.broadcast %mul3A_328 : i32 to vector<16xi32>
    %mul3A_330 = arith.muli %convert_element_type3A_327, %mul3A_329 : vector<16xi32>
    %add3A_331 = arith.addi %mul3A_330, %div3A_97 : vector<16xi32>
    %mul3A_332 = arith.constant 32 : i32
    %mul3A_333 = vector.broadcast %mul3A_332 : i32 to vector<16xi32>
    %mul3A_334 = arith.muli %add3A_331, %mul3A_333 : vector<16xi32>
    %add3A_335 = arith.addi %mul3A_334, %min3A_326 : vector<16xi32>
    %mul3A_336 = arith.constant 32 : i32
    %mul3A_337 = vector.broadcast %mul3A_336 : i32 to vector<16xi32>
    %mul3A_338 = arith.muli %add3A_335, %mul3A_337 : vector<16xi32>
    %add3A_339 = arith.addi %mul3A_338, %min3A_316 : vector<16xi32>
    %jit3A_340 = arith.constant 0 : i32
    %broadcast_in_dim3A_341 = vector.broadcast %jit3A_340 : i32 to vector<16xi32>
    %select_n3A_342 = arith.select %and3A_94, %add3A_339, %broadcast_in_dim3A_341 : vector<16xi1>, vector<16xi32>
    %swap3A_343 = arith.constant 80 : index
    %swap3A_344 = tpu.vector_load %arg8[%swap3A_343] {strides = array<i32>} : memref<144xi32, #tpu.memory_space<vmem>>, vector<16xi32>,
    tpu.vector_store %arg8[%swap3A_343], %select_n3A_342 {strides = array<i32>} : memref<144xi32, #tpu.memory_space<vmem>>, vector<16xi32>,
    %mul3A_345 = arith.constant 1.600000e+01 : f32
    %mul3A_346 = vector.broadcast %mul3A_345 : f32 to vector<16xf32>
    %mul3A_347 = arith.mulf %gather3A_25, %mul3A_346 : vector<16xf32>
    %convert_element_type3A_348 = arith.fptosi %mul3A_347 : vector<16xf32> to vector<16xi32>
    %jit3A_349 = arith.constant 0 : i32
    %jit3A_350 = arith.constant 15 : i32
    %max3A_351 = vector.broadcast %jit3A_349 : i32 to vector<16xi32>
    %max3A_352 = arith.maxsi %max3A_351, %convert_element_type3A_348 : vector<16xi32>
    %min3A_353 = vector.broadcast %jit3A_350 : i32 to vector<16xi32>
    %min3A_354 = arith.minsi %min3A_353, %max3A_352 : vector<16xi32>
    %mul3A_355 = arith.constant 1.600000e+01 : f32
    %mul3A_356 = vector.broadcast %mul3A_355 : f32 to vector<16xf32>
    %mul3A_357 = arith.mulf %gather3A_29, %mul3A_356 : vector<16xf32>
    %convert_element_type3A_358 = arith.fptosi %mul3A_357 : vector<16xf32> to vector<16xi32>
    %jit3A_359 = arith.constant 0 : i32
    %jit3A_360 = arith.constant 15 : i32
    %max3A_361 = vector.broadcast %jit3A_359 : i32 to vector<16xi32>
    %max3A_362 = arith.maxsi %max3A_361, %convert_element_type3A_358 : vector<16xi32>
    %min3A_363 = vector.broadcast %jit3A_360 : i32 to vector<16xi32>
    %min3A_364 = arith.minsi %min3A_363, %max3A_362 : vector<16xi32>
    %convert_element_type3A_365 = arith.fptosi %gather3A : vector<16xf32> to vector<16xi32>
    %mul3A_366 = arith.constant 3 : i32
    %mul3A_367 = vector.broadcast %mul3A_366 : i32 to vector<16xi32>
    %mul3A_368 = arith.muli %convert_element_type3A_365, %mul3A_367 : vector<16xi32>
    %add3A_369 = arith.addi %mul3A_368, %div3A_13 : vector<16xi32>
    %mul3A_370 = arith.constant 16 : i32
    %mul3A_371 = vector.broadcast %mul3A_370 : i32 to vector<16xi32>
    %mul3A_372 = arith.muli %add3A_369, %mul3A_371 : vector<16xi32>
    %add3A_373 = arith.addi %mul3A_372, %min3A_364 : vector<16xi32>
    %mul3A_374 = arith.constant 16 : i32
    %mul3A_375 = vector.broadcast %mul3A_374 : i32 to vector<16xi32>
    %mul3A_376 = arith.muli %add3A_373, %mul3A_375 : vector<16xi32>
    %add3A_377 = arith.addi %mul3A_376, %min3A_354 : vector<16xi32>
    %jit3A_378 = arith.constant 0 : i32
    %broadcast_in_dim3A_379 = vector.broadcast %jit3A_378 : i32 to vector<16xi32>
    %select_n3A_380 = arith.select %and3A, %add3A_377, %broadcast_in_dim3A_379 : vector<16xi1>, vector<16xi32>
    %swap3A_381 = arith.constant 96 : index
    %swap3A_382 = tpu.vector_load %arg8[%swap3A_381] {strides = array<i32>} : memref<144xi32, #tpu.memory_space<vmem>>, vector<16xi32>,
    tpu.vector_store %arg8[%swap3A_381], %select_n3A_380 {strides = array<i32>} : memref<144xi32, #tpu.memory_space<vmem>>, vector<16xi32>,
    %mul3A_383 = arith.constant 1.600000e+01 : f32
    %mul3A_384 = vector.broadcast %mul3A_383 : f32 to vector<16xf32>
    %mul3A_385 = arith.mulf %gather3A_68, %mul3A_384 : vector<16xf32>
    %convert_element_type3A_386 = arith.fptosi %mul3A_385 : vector<16xf32> to vector<16xi32>
    %jit3A_387 = arith.constant 0 : i32
    %jit3A_388 = arith.constant 15 : i32
    %max3A_389 = vector.broadcast %jit3A_387 : i32 to vector<16xi32>
    %max3A_390 = arith.maxsi %max3A_389, %convert_element_type3A_386 : vector<16xi32>
    %min3A_391 = vector.broadcast %jit3A_388 : i32 to vector<16xi32>
    %min3A_392 = arith.minsi %min3A_391, %max3A_390 : vector<16xi32>
    %mul3A_393 = arith.constant 1.600000e+01 : f32
    %mul3A_394 = vector.broadcast %mul3A_393 : f32 to vector<16xf32>
    %mul3A_395 = arith.mulf %gather3A_72, %mul3A_394 : vector<16xf32>
    %convert_element_type3A_396 = arith.fptosi %mul3A_395 : vector<16xf32> to vector<16xi32>
    %jit3A_397 = arith.constant 0 : i32
    %jit3A_398 = arith.constant 15 : i32
    %max3A_399 = vector.broadcast %jit3A_397 : i32 to vector<16xi32>
    %max3A_400 = arith.maxsi %max3A_399, %convert_element_type3A_396 : vector<16xi32>
    %min3A_401 = vector.broadcast %jit3A_398 : i32 to vector<16xi32>
    %min3A_402 = arith.minsi %min3A_401, %max3A_400 : vector<16xi32>
    %convert_element_type3A_403 = arith.fptosi %gather3A_64 : vector<16xf32> to vector<16xi32>
    %mul3A_404 = arith.constant 3 : i32
    %mul3A_405 = vector.broadcast %mul3A_404 : i32 to vector<16xi32>
    %mul3A_406 = arith.muli %convert_element_type3A_403, %mul3A_405 : vector<16xi32>
    %add3A_407 = arith.addi %mul3A_406, %div3A_54 : vector<16xi32>
    %mul3A_408 = arith.constant 16 : i32
    %mul3A_409 = vector.broadcast %mul3A_408 : i32 to vector<16xi32>
    %mul3A_410 = arith.muli %add3A_407, %mul3A_409 : vector<16xi32>
    %add3A_411 = arith.addi %mul3A_410, %min3A_402 : vector<16xi32>
    %mul3A_412 = arith.constant 16 : i32
    %mul3A_413 = vector.broadcast %mul3A_412 : i32 to vector<16xi32>
    %mul3A_414 = arith.muli %add3A_411, %mul3A_413 : vector<16xi32>
    %add3A_415 = arith.addi %mul3A_414, %min3A_392 : vector<16xi32>
    %jit3A_416 = arith.constant 0 : i32
    %broadcast_in_dim3A_417 = vector.broadcast %jit3A_416 : i32 to vector<16xi32>
    %select_n3A_418 = arith.select %and3A_51, %add3A_415, %broadcast_in_dim3A_417 : vector<16xi1>, vector<16xi32>
    %swap3A_419 = arith.constant 112 : index
    %swap3A_420 = tpu.vector_load %arg8[%swap3A_419] {strides = array<i32>} : memref<144xi32, #tpu.memory_space<vmem>>, vector<16xi32>,
    tpu.vector_store %arg8[%swap3A_419], %select_n3A_418 {strides = array<i32>} : memref<144xi32, #tpu.memory_space<vmem>>, vector<16xi32>,
    %mul3A_421 = arith.constant 1.600000e+01 : f32
    %mul3A_422 = vector.broadcast %mul3A_421 : f32 to vector<16xf32>
    %mul3A_423 = arith.mulf %gather3A_111, %mul3A_422 : vector<16xf32>
    %convert_element_type3A_424 = arith.fptosi %mul3A_423 : vector<16xf32> to vector<16xi32>
    %jit3A_425 = arith.constant 0 : i32
    %jit3A_426 = arith.constant 15 : i32
    %max3A_427 = vector.broadcast %jit3A_425 : i32 to vector<16xi32>
    %max3A_428 = arith.maxsi %max3A_427, %convert_element_type3A_424 : vector<16xi32>
    %min3A_429 = vector.broadcast %jit3A_426 : i32 to vector<16xi32>
    %min3A_430 = arith.minsi %min3A_429, %max3A_428 : vector<16xi32>
    %mul3A_431 = arith.constant 1.600000e+01 : f32
    %mul3A_432 = vector.broadcast %mul3A_431 : f32 to vector<16xf32>
    %mul3A_433 = arith.mulf %gather3A_115, %mul3A_432 : vector<16xf32>
    %convert_element_type3A_434 = arith.fptosi %mul3A_433 : vector<16xf32> to vector<16xi32>
    %jit3A_435 = arith.constant 0 : i32
    %jit3A_436 = arith.constant 15 : i32
    %max3A_437 = vector.broadcast %jit3A_435 : i32 to vector<16xi32>
    %max3A_438 = arith.maxsi %max3A_437, %convert_element_type3A_434 : vector<16xi32>
    %min3A_439 = vector.broadcast %jit3A_436 : i32 to vector<16xi32>
    %min3A_440 = arith.minsi %min3A_439, %max3A_438 : vector<16xi32>
    %convert_element_type3A_441 = arith.fptosi %gather3A_107 : vector<16xf32> to vector<16xi32>
    %mul3A_442 = arith.constant 3 : i32
    %mul3A_443 = vector.broadcast %mul3A_442 : i32 to vector<16xi32>
    %mul3A_444 = arith.muli %convert_element_type3A_441, %mul3A_443 : vector<16xi32>
    %add3A_445 = arith.addi %mul3A_444, %div3A_97 : vector<16xi32>
    %mul3A_446 = arith.constant 16 : i32
    %mul3A_447 = vector.broadcast %mul3A_446 : i32 to vector<16xi32>
    %mul3A_448 = arith.muli %add3A_445, %mul3A_447 : vector<16xi32>
    %add3A_449 = arith.addi %mul3A_448, %min3A_440 : vector<16xi32>
    %mul3A_450 = arith.constant 16 : i32
    %mul3A_451 = vector.broadcast %mul3A_450 : i32 to vector<16xi32>
    %mul3A_452 = arith.muli %add3A_449, %mul3A_451 : vector<16xi32>
    %add3A_453 = arith.addi %mul3A_452, %min3A_430 : vector<16xi32>
    %jit3A_454 = arith.constant 0 : i32
    %broadcast_in_dim3A_455 = vector.broadcast %jit3A_454 : i32 to vector<16xi32>
    %select_n3A_456 = arith.select %and3A_94, %add3A_453, %broadcast_in_dim3A_455 : vector<16xi1>, vector<16xi32>
    %swap3A_457 = arith.constant 128 : index
    %swap3A_458 = tpu.vector_load %arg8[%swap3A_457] {strides = array<i32>} : memref<144xi32, #tpu.memory_space<vmem>>, vector<16xi32>,
    tpu.vector_store %arg8[%swap3A_457], %select_n3A_456 {strides = array<i32>} : memref<144xi32, #tpu.memory_space<vmem>>, vector<16xi32>,
    %scan3A = arith.constant 0 : i32
    %scan3A_459 = arith.constant 0 : i32
    %scan3A_460 = arith.constant 38 : i32
    %scan3A_461 = arith.addi %scan3A_459, %scan3A_460 : i32
    %scan3A_462 = arith.constant 1 : i32
    scf.for %scan3A_2125 = %scan3A_459 to %scan3A_461 step %scan3A_462  : i32 {
      %broadcast_in_dim3A_2126 = arith.constant 0 : i32
      %broadcast_in_dim3A_2127 = vector.broadcast %broadcast_in_dim3A_2126 : i32 to vector<16xi32>
      %add3A_2128 = vector.broadcast %scan3A_2125 : i32 to vector<16xi32>
      %add3A_2129 = arith.addi %broadcast_in_dim3A_2127, %add3A_2128 : vector<16xi32>
      %gather3A_2130 = tpu.vector_load_idx %arg8[%add3A_2129] : memref<144xi32, #tpu.memory_space<vmem>>[vector<16xi32>], vector<16xi32>,
      %slice3A = vector.extract_strided_slice %gather3A_2130 {offsets = [0], sizes = [1], strides = [1]} : vector<16xi32> to vector<1xi32>
      %squeeze3A = vector.extract %slice3A[0] : i32 from vector<1xi32>
      %dma_start3A = arith.constant 0 : i32
      %dma_start3A_2131 = tpu.memref_slice %arg9[%scan3A_2125, %dma_start3A] : memref<38x85xf32, #tpu.memory_space<vmem>> -> memref<1x85xf32, #tpu.memory_space<vmem>>
      %dma_start3A_2132 = arith.constant 0 : i32
      %dma_start3A_2133 = tpu.memref_slice %arg2[%squeeze3A, %dma_start3A_2132] : memref<196608x85xf32, #tpu.memory_space<hbm>> -> memref<1x85xf32, #tpu.memory_space<hbm>>
      %dma_start3A_2134 = arith.constant 0 : i32
      %dma_start3A_2135 = tpu.memref_slice %arg9[%scan3A_2125, %dma_start3A_2134] : memref<38x85xf32, #tpu.memory_space<vmem>> -> memref<1x85xf32, #tpu.memory_space<vmem>>
      %dma_start3A_2136 = arith.constant 0 : i32
      %dma_start3A_2137 = tpu.memref_slice %arg2[%squeeze3A, %dma_start3A_2136] : memref<196608x85xf32, #tpu.memory_space<hbm>> -> memref<1x85xf32, #tpu.memory_space<hbm>>
      tpu.enqueue_dma source(%dma_start3A_2137 : memref<1x85xf32, #tpu.memory_space<hbm>>) target(%dma_start3A_2135 : memref<1x85xf32, #tpu.memory_space<vmem>>) target_semaphore(%arg14 : memref<!tpu.dma_semaphore, #tpu.memory_space<semaphore_mem>>)
    }
    %scan3A_463 = arith.constant 38 : i32
    %scan3A_464 = arith.constant 0 : i32
    %scan3A_465 = arith.constant 0 : i32
    %scan3A_466 = arith.constant 38 : i32
    %scan3A_467 = arith.addi %scan3A_465, %scan3A_466 : i32
    %scan3A_468 = arith.constant 1 : i32
    scf.for %scan3A_2125 = %scan3A_465 to %scan3A_467 step %scan3A_468  : i32 {
      %broadcast_in_dim3A_2126 = arith.constant 48 : i32
      %broadcast_in_dim3A_2127 = vector.broadcast %broadcast_in_dim3A_2126 : i32 to vector<16xi32>
      %add3A_2128 = vector.broadcast %scan3A_2125 : i32 to vector<16xi32>
      %add3A_2129 = arith.addi %broadcast_in_dim3A_2127, %add3A_2128 : vector<16xi32>
      %gather3A_2130 = tpu.vector_load_idx %arg8[%add3A_2129] : memref<144xi32, #tpu.memory_space<vmem>>[vector<16xi32>], vector<16xi32>,
      %slice3A = vector.extract_strided_slice %gather3A_2130 {offsets = [0], sizes = [1], strides = [1]} : vector<16xi32> to vector<1xi32>
      %squeeze3A = vector.extract %slice3A[0] : i32 from vector<1xi32>
      %dma_start3A = arith.constant 0 : i32
      %dma_start3A_2131 = tpu.memref_slice %arg10[%scan3A_2125, %dma_start3A] : memref<38x85xf32, #tpu.memory_space<vmem>> -> memref<1x85xf32, #tpu.memory_space<vmem>>
      %dma_start3A_2132 = arith.constant 0 : i32
      %dma_start3A_2133 = tpu.memref_slice %arg3[%squeeze3A, %dma_start3A_2132] : memref<49152x85xf32, #tpu.memory_space<hbm>> -> memref<1x85xf32, #tpu.memory_space<hbm>>
      %dma_start3A_2134 = arith.constant 0 : i32
      %dma_start3A_2135 = tpu.memref_slice %arg10[%scan3A_2125, %dma_start3A_2134] : memref<38x85xf32, #tpu.memory_space<vmem>> -> memref<1x85xf32, #tpu.memory_space<vmem>>
      %dma_start3A_2136 = arith.constant 0 : i32
      %dma_start3A_2137 = tpu.memref_slice %arg3[%squeeze3A, %dma_start3A_2136] : memref<49152x85xf32, #tpu.memory_space<hbm>> -> memref<1x85xf32, #tpu.memory_space<hbm>>
      tpu.enqueue_dma source(%dma_start3A_2137 : memref<1x85xf32, #tpu.memory_space<hbm>>) target(%dma_start3A_2135 : memref<1x85xf32, #tpu.memory_space<vmem>>) target_semaphore(%arg15 : memref<!tpu.dma_semaphore, #tpu.memory_space<semaphore_mem>>)
    }
    %scan3A_469 = arith.constant 38 : i32
    %scan3A_470 = arith.constant 0 : i32
    %scan3A_471 = arith.constant 0 : i32
    %scan3A_472 = arith.constant 38 : i32
    %scan3A_473 = arith.addi %scan3A_471, %scan3A_472 : i32
    %scan3A_474 = arith.constant 1 : i32
    scf.for %scan3A_2125 = %scan3A_471 to %scan3A_473 step %scan3A_474  : i32 {
      %broadcast_in_dim3A_2126 = arith.constant 96 : i32
      %broadcast_in_dim3A_2127 = vector.broadcast %broadcast_in_dim3A_2126 : i32 to vector<16xi32>
      %add3A_2128 = vector.broadcast %scan3A_2125 : i32 to vector<16xi32>
      %add3A_2129 = arith.addi %broadcast_in_dim3A_2127, %add3A_2128 : vector<16xi32>
      %gather3A_2130 = tpu.vector_load_idx %arg8[%add3A_2129] : memref<144xi32, #tpu.memory_space<vmem>>[vector<16xi32>], vector<16xi32>,
      %slice3A = vector.extract_strided_slice %gather3A_2130 {offsets = [0], sizes = [1], strides = [1]} : vector<16xi32> to vector<1xi32>
      %squeeze3A = vector.extract %slice3A[0] : i32 from vector<1xi32>
      %dma_start3A = arith.constant 0 : i32
      %dma_start3A_2131 = tpu.memref_slice %arg11[%scan3A_2125, %dma_start3A] : memref<38x85xf32, #tpu.memory_space<vmem>> -> memref<1x85xf32, #tpu.memory_space<vmem>>
      %dma_start3A_2132 = arith.constant 0 : i32
      %dma_start3A_2133 = tpu.memref_slice %arg4[%squeeze3A, %dma_start3A_2132] : memref<12288x85xf32, #tpu.memory_space<hbm>> -> memref<1x85xf32, #tpu.memory_space<hbm>>
      %dma_start3A_2134 = arith.constant 0 : i32
      %dma_start3A_2135 = tpu.memref_slice %arg11[%scan3A_2125, %dma_start3A_2134] : memref<38x85xf32, #tpu.memory_space<vmem>> -> memref<1x85xf32, #tpu.memory_space<vmem>>
      %dma_start3A_2136 = arith.constant 0 : i32
      %dma_start3A_2137 = tpu.memref_slice %arg4[%squeeze3A, %dma_start3A_2136] : memref<12288x85xf32, #tpu.memory_space<hbm>> -> memref<1x85xf32, #tpu.memory_space<hbm>>
      tpu.enqueue_dma source(%dma_start3A_2137 : memref<1x85xf32, #tpu.memory_space<hbm>>) target(%dma_start3A_2135 : memref<1x85xf32, #tpu.memory_space<vmem>>) target_semaphore(%arg16 : memref<!tpu.dma_semaphore, #tpu.memory_space<semaphore_mem>>)
    }
    %scan3A_475 = arith.constant 38 : i32
    %dma_wait3A = arith.constant 0 : i32
    %dma_wait3A_476 = arith.constant 0 : i32
    %dma_wait3A_477 = tpu.memref_slice %arg9[%dma_wait3A, %dma_wait3A_476] : memref<38x85xf32, #tpu.memory_space<vmem>> -> memref<32x85xf32, #tpu.memory_space<vmem>>
    %dma_wait3A_478 = arith.constant 0 : i32
    %dma_wait3A_479 = arith.constant 0 : i32
    %dma_wait3A_480 = tpu.memref_slice %arg2[%dma_wait3A_478, %dma_wait3A_479] : memref<196608x85xf32, #tpu.memory_space<hbm>> -> memref<32x85xf32, #tpu.memory_space<hbm>>
    %dma_wait3A_481 = arith.constant 0 : i32
    %dma_wait3A_482 = arith.constant 0 : i32
    %dma_wait3A_483 = tpu.memref_slice %arg9[%dma_wait3A_481, %dma_wait3A_482] : memref<38x85xf32, #tpu.memory_space<vmem>> -> memref<32x85xf32, #tpu.memory_space<vmem>>
    %dma_wait3A_484 = arith.constant 0 : i32
    %dma_wait3A_485 = arith.constant 0 : i32
    %dma_wait3A_486 = tpu.memref_slice %arg2[%dma_wait3A_484, %dma_wait3A_485] : memref<196608x85xf32, #tpu.memory_space<hbm>> -> memref<32x85xf32, #tpu.memory_space<hbm>>
    tpu.wait_dma2 semaphore(%arg14 : memref<!tpu.dma_semaphore, #tpu.memory_space<semaphore_mem>>) src(%dma_wait3A_486 : memref<32x85xf32, #tpu.memory_space<hbm>>) dst(%dma_wait3A_483 : memref<32x85xf32, #tpu.memory_space<vmem>>)
    %dma_wait3A_487 = arith.constant 32 : i32
    %dma_wait3A_488 = arith.constant 0 : i32
    %dma_wait3A_489 = tpu.memref_slice %arg9[%dma_wait3A_487, %dma_wait3A_488] : memref<38x85xf32, #tpu.memory_space<vmem>> -> memref<1x85xf32, #tpu.memory_space<vmem>>
    %dma_wait3A_490 = arith.constant 0 : i32
    %dma_wait3A_491 = arith.constant 0 : i32
    %dma_wait3A_492 = tpu.memref_slice %arg2[%dma_wait3A_490, %dma_wait3A_491] : memref<196608x85xf32, #tpu.memory_space<hbm>> -> memref<1x85xf32, #tpu.memory_space<hbm>>
    %dma_wait3A_493 = arith.constant 32 : i32
    %dma_wait3A_494 = arith.constant 0 : i32
    %dma_wait3A_495 = tpu.memref_slice %arg9[%dma_wait3A_493, %dma_wait3A_494] : memref<38x85xf32, #tpu.memory_space<vmem>> -> memref<1x85xf32, #tpu.memory_space<vmem>>
    %dma_wait3A_496 = arith.constant 0 : i32
    %dma_wait3A_497 = arith.constant 0 : i32
    %dma_wait3A_498 = tpu.memref_slice %arg2[%dma_wait3A_496, %dma_wait3A_497] : memref<196608x85xf32, #tpu.memory_space<hbm>> -> memref<1x85xf32, #tpu.memory_space<hbm>>
    tpu.wait_dma2 semaphore(%arg14 : memref<!tpu.dma_semaphore, #tpu.memory_space<semaphore_mem>>) src(%dma_wait3A_498 : memref<1x85xf32, #tpu.memory_space<hbm>>) dst(%dma_wait3A_495 : memref<1x85xf32, #tpu.memory_space<vmem>>)
    %dma_wait3A_499 = arith.constant 33 : i32
    %dma_wait3A_500 = arith.constant 0 : i32
    %dma_wait3A_501 = tpu.memref_slice %arg9[%dma_wait3A_499, %dma_wait3A_500] : memref<38x85xf32, #tpu.memory_space<vmem>> -> memref<1x85xf32, #tpu.memory_space<vmem>>
    %dma_wait3A_502 = arith.constant 0 : i32
    %dma_wait3A_503 = arith.constant 0 : i32
    %dma_wait3A_504 = tpu.memref_slice %arg2[%dma_wait3A_502, %dma_wait3A_503] : memref<196608x85xf32, #tpu.memory_space<hbm>> -> memref<1x85xf32, #tpu.memory_space<hbm>>
    %dma_wait3A_505 = arith.constant 33 : i32
    %dma_wait3A_506 = arith.constant 0 : i32
    %dma_wait3A_507 = tpu.memref_slice %arg9[%dma_wait3A_505, %dma_wait3A_506] : memref<38x85xf32, #tpu.memory_space<vmem>> -> memref<1x85xf32, #tpu.memory_space<vmem>>
    %dma_wait3A_508 = arith.constant 0 : i32
    %dma_wait3A_509 = arith.constant 0 : i32
    %dma_wait3A_510 = tpu.memref_slice %arg2[%dma_wait3A_508, %dma_wait3A_509] : memref<196608x85xf32, #tpu.memory_space<hbm>> -> memref<1x85xf32, #tpu.memory_space<hbm>>
    tpu.wait_dma2 semaphore(%arg14 : memref<!tpu.dma_semaphore, #tpu.memory_space<semaphore_mem>>) src(%dma_wait3A_510 : memref<1x85xf32, #tpu.memory_space<hbm>>) dst(%dma_wait3A_507 : memref<1x85xf32, #tpu.memory_space<vmem>>)
    %dma_wait3A_511 = arith.constant 34 : i32
    %dma_wait3A_512 = arith.constant 0 : i32
    %dma_wait3A_513 = tpu.memref_slice %arg9[%dma_wait3A_511, %dma_wait3A_512] : memref<38x85xf32, #tpu.memory_space<vmem>> -> memref<1x85xf32, #tpu.memory_space<vmem>>
    %dma_wait3A_514 = arith.constant 0 : i32
    %dma_wait3A_515 = arith.constant 0 : i32
    %dma_wait3A_516 = tpu.memref_slice %arg2[%dma_wait3A_514, %dma_wait3A_515] : memref<196608x85xf32, #tpu.memory_space<hbm>> -> memref<1x85xf32, #tpu.memory_space<hbm>>
    %dma_wait3A_517 = arith.constant 34 : i32
    %dma_wait3A_518 = arith.constant 0 : i32
    %dma_wait3A_519 = tpu.memref_slice %arg9[%dma_wait3A_517, %dma_wait3A_518] : memref<38x85xf32, #tpu.memory_space<vmem>> -> memref<1x85xf32, #tpu.memory_space<vmem>>
    %dma_wait3A_520 = arith.constant 0 : i32
    %dma_wait3A_521 = arith.constant 0 : i32
    %dma_wait3A_522 = tpu.memref_slice %arg2[%dma_wait3A_520, %dma_wait3A_521] : memref<196608x85xf32, #tpu.memory_space<hbm>> -> memref<1x85xf32, #tpu.memory_space<hbm>>
    tpu.wait_dma2 semaphore(%arg14 : memref<!tpu.dma_semaphore, #tpu.memory_space<semaphore_mem>>) src(%dma_wait3A_522 : memref<1x85xf32, #tpu.memory_space<hbm>>) dst(%dma_wait3A_519 : memref<1x85xf32, #tpu.memory_space<vmem>>)
    %dma_wait3A_523 = arith.constant 35 : i32
    %dma_wait3A_524 = arith.constant 0 : i32
    %dma_wait3A_525 = tpu.memref_slice %arg9[%dma_wait3A_523, %dma_wait3A_524] : memref<38x85xf32, #tpu.memory_space<vmem>> -> memref<1x85xf32, #tpu.memory_space<vmem>>
    %dma_wait3A_526 = arith.constant 0 : i32
    %dma_wait3A_527 = arith.constant 0 : i32
    %dma_wait3A_528 = tpu.memref_slice %arg2[%dma_wait3A_526, %dma_wait3A_527] : memref<196608x85xf32, #tpu.memory_space<hbm>> -> memref<1x85xf32, #tpu.memory_space<hbm>>
    %dma_wait3A_529 = arith.constant 35 : i32
    %dma_wait3A_530 = arith.constant 0 : i32
    %dma_wait3A_531 = tpu.memref_slice %arg9[%dma_wait3A_529, %dma_wait3A_530] : memref<38x85xf32, #tpu.memory_space<vmem>> -> memref<1x85xf32, #tpu.memory_space<vmem>>
    %dma_wait3A_532 = arith.constant 0 : i32
    %dma_wait3A_533 = arith.constant 0 : i32
    %dma_wait3A_534 = tpu.memref_slice %arg2[%dma_wait3A_532, %dma_wait3A_533] : memref<196608x85xf32, #tpu.memory_space<hbm>> -> memref<1x85xf32, #tpu.memory_space<hbm>>
    tpu.wait_dma2 semaphore(%arg14 : memref<!tpu.dma_semaphore, #tpu.memory_space<semaphore_mem>>) src(%dma_wait3A_534 : memref<1x85xf32, #tpu.memory_space<hbm>>) dst(%dma_wait3A_531 : memref<1x85xf32, #tpu.memory_space<vmem>>)
    %dma_wait3A_535 = arith.constant 36 : i32
    %dma_wait3A_536 = arith.constant 0 : i32
    %dma_wait3A_537 = tpu.memref_slice %arg9[%dma_wait3A_535, %dma_wait3A_536] : memref<38x85xf32, #tpu.memory_space<vmem>> -> memref<1x85xf32, #tpu.memory_space<vmem>>
    %dma_wait3A_538 = arith.constant 0 : i32
    %dma_wait3A_539 = arith.constant 0 : i32
    %dma_wait3A_540 = tpu.memref_slice %arg2[%dma_wait3A_538, %dma_wait3A_539] : memref<196608x85xf32, #tpu.memory_space<hbm>> -> memref<1x85xf32, #tpu.memory_space<hbm>>
    %dma_wait3A_541 = arith.constant 36 : i32
    %dma_wait3A_542 = arith.constant 0 : i32
    %dma_wait3A_543 = tpu.memref_slice %arg9[%dma_wait3A_541, %dma_wait3A_542] : memref<38x85xf32, #tpu.memory_space<vmem>> -> memref<1x85xf32, #tpu.memory_space<vmem>>
    %dma_wait3A_544 = arith.constant 0 : i32
    %dma_wait3A_545 = arith.constant 0 : i32
    %dma_wait3A_546 = tpu.memref_slice %arg2[%dma_wait3A_544, %dma_wait3A_545] : memref<196608x85xf32, #tpu.memory_space<hbm>> -> memref<1x85xf32, #tpu.memory_space<hbm>>
    tpu.wait_dma2 semaphore(%arg14 : memref<!tpu.dma_semaphore, #tpu.memory_space<semaphore_mem>>) src(%dma_wait3A_546 : memref<1x85xf32, #tpu.memory_space<hbm>>) dst(%dma_wait3A_543 : memref<1x85xf32, #tpu.memory_space<vmem>>)
    %dma_wait3A_547 = arith.constant 37 : i32
    %dma_wait3A_548 = arith.constant 0 : i32
    %dma_wait3A_549 = tpu.memref_slice %arg9[%dma_wait3A_547, %dma_wait3A_548] : memref<38x85xf32, #tpu.memory_space<vmem>> -> memref<1x85xf32, #tpu.memory_space<vmem>>
    %dma_wait3A_550 = arith.constant 0 : i32
    %dma_wait3A_551 = arith.constant 0 : i32
    %dma_wait3A_552 = tpu.memref_slice %arg2[%dma_wait3A_550, %dma_wait3A_551] : memref<196608x85xf32, #tpu.memory_space<hbm>> -> memref<1x85xf32, #tpu.memory_space<hbm>>
    %dma_wait3A_553 = arith.constant 37 : i32
    %dma_wait3A_554 = arith.constant 0 : i32
    %dma_wait3A_555 = tpu.memref_slice %arg9[%dma_wait3A_553, %dma_wait3A_554] : memref<38x85xf32, #tpu.memory_space<vmem>> -> memref<1x85xf32, #tpu.memory_space<vmem>>
    %dma_wait3A_556 = arith.constant 0 : i32
    %dma_wait3A_557 = arith.constant 0 : i32
    %dma_wait3A_558 = tpu.memref_slice %arg2[%dma_wait3A_556, %dma_wait3A_557] : memref<196608x85xf32, #tpu.memory_space<hbm>> -> memref<1x85xf32, #tpu.memory_space<hbm>>
    tpu.wait_dma2 semaphore(%arg14 : memref<!tpu.dma_semaphore, #tpu.memory_space<semaphore_mem>>) src(%dma_wait3A_558 : memref<1x85xf32, #tpu.memory_space<hbm>>) dst(%dma_wait3A_555 : memref<1x85xf32, #tpu.memory_space<vmem>>)
    %broadcast_in_dim3A_559 = arith.constant 0.000000e+00 : f32
    %broadcast_in_dim3A_560 = vector.broadcast %broadcast_in_dim3A_559 : f32 to vector<16xf32>
    %broadcast_in_dim3A_561 = arith.constant 0.000000e+00 : f32
    %broadcast_in_dim3A_562 = vector.broadcast %broadcast_in_dim3A_561 : f32 to vector<16xf32>
    %mul3A_563 = arith.constant 6.400000e+01 : f32
    %mul3A_564 = vector.broadcast %mul3A_563 : f32 to vector<16xf32>
    %mul3A_565 = arith.mulf %gather3A_25, %mul3A_564 : vector<16xf32>
    %mul3A_566 = arith.constant 6.400000e+01 : f32
    %mul3A_567 = vector.broadcast %mul3A_566 : f32 to vector<16xf32>
    %mul3A_568 = arith.mulf %gather3A_29, %mul3A_567 : vector<16xf32>
    %mul3A_569 = arith.constant 6.400000e+01 : f32
    %mul3A_570 = vector.broadcast %mul3A_569 : f32 to vector<16xf32>
    %mul3A_571 = arith.mulf %gather3A_33, %mul3A_570 : vector<16xf32>
    %mul3A_572 = arith.constant 6.400000e+01 : f32
    %mul3A_573 = vector.broadcast %mul3A_572 : f32 to vector<16xf32>
    %mul3A_574 = arith.mulf %gather3A_37, %mul3A_573 : vector<16xf32>
    %convert_element_type3A_575 = arith.fptosi %mul3A_565 : vector<16xf32> to vector<16xi32>
    %convert_element_type3A_576 = arith.sitofp %convert_element_type3A_575 : vector<16xi32> to vector<16xf32>
    %sub3A = arith.subf %mul3A_565, %convert_element_type3A_576 : vector<16xf32>
    %convert_element_type3A_577 = arith.fptosi %mul3A_568 : vector<16xf32> to vector<16xi32>
    %convert_element_type3A_578 = arith.sitofp %convert_element_type3A_577 : vector<16xi32> to vector<16xf32>
    %sub3A_579 = arith.subf %mul3A_568, %convert_element_type3A_578 : vector<16xf32>
    %min3A_580 = arith.constant 2 : i32
    %min3A_581 = vector.broadcast %min3A_580 : i32 to vector<16xi32>
    %min3A_582 = arith.minsi %div3A_13, %min3A_581 : vector<16xi32>
    %mul3A_583 = arith.constant 2 : i32
    %mul3A_584 = vector.broadcast %mul3A_583 : i32 to vector<16xi32>
    %mul3A_585 = arith.muli %min3A_582, %mul3A_584 : vector<16xi32>
    %add3A_586 = arith.constant 1200 : i32
    %add3A_587 = vector.broadcast %add3A_586 : i32 to vector<16xi32>
    %add3A_588 = arith.addi %add3A_587, %mul3A_585 : vector<16xi32>
    %gather3A_589 = tpu.vector_load_idx %arg7[%add3A_588] : memref<1224xf32, #tpu.memory_space<vmem>>[vector<16xi32>], vector<16xf32>,
    %add3A_590 = arith.constant 1 : i32
    %add3A_591 = vector.broadcast %add3A_590 : i32 to vector<16xi32>
    %add3A_592 = arith.addi %add3A_588, %add3A_591 : vector<16xi32>
    %gather3A_593 = tpu.vector_load_idx %arg7[%add3A_592] : memref<1224xf32, #tpu.memory_space<vmem>>[vector<16xi32>], vector<16xf32>,
    %div3A_594 = arith.divf %mul3A_571, %gather3A_589 : vector<16xf32>
    %div3A_595 = arith.divf %mul3A_574, %gather3A_593 : vector<16xf32>
    %div3A_596 = arith.constant 1.000000e+00 : f32
    %div3A_597 = vector.broadcast %div3A_596 : f32 to vector<16xf32>
    %div3A_598 = arith.divf %div3A_597, %div3A_594 : vector<16xf32>
    %max3A_599 = arith.maximumf %div3A_594, %div3A_598 : vector<16xf32>
    %div3A_600 = arith.constant 1.000000e+00 : f32
    %div3A_601 = vector.broadcast %div3A_600 : f32 to vector<16xf32>
    %div3A_602 = arith.divf %div3A_601, %div3A_595 : vector<16xf32>
    %max3A_603 = arith.maximumf %div3A_595, %div3A_602 : vector<16xf32>
    %max3A_604 = arith.maximumf %max3A_599, %max3A_603 : vector<16xf32>
    %lt3A_605 = arith.constant 4.000000e+00 : f32
    %lt3A_606 = vector.broadcast %lt3A_605 : f32 to vector<16xf32>
    %lt3A_607 = arith.cmpf olt, %max3A_604, %lt3A_606 : vector<16xf32>
    %and3A_608 = arith.andi %and3A, %lt3A_607 : vector<16xi1>
    %jit3A_609 = arith.constant 1.000000e+00 : f32
    %jit3A_610 = arith.constant 0.000000e+00 : f32
    %broadcast_in_dim3A_611 = vector.broadcast %jit3A_609 : f32 to vector<16xf32>
    %broadcast_in_dim3A_612 = vector.broadcast %jit3A_610 : f32 to vector<16xf32>
    %select_n3A_613 = arith.select %and3A_608, %broadcast_in_dim3A_611, %broadcast_in_dim3A_612 : vector<16xi1>, vector<16xf32>
    %add3A_614 = arith.constant 0 : i32
    %add3A_615 = vector.broadcast %add3A_614 : i32 to vector<16xi32>
    %add3A_616 = arith.addi %add3A_615, %iota3A : vector<16xi32>
    %min3A_617 = arith.constant 37 : i32
    %min3A_618 = vector.broadcast %min3A_617 : i32 to vector<16xi32>
    %min3A_619 = arith.minsi %add3A_616, %min3A_618 : vector<16xi32>
    %broadcast_in_dim3A_620 = arith.constant 0 : i32
    %broadcast_in_dim3A_621 = vector.broadcast %broadcast_in_dim3A_620 : i32 to vector<16xi32>
    %gather3A_622 = tpu.vector_load_idx %arg9[%min3A_619, %broadcast_in_dim3A_621] : memref<38x85xf32, #tpu.memory_space<vmem>>[vector<16xi32>, vector<16xi32>], vector<16xf32>,
    %broadcast_in_dim3A_623 = arith.constant 1 : i32
    %broadcast_in_dim3A_624 = vector.broadcast %broadcast_in_dim3A_623 : i32 to vector<16xi32>
    %gather3A_625 = tpu.vector_load_idx %arg9[%min3A_619, %broadcast_in_dim3A_624] : memref<38x85xf32, #tpu.memory_space<vmem>>[vector<16xi32>, vector<16xi32>], vector<16xf32>,
    %broadcast_in_dim3A_626 = arith.constant 2 : i32
    %broadcast_in_dim3A_627 = vector.broadcast %broadcast_in_dim3A_626 : i32 to vector<16xi32>
    %gather3A_628 = tpu.vector_load_idx %arg9[%min3A_619, %broadcast_in_dim3A_627] : memref<38x85xf32, #tpu.memory_space<vmem>>[vector<16xi32>, vector<16xi32>], vector<16xf32>,
    %broadcast_in_dim3A_629 = arith.constant 3 : i32
    %broadcast_in_dim3A_630 = vector.broadcast %broadcast_in_dim3A_629 : i32 to vector<16xi32>
    %gather3A_631 = tpu.vector_load_idx %arg9[%min3A_619, %broadcast_in_dim3A_630] : memref<38x85xf32, #tpu.memory_space<vmem>>[vector<16xi32>, vector<16xi32>], vector<16xf32>,
    %neg3A = arith.constant 0.000000e+00 : f32
    %neg3A_632 = vector.broadcast %neg3A : f32 to vector<16xf32>
    %neg3A_633 = arith.subf %neg3A_632, %gather3A_622 : vector<16xf32>
    %exp3A = math.exp %neg3A_633 : vector<16xf32>
    %add3A_634 = arith.constant 1.000000e+00 : f32
    %add3A_635 = vector.broadcast %add3A_634 : f32 to vector<16xf32>
    %add3A_636 = arith.addf %add3A_635, %exp3A : vector<16xf32>
    %div3A_637 = arith.constant 1.000000e+00 : f32
    %div3A_638 = vector.broadcast %div3A_637 : f32 to vector<16xf32>
    %div3A_639 = arith.divf %div3A_638, %add3A_636 : vector<16xf32>
    %neg3A_640 = arith.constant 0.000000e+00 : f32
    %neg3A_641 = vector.broadcast %neg3A_640 : f32 to vector<16xf32>
    %neg3A_642 = arith.subf %neg3A_641, %gather3A_625 : vector<16xf32>
    %exp3A_643 = math.exp %neg3A_642 : vector<16xf32>
    %add3A_644 = arith.constant 1.000000e+00 : f32
    %add3A_645 = vector.broadcast %add3A_644 : f32 to vector<16xf32>
    %add3A_646 = arith.addf %add3A_645, %exp3A_643 : vector<16xf32>
    %div3A_647 = arith.constant 1.000000e+00 : f32
    %div3A_648 = vector.broadcast %div3A_647 : f32 to vector<16xf32>
    %div3A_649 = arith.divf %div3A_648, %add3A_646 : vector<16xf32>
    %exp3A_650 = math.exp %gather3A_628 : vector<16xf32>
    %mul3A_651 = arith.mulf %exp3A_650, %gather3A_589 : vector<16xf32>
    %exp3A_652 = math.exp %gather3A_631 : vector<16xf32>
    %mul3A_653 = arith.mulf %exp3A_652, %gather3A_593 : vector<16xf32>
    %mul3A_654 = arith.constant 5.000000e-01 : f32
    %mul3A_655 = vector.broadcast %mul3A_654 : f32 to vector<16xf32>
    %mul3A_656 = arith.mulf %mul3A_651, %mul3A_655 : vector<16xf32>
    %add3A_657 = arith.addf %div3A_639, %mul3A_656 : vector<16xf32>
    %mul3A_658 = arith.constant 5.000000e-01 : f32
    %mul3A_659 = vector.broadcast %mul3A_658 : f32 to vector<16xf32>
    %mul3A_660 = arith.mulf %mul3A_571, %mul3A_659 : vector<16xf32>
    %add3A_661 = arith.addf %sub3A, %mul3A_660 : vector<16xf32>
    %min3A_662 = arith.minimumf %add3A_657, %add3A_661 : vector<16xf32>
    %mul3A_663 = arith.constant 5.000000e-01 : f32
    %mul3A_664 = vector.broadcast %mul3A_663 : f32 to vector<16xf32>
    %mul3A_665 = arith.mulf %mul3A_651, %mul3A_664 : vector<16xf32>
    %sub3A_666 = arith.subf %div3A_639, %mul3A_665 : vector<16xf32>
    %mul3A_667 = arith.constant 5.000000e-01 : f32
    %mul3A_668 = vector.broadcast %mul3A_667 : f32 to vector<16xf32>
    %mul3A_669 = arith.mulf %mul3A_571, %mul3A_668 : vector<16xf32>
    %sub3A_670 = arith.subf %sub3A, %mul3A_669 : vector<16xf32>
    %max3A_671 = arith.maximumf %sub3A_666, %sub3A_670 : vector<16xf32>
    %sub3A_672 = arith.subf %min3A_662, %max3A_671 : vector<16xf32>
    %max3A_673 = arith.constant 0.000000e+00 : f32
    %max3A_674 = vector.broadcast %max3A_673 : f32 to vector<16xf32>
    %max3A_675 = arith.maximumf %sub3A_672, %max3A_674 : vector<16xf32>
    %mul3A_676 = arith.constant 5.000000e-01 : f32
    %mul3A_677 = vector.broadcast %mul3A_676 : f32 to vector<16xf32>
    %mul3A_678 = arith.mulf %mul3A_653, %mul3A_677 : vector<16xf32>
    %add3A_679 = arith.addf %div3A_649, %mul3A_678 : vector<16xf32>
    %mul3A_680 = arith.constant 5.000000e-01 : f32
    %mul3A_681 = vector.broadcast %mul3A_680 : f32 to vector<16xf32>
    %mul3A_682 = arith.mulf %mul3A_574, %mul3A_681 : vector<16xf32>
    %add3A_683 = arith.addf %sub3A_579, %mul3A_682 : vector<16xf32>
    %min3A_684 = arith.minimumf %add3A_679, %add3A_683 : vector<16xf32>
    %mul3A_685 = arith.constant 5.000000e-01 : f32
    %mul3A_686 = vector.broadcast %mul3A_685 : f32 to vector<16xf32>
    %mul3A_687 = arith.mulf %mul3A_653, %mul3A_686 : vector<16xf32>
    %sub3A_688 = arith.subf %div3A_649, %mul3A_687 : vector<16xf32>
    %mul3A_689 = arith.constant 5.000000e-01 : f32
    %mul3A_690 = vector.broadcast %mul3A_689 : f32 to vector<16xf32>
    %mul3A_691 = arith.mulf %mul3A_574, %mul3A_690 : vector<16xf32>
    %sub3A_692 = arith.subf %sub3A_579, %mul3A_691 : vector<16xf32>
    %max3A_693 = arith.maximumf %sub3A_688, %sub3A_692 : vector<16xf32>
    %sub3A_694 = arith.subf %min3A_684, %max3A_693 : vector<16xf32>
    %max3A_695 = arith.constant 0.000000e+00 : f32
    %max3A_696 = vector.broadcast %max3A_695 : f32 to vector<16xf32>
    %max3A_697 = arith.maximumf %sub3A_694, %max3A_696 : vector<16xf32>
    %mul3A_698 = arith.mulf %max3A_675, %max3A_697 : vector<16xf32>
    %mul3A_699 = arith.mulf %mul3A_651, %mul3A_653 : vector<16xf32>
    %mul3A_700 = arith.mulf %mul3A_571, %mul3A_574 : vector<16xf32>
    %add3A_701 = arith.addf %mul3A_699, %mul3A_700 : vector<16xf32>
    %sub3A_702 = arith.subf %add3A_701, %mul3A_698 : vector<16xf32>
    %add3A_703 = arith.constant 1.000000e-07 : f32
    %add3A_704 = vector.broadcast %add3A_703 : f32 to vector<16xf32>
    %add3A_705 = arith.addf %sub3A_702, %add3A_704 : vector<16xf32>
    %div3A_706 = arith.divf %mul3A_698, %add3A_705 : vector<16xf32>
    %sub3A_707 = arith.constant 1.000000e+00 : f32
    %sub3A_708 = vector.broadcast %sub3A_707 : f32 to vector<16xf32>
    %sub3A_709 = arith.subf %sub3A_708, %div3A_706 : vector<16xf32>
    %mul3A_710 = arith.mulf %sub3A_709, %select_n3A_613 : vector<16xf32>
    %add3A_711 = arith.addf %broadcast_in_dim3A_560, %mul3A_710 : vector<16xf32>
    %add3A_712 = arith.addf %broadcast_in_dim3A_562, %select_n3A_613 : vector<16xf32>
    %mul3A_713 = arith.constant 6.400000e+01 : f32
    %mul3A_714 = vector.broadcast %mul3A_713 : f32 to vector<16xf32>
    %mul3A_715 = arith.mulf %gather3A_68, %mul3A_714 : vector<16xf32>
    %mul3A_716 = arith.constant 6.400000e+01 : f32
    %mul3A_717 = vector.broadcast %mul3A_716 : f32 to vector<16xf32>
    %mul3A_718 = arith.mulf %gather3A_72, %mul3A_717 : vector<16xf32>
    %mul3A_719 = arith.constant 6.400000e+01 : f32
    %mul3A_720 = vector.broadcast %mul3A_719 : f32 to vector<16xf32>
    %mul3A_721 = arith.mulf %gather3A_76, %mul3A_720 : vector<16xf32>
    %mul3A_722 = arith.constant 6.400000e+01 : f32
    %mul3A_723 = vector.broadcast %mul3A_722 : f32 to vector<16xf32>
    %mul3A_724 = arith.mulf %gather3A_80, %mul3A_723 : vector<16xf32>
    %convert_element_type3A_725 = arith.fptosi %mul3A_715 : vector<16xf32> to vector<16xi32>
    %convert_element_type3A_726 = arith.sitofp %convert_element_type3A_725 : vector<16xi32> to vector<16xf32>
    %sub3A_727 = arith.subf %mul3A_715, %convert_element_type3A_726 : vector<16xf32>
    %convert_element_type3A_728 = arith.fptosi %mul3A_718 : vector<16xf32> to vector<16xi32>
    %convert_element_type3A_729 = arith.sitofp %convert_element_type3A_728 : vector<16xi32> to vector<16xf32>
    %sub3A_730 = arith.subf %mul3A_718, %convert_element_type3A_729 : vector<16xf32>
    %min3A_731 = arith.constant 2 : i32
    %min3A_732 = vector.broadcast %min3A_731 : i32 to vector<16xi32>
    %min3A_733 = arith.minsi %div3A_54, %min3A_732 : vector<16xi32>
    %mul3A_734 = arith.constant 2 : i32
    %mul3A_735 = vector.broadcast %mul3A_734 : i32 to vector<16xi32>
    %mul3A_736 = arith.muli %min3A_733, %mul3A_735 : vector<16xi32>
    %add3A_737 = arith.constant 1200 : i32
    %add3A_738 = vector.broadcast %add3A_737 : i32 to vector<16xi32>
    %add3A_739 = arith.addi %add3A_738, %mul3A_736 : vector<16xi32>
    %gather3A_740 = tpu.vector_load_idx %arg7[%add3A_739] : memref<1224xf32, #tpu.memory_space<vmem>>[vector<16xi32>], vector<16xf32>,
    %add3A_741 = arith.constant 1 : i32
    %add3A_742 = vector.broadcast %add3A_741 : i32 to vector<16xi32>
    %add3A_743 = arith.addi %add3A_739, %add3A_742 : vector<16xi32>
    %gather3A_744 = tpu.vector_load_idx %arg7[%add3A_743] : memref<1224xf32, #tpu.memory_space<vmem>>[vector<16xi32>], vector<16xf32>,
    %div3A_745 = arith.divf %mul3A_721, %gather3A_740 : vector<16xf32>
    %div3A_746 = arith.divf %mul3A_724, %gather3A_744 : vector<16xf32>
    %div3A_747 = arith.constant 1.000000e+00 : f32
    %div3A_748 = vector.broadcast %div3A_747 : f32 to vector<16xf32>
    %div3A_749 = arith.divf %div3A_748, %div3A_745 : vector<16xf32>
    %max3A_750 = arith.maximumf %div3A_745, %div3A_749 : vector<16xf32>
    %div3A_751 = arith.constant 1.000000e+00 : f32
    %div3A_752 = vector.broadcast %div3A_751 : f32 to vector<16xf32>
    %div3A_753 = arith.divf %div3A_752, %div3A_746 : vector<16xf32>
    %max3A_754 = arith.maximumf %div3A_746, %div3A_753 : vector<16xf32>
    %max3A_755 = arith.maximumf %max3A_750, %max3A_754 : vector<16xf32>
    %lt3A_756 = arith.constant 4.000000e+00 : f32
    %lt3A_757 = vector.broadcast %lt3A_756 : f32 to vector<16xf32>
    %lt3A_758 = arith.cmpf olt, %max3A_755, %lt3A_757 : vector<16xf32>
    %and3A_759 = arith.andi %and3A_51, %lt3A_758 : vector<16xi1>
    %jit3A_760 = arith.constant 1.000000e+00 : f32
    %jit3A_761 = arith.constant 0.000000e+00 : f32
    %broadcast_in_dim3A_762 = vector.broadcast %jit3A_760 : f32 to vector<16xf32>
    %broadcast_in_dim3A_763 = vector.broadcast %jit3A_761 : f32 to vector<16xf32>
    %select_n3A_764 = arith.select %and3A_759, %broadcast_in_dim3A_762, %broadcast_in_dim3A_763 : vector<16xi1>, vector<16xf32>
    %add3A_765 = arith.constant 16 : i32
    %add3A_766 = vector.broadcast %add3A_765 : i32 to vector<16xi32>
    %add3A_767 = arith.addi %add3A_766, %iota3A : vector<16xi32>
    %min3A_768 = arith.constant 37 : i32
    %min3A_769 = vector.broadcast %min3A_768 : i32 to vector<16xi32>
    %min3A_770 = arith.minsi %add3A_767, %min3A_769 : vector<16xi32>
    %broadcast_in_dim3A_771 = arith.constant 0 : i32
    %broadcast_in_dim3A_772 = vector.broadcast %broadcast_in_dim3A_771 : i32 to vector<16xi32>
    %gather3A_773 = tpu.vector_load_idx %arg9[%min3A_770, %broadcast_in_dim3A_772] : memref<38x85xf32, #tpu.memory_space<vmem>>[vector<16xi32>, vector<16xi32>], vector<16xf32>,
    %broadcast_in_dim3A_774 = arith.constant 1 : i32
    %broadcast_in_dim3A_775 = vector.broadcast %broadcast_in_dim3A_774 : i32 to vector<16xi32>
    %gather3A_776 = tpu.vector_load_idx %arg9[%min3A_770, %broadcast_in_dim3A_775] : memref<38x85xf32, #tpu.memory_space<vmem>>[vector<16xi32>, vector<16xi32>], vector<16xf32>,
    %broadcast_in_dim3A_777 = arith.constant 2 : i32
    %broadcast_in_dim3A_778 = vector.broadcast %broadcast_in_dim3A_777 : i32 to vector<16xi32>
    %gather3A_779 = tpu.vector_load_idx %arg9[%min3A_770, %broadcast_in_dim3A_778] : memref<38x85xf32, #tpu.memory_space<vmem>>[vector<16xi32>, vector<16xi32>], vector<16xf32>,
    %broadcast_in_dim3A_780 = arith.constant 3 : i32
    %broadcast_in_dim3A_781 = vector.broadcast %broadcast_in_dim3A_780 : i32 to vector<16xi32>
    %gather3A_782 = tpu.vector_load_idx %arg9[%min3A_770, %broadcast_in_dim3A_781] : memref<38x85xf32, #tpu.memory_space<vmem>>[vector<16xi32>, vector<16xi32>], vector<16xf32>,
    %neg3A_783 = arith.constant 0.000000e+00 : f32
    %neg3A_784 = vector.broadcast %neg3A_783 : f32 to vector<16xf32>
    %neg3A_785 = arith.subf %neg3A_784, %gather3A_773 : vector<16xf32>
    %exp3A_786 = math.exp %neg3A_785 : vector<16xf32>
    %add3A_787 = arith.constant 1.000000e+00 : f32
    %add3A_788 = vector.broadcast %add3A_787 : f32 to vector<16xf32>
    %add3A_789 = arith.addf %add3A_788, %exp3A_786 : vector<16xf32>
    %div3A_790 = arith.constant 1.000000e+00 : f32
    %div3A_791 = vector.broadcast %div3A_790 : f32 to vector<16xf32>
    %div3A_792 = arith.divf %div3A_791, %add3A_789 : vector<16xf32>
    %neg3A_793 = arith.constant 0.000000e+00 : f32
    %neg3A_794 = vector.broadcast %neg3A_793 : f32 to vector<16xf32>
    %neg3A_795 = arith.subf %neg3A_794, %gather3A_776 : vector<16xf32>
    %exp3A_796 = math.exp %neg3A_795 : vector<16xf32>
    %add3A_797 = arith.constant 1.000000e+00 : f32
    %add3A_798 = vector.broadcast %add3A_797 : f32 to vector<16xf32>
    %add3A_799 = arith.addf %add3A_798, %exp3A_796 : vector<16xf32>
    %div3A_800 = arith.constant 1.000000e+00 : f32
    %div3A_801 = vector.broadcast %div3A_800 : f32 to vector<16xf32>
    %div3A_802 = arith.divf %div3A_801, %add3A_799 : vector<16xf32>
    %exp3A_803 = math.exp %gather3A_779 : vector<16xf32>
    %mul3A_804 = arith.mulf %exp3A_803, %gather3A_740 : vector<16xf32>
    %exp3A_805 = math.exp %gather3A_782 : vector<16xf32>
    %mul3A_806 = arith.mulf %exp3A_805, %gather3A_744 : vector<16xf32>
    %mul3A_807 = arith.constant 5.000000e-01 : f32
    %mul3A_808 = vector.broadcast %mul3A_807 : f32 to vector<16xf32>
    %mul3A_809 = arith.mulf %mul3A_804, %mul3A_808 : vector<16xf32>
    %add3A_810 = arith.addf %div3A_792, %mul3A_809 : vector<16xf32>
    %mul3A_811 = arith.constant 5.000000e-01 : f32
    %mul3A_812 = vector.broadcast %mul3A_811 : f32 to vector<16xf32>
    %mul3A_813 = arith.mulf %mul3A_721, %mul3A_812 : vector<16xf32>
    %add3A_814 = arith.addf %sub3A_727, %mul3A_813 : vector<16xf32>
    %min3A_815 = arith.minimumf %add3A_810, %add3A_814 : vector<16xf32>
    %mul3A_816 = arith.constant 5.000000e-01 : f32
    %mul3A_817 = vector.broadcast %mul3A_816 : f32 to vector<16xf32>
    %mul3A_818 = arith.mulf %mul3A_804, %mul3A_817 : vector<16xf32>
    %sub3A_819 = arith.subf %div3A_792, %mul3A_818 : vector<16xf32>
    %mul3A_820 = arith.constant 5.000000e-01 : f32
    %mul3A_821 = vector.broadcast %mul3A_820 : f32 to vector<16xf32>
    %mul3A_822 = arith.mulf %mul3A_721, %mul3A_821 : vector<16xf32>
    %sub3A_823 = arith.subf %sub3A_727, %mul3A_822 : vector<16xf32>
    %max3A_824 = arith.maximumf %sub3A_819, %sub3A_823 : vector<16xf32>
    %sub3A_825 = arith.subf %min3A_815, %max3A_824 : vector<16xf32>
    %max3A_826 = arith.constant 0.000000e+00 : f32
    %max3A_827 = vector.broadcast %max3A_826 : f32 to vector<16xf32>
    %max3A_828 = arith.maximumf %sub3A_825, %max3A_827 : vector<16xf32>
    %mul3A_829 = arith.constant 5.000000e-01 : f32
    %mul3A_830 = vector.broadcast %mul3A_829 : f32 to vector<16xf32>
    %mul3A_831 = arith.mulf %mul3A_806, %mul3A_830 : vector<16xf32>
    %add3A_832 = arith.addf %div3A_802, %mul3A_831 : vector<16xf32>
    %mul3A_833 = arith.constant 5.000000e-01 : f32
    %mul3A_834 = vector.broadcast %mul3A_833 : f32 to vector<16xf32>
    %mul3A_835 = arith.mulf %mul3A_724, %mul3A_834 : vector<16xf32>
    %add3A_836 = arith.addf %sub3A_730, %mul3A_835 : vector<16xf32>
    %min3A_837 = arith.minimumf %add3A_832, %add3A_836 : vector<16xf32>
    %mul3A_838 = arith.constant 5.000000e-01 : f32
    %mul3A_839 = vector.broadcast %mul3A_838 : f32 to vector<16xf32>
    %mul3A_840 = arith.mulf %mul3A_806, %mul3A_839 : vector<16xf32>
    %sub3A_841 = arith.subf %div3A_802, %mul3A_840 : vector<16xf32>
    %mul3A_842 = arith.constant 5.000000e-01 : f32
    %mul3A_843 = vector.broadcast %mul3A_842 : f32 to vector<16xf32>
    %mul3A_844 = arith.mulf %mul3A_724, %mul3A_843 : vector<16xf32>
    %sub3A_845 = arith.subf %sub3A_730, %mul3A_844 : vector<16xf32>
    %max3A_846 = arith.maximumf %sub3A_841, %sub3A_845 : vector<16xf32>
    %sub3A_847 = arith.subf %min3A_837, %max3A_846 : vector<16xf32>
    %max3A_848 = arith.constant 0.000000e+00 : f32
    %max3A_849 = vector.broadcast %max3A_848 : f32 to vector<16xf32>
    %max3A_850 = arith.maximumf %sub3A_847, %max3A_849 : vector<16xf32>
    %mul3A_851 = arith.mulf %max3A_828, %max3A_850 : vector<16xf32>
    %mul3A_852 = arith.mulf %mul3A_804, %mul3A_806 : vector<16xf32>
    %mul3A_853 = arith.mulf %mul3A_721, %mul3A_724 : vector<16xf32>
    %add3A_854 = arith.addf %mul3A_852, %mul3A_853 : vector<16xf32>
    %sub3A_855 = arith.subf %add3A_854, %mul3A_851 : vector<16xf32>
    %add3A_856 = arith.constant 1.000000e-07 : f32
    %add3A_857 = vector.broadcast %add3A_856 : f32 to vector<16xf32>
    %add3A_858 = arith.addf %sub3A_855, %add3A_857 : vector<16xf32>
    %div3A_859 = arith.divf %mul3A_851, %add3A_858 : vector<16xf32>
    %sub3A_860 = arith.constant 1.000000e+00 : f32
    %sub3A_861 = vector.broadcast %sub3A_860 : f32 to vector<16xf32>
    %sub3A_862 = arith.subf %sub3A_861, %div3A_859 : vector<16xf32>
    %mul3A_863 = arith.mulf %sub3A_862, %select_n3A_764 : vector<16xf32>
    %add3A_864 = arith.addf %add3A_711, %mul3A_863 : vector<16xf32>
    %add3A_865 = arith.addf %add3A_712, %select_n3A_764 : vector<16xf32>
    %mul3A_866 = arith.constant 6.400000e+01 : f32
    %mul3A_867 = vector.broadcast %mul3A_866 : f32 to vector<16xf32>
    %mul3A_868 = arith.mulf %gather3A_111, %mul3A_867 : vector<16xf32>
    %mul3A_869 = arith.constant 6.400000e+01 : f32
    %mul3A_870 = vector.broadcast %mul3A_869 : f32 to vector<16xf32>
    %mul3A_871 = arith.mulf %gather3A_115, %mul3A_870 : vector<16xf32>
    %mul3A_872 = arith.constant 6.400000e+01 : f32
    %mul3A_873 = vector.broadcast %mul3A_872 : f32 to vector<16xf32>
    %mul3A_874 = arith.mulf %gather3A_119, %mul3A_873 : vector<16xf32>
    %mul3A_875 = arith.constant 6.400000e+01 : f32
    %mul3A_876 = vector.broadcast %mul3A_875 : f32 to vector<16xf32>
    %mul3A_877 = arith.mulf %gather3A_123, %mul3A_876 : vector<16xf32>
    %convert_element_type3A_878 = arith.fptosi %mul3A_868 : vector<16xf32> to vector<16xi32>
    %convert_element_type3A_879 = arith.sitofp %convert_element_type3A_878 : vector<16xi32> to vector<16xf32>
    %sub3A_880 = arith.subf %mul3A_868, %convert_element_type3A_879 : vector<16xf32>
    %convert_element_type3A_881 = arith.fptosi %mul3A_871 : vector<16xf32> to vector<16xi32>
    %convert_element_type3A_882 = arith.sitofp %convert_element_type3A_881 : vector<16xi32> to vector<16xf32>
    %sub3A_883 = arith.subf %mul3A_871, %convert_element_type3A_882 : vector<16xf32>
    %min3A_884 = arith.constant 2 : i32
    %min3A_885 = vector.broadcast %min3A_884 : i32 to vector<16xi32>
    %min3A_886 = arith.minsi %div3A_97, %min3A_885 : vector<16xi32>
    %mul3A_887 = arith.constant 2 : i32
    %mul3A_888 = vector.broadcast %mul3A_887 : i32 to vector<16xi32>
    %mul3A_889 = arith.muli %min3A_886, %mul3A_888 : vector<16xi32>
    %add3A_890 = arith.constant 1200 : i32
    %add3A_891 = vector.broadcast %add3A_890 : i32 to vector<16xi32>
    %add3A_892 = arith.addi %add3A_891, %mul3A_889 : vector<16xi32>
    %gather3A_893 = tpu.vector_load_idx %arg7[%add3A_892] : memref<1224xf32, #tpu.memory_space<vmem>>[vector<16xi32>], vector<16xf32>,
    %add3A_894 = arith.constant 1 : i32
    %add3A_895 = vector.broadcast %add3A_894 : i32 to vector<16xi32>
    %add3A_896 = arith.addi %add3A_892, %add3A_895 : vector<16xi32>
    %gather3A_897 = tpu.vector_load_idx %arg7[%add3A_896] : memref<1224xf32, #tpu.memory_space<vmem>>[vector<16xi32>], vector<16xf32>,
    %div3A_898 = arith.divf %mul3A_874, %gather3A_893 : vector<16xf32>
    %div3A_899 = arith.divf %mul3A_877, %gather3A_897 : vector<16xf32>
    %div3A_900 = arith.constant 1.000000e+00 : f32
    %div3A_901 = vector.broadcast %div3A_900 : f32 to vector<16xf32>
    %div3A_902 = arith.divf %div3A_901, %div3A_898 : vector<16xf32>
    %max3A_903 = arith.maximumf %div3A_898, %div3A_902 : vector<16xf32>
    %div3A_904 = arith.constant 1.000000e+00 : f32
    %div3A_905 = vector.broadcast %div3A_904 : f32 to vector<16xf32>
    %div3A_906 = arith.divf %div3A_905, %div3A_899 : vector<16xf32>
    %max3A_907 = arith.maximumf %div3A_899, %div3A_906 : vector<16xf32>
    %max3A_908 = arith.maximumf %max3A_903, %max3A_907 : vector<16xf32>
    %lt3A_909 = arith.constant 4.000000e+00 : f32
    %lt3A_910 = vector.broadcast %lt3A_909 : f32 to vector<16xf32>
    %lt3A_911 = arith.cmpf olt, %max3A_908, %lt3A_910 : vector<16xf32>
    %and3A_912 = arith.andi %and3A_94, %lt3A_911 : vector<16xi1>
    %jit3A_913 = arith.constant 1.000000e+00 : f32
    %jit3A_914 = arith.constant 0.000000e+00 : f32
    %broadcast_in_dim3A_915 = vector.broadcast %jit3A_913 : f32 to vector<16xf32>
    %broadcast_in_dim3A_916 = vector.broadcast %jit3A_914 : f32 to vector<16xf32>
    %select_n3A_917 = arith.select %and3A_912, %broadcast_in_dim3A_915, %broadcast_in_dim3A_916 : vector<16xi1>, vector<16xf32>
    %add3A_918 = arith.constant 32 : i32
    %add3A_919 = vector.broadcast %add3A_918 : i32 to vector<16xi32>
    %add3A_920 = arith.addi %add3A_919, %iota3A : vector<16xi32>
    %min3A_921 = arith.constant 37 : i32
    %min3A_922 = vector.broadcast %min3A_921 : i32 to vector<16xi32>
    %min3A_923 = arith.minsi %add3A_920, %min3A_922 : vector<16xi32>
    %broadcast_in_dim3A_924 = arith.constant 0 : i32
    %broadcast_in_dim3A_925 = vector.broadcast %broadcast_in_dim3A_924 : i32 to vector<16xi32>
    %gather3A_926 = tpu.vector_load_idx %arg9[%min3A_923, %broadcast_in_dim3A_925] : memref<38x85xf32, #tpu.memory_space<vmem>>[vector<16xi32>, vector<16xi32>], vector<16xf32>,
    %broadcast_in_dim3A_927 = arith.constant 1 : i32
    %broadcast_in_dim3A_928 = vector.broadcast %broadcast_in_dim3A_927 : i32 to vector<16xi32>
    %gather3A_929 = tpu.vector_load_idx %arg9[%min3A_923, %broadcast_in_dim3A_928] : memref<38x85xf32, #tpu.memory_space<vmem>>[vector<16xi32>, vector<16xi32>], vector<16xf32>,
    %broadcast_in_dim3A_930 = arith.constant 2 : i32
    %broadcast_in_dim3A_931 = vector.broadcast %broadcast_in_dim3A_930 : i32 to vector<16xi32>
    %gather3A_932 = tpu.vector_load_idx %arg9[%min3A_923, %broadcast_in_dim3A_931] : memref<38x85xf32, #tpu.memory_space<vmem>>[vector<16xi32>, vector<16xi32>], vector<16xf32>,
    %broadcast_in_dim3A_933 = arith.constant 3 : i32
    %broadcast_in_dim3A_934 = vector.broadcast %broadcast_in_dim3A_933 : i32 to vector<16xi32>
    %gather3A_935 = tpu.vector_load_idx %arg9[%min3A_923, %broadcast_in_dim3A_934] : memref<38x85xf32, #tpu.memory_space<vmem>>[vector<16xi32>, vector<16xi32>], vector<16xf32>,
    %neg3A_936 = arith.constant 0.000000e+00 : f32
    %neg3A_937 = vector.broadcast %neg3A_936 : f32 to vector<16xf32>
    %neg3A_938 = arith.subf %neg3A_937, %gather3A_926 : vector<16xf32>
    %exp3A_939 = math.exp %neg3A_938 : vector<16xf32>
    %add3A_940 = arith.constant 1.000000e+00 : f32
    %add3A_941 = vector.broadcast %add3A_940 : f32 to vector<16xf32>
    %add3A_942 = arith.addf %add3A_941, %exp3A_939 : vector<16xf32>
    %div3A_943 = arith.constant 1.000000e+00 : f32
    %div3A_944 = vector.broadcast %div3A_943 : f32 to vector<16xf32>
    %div3A_945 = arith.divf %div3A_944, %add3A_942 : vector<16xf32>
    %neg3A_946 = arith.constant 0.000000e+00 : f32
    %neg3A_947 = vector.broadcast %neg3A_946 : f32 to vector<16xf32>
    %neg3A_948 = arith.subf %neg3A_947, %gather3A_929 : vector<16xf32>
    %exp3A_949 = math.exp %neg3A_948 : vector<16xf32>
    %add3A_950 = arith.constant 1.000000e+00 : f32
    %add3A_951 = vector.broadcast %add3A_950 : f32 to vector<16xf32>
    %add3A_952 = arith.addf %add3A_951, %exp3A_949 : vector<16xf32>
    %div3A_953 = arith.constant 1.000000e+00 : f32
    %div3A_954 = vector.broadcast %div3A_953 : f32 to vector<16xf32>
    %div3A_955 = arith.divf %div3A_954, %add3A_952 : vector<16xf32>
    %exp3A_956 = math.exp %gather3A_932 : vector<16xf32>
    %mul3A_957 = arith.mulf %exp3A_956, %gather3A_893 : vector<16xf32>
    %exp3A_958 = math.exp %gather3A_935 : vector<16xf32>
    %mul3A_959 = arith.mulf %exp3A_958, %gather3A_897 : vector<16xf32>
    %mul3A_960 = arith.constant 5.000000e-01 : f32
    %mul3A_961 = vector.broadcast %mul3A_960 : f32 to vector<16xf32>
    %mul3A_962 = arith.mulf %mul3A_957, %mul3A_961 : vector<16xf32>
    %add3A_963 = arith.addf %div3A_945, %mul3A_962 : vector<16xf32>
    %mul3A_964 = arith.constant 5.000000e-01 : f32
    %mul3A_965 = vector.broadcast %mul3A_964 : f32 to vector<16xf32>
    %mul3A_966 = arith.mulf %mul3A_874, %mul3A_965 : vector<16xf32>
    %add3A_967 = arith.addf %sub3A_880, %mul3A_966 : vector<16xf32>
    %min3A_968 = arith.minimumf %add3A_963, %add3A_967 : vector<16xf32>
    %mul3A_969 = arith.constant 5.000000e-01 : f32
    %mul3A_970 = vector.broadcast %mul3A_969 : f32 to vector<16xf32>
    %mul3A_971 = arith.mulf %mul3A_957, %mul3A_970 : vector<16xf32>
    %sub3A_972 = arith.subf %div3A_945, %mul3A_971 : vector<16xf32>
    %mul3A_973 = arith.constant 5.000000e-01 : f32
    %mul3A_974 = vector.broadcast %mul3A_973 : f32 to vector<16xf32>
    %mul3A_975 = arith.mulf %mul3A_874, %mul3A_974 : vector<16xf32>
    %sub3A_976 = arith.subf %sub3A_880, %mul3A_975 : vector<16xf32>
    %max3A_977 = arith.maximumf %sub3A_972, %sub3A_976 : vector<16xf32>
    %sub3A_978 = arith.subf %min3A_968, %max3A_977 : vector<16xf32>
    %max3A_979 = arith.constant 0.000000e+00 : f32
    %max3A_980 = vector.broadcast %max3A_979 : f32 to vector<16xf32>
    %max3A_981 = arith.maximumf %sub3A_978, %max3A_980 : vector<16xf32>
    %mul3A_982 = arith.constant 5.000000e-01 : f32
    %mul3A_983 = vector.broadcast %mul3A_982 : f32 to vector<16xf32>
    %mul3A_984 = arith.mulf %mul3A_959, %mul3A_983 : vector<16xf32>
    %add3A_985 = arith.addf %div3A_955, %mul3A_984 : vector<16xf32>
    %mul3A_986 = arith.constant 5.000000e-01 : f32
    %mul3A_987 = vector.broadcast %mul3A_986 : f32 to vector<16xf32>
    %mul3A_988 = arith.mulf %mul3A_877, %mul3A_987 : vector<16xf32>
    %add3A_989 = arith.addf %sub3A_883, %mul3A_988 : vector<16xf32>
    %min3A_990 = arith.minimumf %add3A_985, %add3A_989 : vector<16xf32>
    %mul3A_991 = arith.constant 5.000000e-01 : f32
    %mul3A_992 = vector.broadcast %mul3A_991 : f32 to vector<16xf32>
    %mul3A_993 = arith.mulf %mul3A_959, %mul3A_992 : vector<16xf32>
    %sub3A_994 = arith.subf %div3A_955, %mul3A_993 : vector<16xf32>
    %mul3A_995 = arith.constant 5.000000e-01 : f32
    %mul3A_996 = vector.broadcast %mul3A_995 : f32 to vector<16xf32>
    %mul3A_997 = arith.mulf %mul3A_877, %mul3A_996 : vector<16xf32>
    %sub3A_998 = arith.subf %sub3A_883, %mul3A_997 : vector<16xf32>
    %max3A_999 = arith.maximumf %sub3A_994, %sub3A_998 : vector<16xf32>
    %sub3A_1000 = arith.subf %min3A_990, %max3A_999 : vector<16xf32>
    %max3A_1001 = arith.constant 0.000000e+00 : f32
    %max3A_1002 = vector.broadcast %max3A_1001 : f32 to vector<16xf32>
    %max3A_1003 = arith.maximumf %sub3A_1000, %max3A_1002 : vector<16xf32>
    %mul3A_1004 = arith.mulf %max3A_981, %max3A_1003 : vector<16xf32>
    %mul3A_1005 = arith.mulf %mul3A_957, %mul3A_959 : vector<16xf32>
    %mul3A_1006 = arith.mulf %mul3A_874, %mul3A_877 : vector<16xf32>
    %add3A_1007 = arith.addf %mul3A_1005, %mul3A_1006 : vector<16xf32>
    %sub3A_1008 = arith.subf %add3A_1007, %mul3A_1004 : vector<16xf32>
    %add3A_1009 = arith.constant 1.000000e-07 : f32
    %add3A_1010 = vector.broadcast %add3A_1009 : f32 to vector<16xf32>
    %add3A_1011 = arith.addf %sub3A_1008, %add3A_1010 : vector<16xf32>
    %div3A_1012 = arith.divf %mul3A_1004, %add3A_1011 : vector<16xf32>
    %sub3A_1013 = arith.constant 1.000000e+00 : f32
    %sub3A_1014 = vector.broadcast %sub3A_1013 : f32 to vector<16xf32>
    %sub3A_1015 = arith.subf %sub3A_1014, %div3A_1012 : vector<16xf32>
    %mul3A_1016 = arith.mulf %sub3A_1015, %select_n3A_917 : vector<16xf32>
    %add3A_1017 = arith.addf %add3A_864, %mul3A_1016 : vector<16xf32>
    %add3A_1018 = arith.addf %add3A_865, %select_n3A_917 : vector<16xf32>
    %swap3A_1019 = arith.constant 0 : index
    %swap3A_1020 = tpu.vector_load %arg12[%swap3A_1019] {strides = array<i32>} : memref<96xf32, #tpu.memory_space<vmem>>, vector<16xf32>,
    tpu.vector_store %arg12[%swap3A_1019], %add3A_1017 {strides = array<i32>} : memref<96xf32, #tpu.memory_space<vmem>>, vector<16xf32>,
    %swap3A_1021 = arith.constant 48 : index
    %swap3A_1022 = tpu.vector_load %arg12[%swap3A_1021] {strides = array<i32>} : memref<96xf32, #tpu.memory_space<vmem>>, vector<16xf32>,
    tpu.vector_store %arg12[%swap3A_1021], %add3A_1018 {strides = array<i32>} : memref<96xf32, #tpu.memory_space<vmem>>, vector<16xf32>,
    %dma_wait3A_1023 = arith.constant 0 : i32
    %dma_wait3A_1024 = arith.constant 0 : i32
    %dma_wait3A_1025 = tpu.memref_slice %arg10[%dma_wait3A_1023, %dma_wait3A_1024] : memref<38x85xf32, #tpu.memory_space<vmem>> -> memref<32x85xf32, #tpu.memory_space<vmem>>
    %dma_wait3A_1026 = arith.constant 0 : i32
    %dma_wait3A_1027 = arith.constant 0 : i32
    %dma_wait3A_1028 = tpu.memref_slice %arg3[%dma_wait3A_1026, %dma_wait3A_1027] : memref<49152x85xf32, #tpu.memory_space<hbm>> -> memref<32x85xf32, #tpu.memory_space<hbm>>
    %dma_wait3A_1029 = arith.constant 0 : i32
    %dma_wait3A_1030 = arith.constant 0 : i32
    %dma_wait3A_1031 = tpu.memref_slice %arg10[%dma_wait3A_1029, %dma_wait3A_1030] : memref<38x85xf32, #tpu.memory_space<vmem>> -> memref<32x85xf32, #tpu.memory_space<vmem>>
    %dma_wait3A_1032 = arith.constant 0 : i32
    %dma_wait3A_1033 = arith.constant 0 : i32
    %dma_wait3A_1034 = tpu.memref_slice %arg3[%dma_wait3A_1032, %dma_wait3A_1033] : memref<49152x85xf32, #tpu.memory_space<hbm>> -> memref<32x85xf32, #tpu.memory_space<hbm>>
    tpu.wait_dma2 semaphore(%arg15 : memref<!tpu.dma_semaphore, #tpu.memory_space<semaphore_mem>>) src(%dma_wait3A_1034 : memref<32x85xf32, #tpu.memory_space<hbm>>) dst(%dma_wait3A_1031 : memref<32x85xf32, #tpu.memory_space<vmem>>)
    %dma_wait3A_1035 = arith.constant 32 : i32
    %dma_wait3A_1036 = arith.constant 0 : i32
    %dma_wait3A_1037 = tpu.memref_slice %arg10[%dma_wait3A_1035, %dma_wait3A_1036] : memref<38x85xf32, #tpu.memory_space<vmem>> -> memref<1x85xf32, #tpu.memory_space<vmem>>
    %dma_wait3A_1038 = arith.constant 0 : i32
    %dma_wait3A_1039 = arith.constant 0 : i32
    %dma_wait3A_1040 = tpu.memref_slice %arg3[%dma_wait3A_1038, %dma_wait3A_1039] : memref<49152x85xf32, #tpu.memory_space<hbm>> -> memref<1x85xf32, #tpu.memory_space<hbm>>
    %dma_wait3A_1041 = arith.constant 32 : i32
    %dma_wait3A_1042 = arith.constant 0 : i32
    %dma_wait3A_1043 = tpu.memref_slice %arg10[%dma_wait3A_1041, %dma_wait3A_1042] : memref<38x85xf32, #tpu.memory_space<vmem>> -> memref<1x85xf32, #tpu.memory_space<vmem>>
    %dma_wait3A_1044 = arith.constant 0 : i32
    %dma_wait3A_1045 = arith.constant 0 : i32
    %dma_wait3A_1046 = tpu.memref_slice %arg3[%dma_wait3A_1044, %dma_wait3A_1045] : memref<49152x85xf32, #tpu.memory_space<hbm>> -> memref<1x85xf32, #tpu.memory_space<hbm>>
    tpu.wait_dma2 semaphore(%arg15 : memref<!tpu.dma_semaphore, #tpu.memory_space<semaphore_mem>>) src(%dma_wait3A_1046 : memref<1x85xf32, #tpu.memory_space<hbm>>) dst(%dma_wait3A_1043 : memref<1x85xf32, #tpu.memory_space<vmem>>)
    %dma_wait3A_1047 = arith.constant 33 : i32
    %dma_wait3A_1048 = arith.constant 0 : i32
    %dma_wait3A_1049 = tpu.memref_slice %arg10[%dma_wait3A_1047, %dma_wait3A_1048] : memref<38x85xf32, #tpu.memory_space<vmem>> -> memref<1x85xf32, #tpu.memory_space<vmem>>
    %dma_wait3A_1050 = arith.constant 0 : i32
    %dma_wait3A_1051 = arith.constant 0 : i32
    %dma_wait3A_1052 = tpu.memref_slice %arg3[%dma_wait3A_1050, %dma_wait3A_1051] : memref<49152x85xf32, #tpu.memory_space<hbm>> -> memref<1x85xf32, #tpu.memory_space<hbm>>
    %dma_wait3A_1053 = arith.constant 33 : i32
    %dma_wait3A_1054 = arith.constant 0 : i32
    %dma_wait3A_1055 = tpu.memref_slice %arg10[%dma_wait3A_1053, %dma_wait3A_1054] : memref<38x85xf32, #tpu.memory_space<vmem>> -> memref<1x85xf32, #tpu.memory_space<vmem>>
    %dma_wait3A_1056 = arith.constant 0 : i32
    %dma_wait3A_1057 = arith.constant 0 : i32
    %dma_wait3A_1058 = tpu.memref_slice %arg3[%dma_wait3A_1056, %dma_wait3A_1057] : memref<49152x85xf32, #tpu.memory_space<hbm>> -> memref<1x85xf32, #tpu.memory_space<hbm>>
    tpu.wait_dma2 semaphore(%arg15 : memref<!tpu.dma_semaphore, #tpu.memory_space<semaphore_mem>>) src(%dma_wait3A_1058 : memref<1x85xf32, #tpu.memory_space<hbm>>) dst(%dma_wait3A_1055 : memref<1x85xf32, #tpu.memory_space<vmem>>)
    %dma_wait3A_1059 = arith.constant 34 : i32
    %dma_wait3A_1060 = arith.constant 0 : i32
    %dma_wait3A_1061 = tpu.memref_slice %arg10[%dma_wait3A_1059, %dma_wait3A_1060] : memref<38x85xf32, #tpu.memory_space<vmem>> -> memref<1x85xf32, #tpu.memory_space<vmem>>
    %dma_wait3A_1062 = arith.constant 0 : i32
    %dma_wait3A_1063 = arith.constant 0 : i32
    %dma_wait3A_1064 = tpu.memref_slice %arg3[%dma_wait3A_1062, %dma_wait3A_1063] : memref<49152x85xf32, #tpu.memory_space<hbm>> -> memref<1x85xf32, #tpu.memory_space<hbm>>
    %dma_wait3A_1065 = arith.constant 34 : i32
    %dma_wait3A_1066 = arith.constant 0 : i32
    %dma_wait3A_1067 = tpu.memref_slice %arg10[%dma_wait3A_1065, %dma_wait3A_1066] : memref<38x85xf32, #tpu.memory_space<vmem>> -> memref<1x85xf32, #tpu.memory_space<vmem>>
    %dma_wait3A_1068 = arith.constant 0 : i32
    %dma_wait3A_1069 = arith.constant 0 : i32
    %dma_wait3A_1070 = tpu.memref_slice %arg3[%dma_wait3A_1068, %dma_wait3A_1069] : memref<49152x85xf32, #tpu.memory_space<hbm>> -> memref<1x85xf32, #tpu.memory_space<hbm>>
    tpu.wait_dma2 semaphore(%arg15 : memref<!tpu.dma_semaphore, #tpu.memory_space<semaphore_mem>>) src(%dma_wait3A_1070 : memref<1x85xf32, #tpu.memory_space<hbm>>) dst(%dma_wait3A_1067 : memref<1x85xf32, #tpu.memory_space<vmem>>)
    %dma_wait3A_1071 = arith.constant 35 : i32
    %dma_wait3A_1072 = arith.constant 0 : i32
    %dma_wait3A_1073 = tpu.memref_slice %arg10[%dma_wait3A_1071, %dma_wait3A_1072] : memref<38x85xf32, #tpu.memory_space<vmem>> -> memref<1x85xf32, #tpu.memory_space<vmem>>
    %dma_wait3A_1074 = arith.constant 0 : i32
    %dma_wait3A_1075 = arith.constant 0 : i32
    %dma_wait3A_1076 = tpu.memref_slice %arg3[%dma_wait3A_1074, %dma_wait3A_1075] : memref<49152x85xf32, #tpu.memory_space<hbm>> -> memref<1x85xf32, #tpu.memory_space<hbm>>
    %dma_wait3A_1077 = arith.constant 35 : i32
    %dma_wait3A_1078 = arith.constant 0 : i32
    %dma_wait3A_1079 = tpu.memref_slice %arg10[%dma_wait3A_1077, %dma_wait3A_1078] : memref<38x85xf32, #tpu.memory_space<vmem>> -> memref<1x85xf32, #tpu.memory_space<vmem>>
    %dma_wait3A_1080 = arith.constant 0 : i32
    %dma_wait3A_1081 = arith.constant 0 : i32
    %dma_wait3A_1082 = tpu.memref_slice %arg3[%dma_wait3A_1080, %dma_wait3A_1081] : memref<49152x85xf32, #tpu.memory_space<hbm>> -> memref<1x85xf32, #tpu.memory_space<hbm>>
    tpu.wait_dma2 semaphore(%arg15 : memref<!tpu.dma_semaphore, #tpu.memory_space<semaphore_mem>>) src(%dma_wait3A_1082 : memref<1x85xf32, #tpu.memory_space<hbm>>) dst(%dma_wait3A_1079 : memref<1x85xf32, #tpu.memory_space<vmem>>)
    %dma_wait3A_1083 = arith.constant 36 : i32
    %dma_wait3A_1084 = arith.constant 0 : i32
    %dma_wait3A_1085 = tpu.memref_slice %arg10[%dma_wait3A_1083, %dma_wait3A_1084] : memref<38x85xf32, #tpu.memory_space<vmem>> -> memref<1x85xf32, #tpu.memory_space<vmem>>
    %dma_wait3A_1086 = arith.constant 0 : i32
    %dma_wait3A_1087 = arith.constant 0 : i32
    %dma_wait3A_1088 = tpu.memref_slice %arg3[%dma_wait3A_1086, %dma_wait3A_1087] : memref<49152x85xf32, #tpu.memory_space<hbm>> -> memref<1x85xf32, #tpu.memory_space<hbm>>
    %dma_wait3A_1089 = arith.constant 36 : i32
    %dma_wait3A_1090 = arith.constant 0 : i32
    %dma_wait3A_1091 = tpu.memref_slice %arg10[%dma_wait3A_1089, %dma_wait3A_1090] : memref<38x85xf32, #tpu.memory_space<vmem>> -> memref<1x85xf32, #tpu.memory_space<vmem>>
    %dma_wait3A_1092 = arith.constant 0 : i32
    %dma_wait3A_1093 = arith.constant 0 : i32
    %dma_wait3A_1094 = tpu.memref_slice %arg3[%dma_wait3A_1092, %dma_wait3A_1093] : memref<49152x85xf32, #tpu.memory_space<hbm>> -> memref<1x85xf32, #tpu.memory_space<hbm>>
    tpu.wait_dma2 semaphore(%arg15 : memref<!tpu.dma_semaphore, #tpu.memory_space<semaphore_mem>>) src(%dma_wait3A_1094 : memref<1x85xf32, #tpu.memory_space<hbm>>) dst(%dma_wait3A_1091 : memref<1x85xf32, #tpu.memory_space<vmem>>)
    %dma_wait3A_1095 = arith.constant 37 : i32
    %dma_wait3A_1096 = arith.constant 0 : i32
    %dma_wait3A_1097 = tpu.memref_slice %arg10[%dma_wait3A_1095, %dma_wait3A_1096] : memref<38x85xf32, #tpu.memory_space<vmem>> -> memref<1x85xf32, #tpu.memory_space<vmem>>
    %dma_wait3A_1098 = arith.constant 0 : i32
    %dma_wait3A_1099 = arith.constant 0 : i32
    %dma_wait3A_1100 = tpu.memref_slice %arg3[%dma_wait3A_1098, %dma_wait3A_1099] : memref<49152x85xf32, #tpu.memory_space<hbm>> -> memref<1x85xf32, #tpu.memory_space<hbm>>
    %dma_wait3A_1101 = arith.constant 37 : i32
    %dma_wait3A_1102 = arith.constant 0 : i32
    %dma_wait3A_1103 = tpu.memref_slice %arg10[%dma_wait3A_1101, %dma_wait3A_1102] : memref<38x85xf32, #tpu.memory_space<vmem>> -> memref<1x85xf32, #tpu.memory_space<vmem>>
    %dma_wait3A_1104 = arith.constant 0 : i32
    %dma_wait3A_1105 = arith.constant 0 : i32
    %dma_wait3A_1106 = tpu.memref_slice %arg3[%dma_wait3A_1104, %dma_wait3A_1105] : memref<49152x85xf32, #tpu.memory_space<hbm>> -> memref<1x85xf32, #tpu.memory_space<hbm>>
    tpu.wait_dma2 semaphore(%arg15 : memref<!tpu.dma_semaphore, #tpu.memory_space<semaphore_mem>>) src(%dma_wait3A_1106 : memref<1x85xf32, #tpu.memory_space<hbm>>) dst(%dma_wait3A_1103 : memref<1x85xf32, #tpu.memory_space<vmem>>)
    %broadcast_in_dim3A_1107 = arith.constant 0.000000e+00 : f32
    %broadcast_in_dim3A_1108 = vector.broadcast %broadcast_in_dim3A_1107 : f32 to vector<16xf32>
    %broadcast_in_dim3A_1109 = arith.constant 0.000000e+00 : f32
    %broadcast_in_dim3A_1110 = vector.broadcast %broadcast_in_dim3A_1109 : f32 to vector<16xf32>
    %mul3A_1111 = arith.constant 3.200000e+01 : f32
    %mul3A_1112 = vector.broadcast %mul3A_1111 : f32 to vector<16xf32>
    %mul3A_1113 = arith.mulf %gather3A_25, %mul3A_1112 : vector<16xf32>
    %mul3A_1114 = arith.constant 3.200000e+01 : f32
    %mul3A_1115 = vector.broadcast %mul3A_1114 : f32 to vector<16xf32>
    %mul3A_1116 = arith.mulf %gather3A_29, %mul3A_1115 : vector<16xf32>
    %mul3A_1117 = arith.constant 3.200000e+01 : f32
    %mul3A_1118 = vector.broadcast %mul3A_1117 : f32 to vector<16xf32>
    %mul3A_1119 = arith.mulf %gather3A_33, %mul3A_1118 : vector<16xf32>
    %mul3A_1120 = arith.constant 3.200000e+01 : f32
    %mul3A_1121 = vector.broadcast %mul3A_1120 : f32 to vector<16xf32>
    %mul3A_1122 = arith.mulf %gather3A_37, %mul3A_1121 : vector<16xf32>
    %convert_element_type3A_1123 = arith.fptosi %mul3A_1113 : vector<16xf32> to vector<16xi32>
    %convert_element_type3A_1124 = arith.sitofp %convert_element_type3A_1123 : vector<16xi32> to vector<16xf32>
    %sub3A_1125 = arith.subf %mul3A_1113, %convert_element_type3A_1124 : vector<16xf32>
    %convert_element_type3A_1126 = arith.fptosi %mul3A_1116 : vector<16xf32> to vector<16xi32>
    %convert_element_type3A_1127 = arith.sitofp %convert_element_type3A_1126 : vector<16xi32> to vector<16xf32>
    %sub3A_1128 = arith.subf %mul3A_1116, %convert_element_type3A_1127 : vector<16xf32>
    %min3A_1129 = arith.constant 2 : i32
    %min3A_1130 = vector.broadcast %min3A_1129 : i32 to vector<16xi32>
    %min3A_1131 = arith.minsi %div3A_13, %min3A_1130 : vector<16xi32>
    %mul3A_1132 = arith.constant 2 : i32
    %mul3A_1133 = vector.broadcast %mul3A_1132 : i32 to vector<16xi32>
    %mul3A_1134 = arith.muli %min3A_1131, %mul3A_1133 : vector<16xi32>
    %add3A_1135 = arith.constant 1208 : i32
    %add3A_1136 = vector.broadcast %add3A_1135 : i32 to vector<16xi32>
    %add3A_1137 = arith.addi %add3A_1136, %mul3A_1134 : vector<16xi32>
    %gather3A_1138 = tpu.vector_load_idx %arg7[%add3A_1137] : memref<1224xf32, #tpu.memory_space<vmem>>[vector<16xi32>], vector<16xf32>,
    %add3A_1139 = arith.constant 1 : i32
    %add3A_1140 = vector.broadcast %add3A_1139 : i32 to vector<16xi32>
    %add3A_1141 = arith.addi %add3A_1137, %add3A_1140 : vector<16xi32>
    %gather3A_1142 = tpu.vector_load_idx %arg7[%add3A_1141] : memref<1224xf32, #tpu.memory_space<vmem>>[vector<16xi32>], vector<16xf32>,
    %div3A_1143 = arith.divf %mul3A_1119, %gather3A_1138 : vector<16xf32>
    %div3A_1144 = arith.divf %mul3A_1122, %gather3A_1142 : vector<16xf32>
    %div3A_1145 = arith.constant 1.000000e+00 : f32
    %div3A_1146 = vector.broadcast %div3A_1145 : f32 to vector<16xf32>
    %div3A_1147 = arith.divf %div3A_1146, %div3A_1143 : vector<16xf32>
    %max3A_1148 = arith.maximumf %div3A_1143, %div3A_1147 : vector<16xf32>
    %div3A_1149 = arith.constant 1.000000e+00 : f32
    %div3A_1150 = vector.broadcast %div3A_1149 : f32 to vector<16xf32>
    %div3A_1151 = arith.divf %div3A_1150, %div3A_1144 : vector<16xf32>
    %max3A_1152 = arith.maximumf %div3A_1144, %div3A_1151 : vector<16xf32>
    %max3A_1153 = arith.maximumf %max3A_1148, %max3A_1152 : vector<16xf32>
    %lt3A_1154 = arith.constant 4.000000e+00 : f32
    %lt3A_1155 = vector.broadcast %lt3A_1154 : f32 to vector<16xf32>
    %lt3A_1156 = arith.cmpf olt, %max3A_1153, %lt3A_1155 : vector<16xf32>
    %and3A_1157 = arith.andi %and3A, %lt3A_1156 : vector<16xi1>
    %jit3A_1158 = arith.constant 1.000000e+00 : f32
    %jit3A_1159 = arith.constant 0.000000e+00 : f32
    %broadcast_in_dim3A_1160 = vector.broadcast %jit3A_1158 : f32 to vector<16xf32>
    %broadcast_in_dim3A_1161 = vector.broadcast %jit3A_1159 : f32 to vector<16xf32>
    %select_n3A_1162 = arith.select %and3A_1157, %broadcast_in_dim3A_1160, %broadcast_in_dim3A_1161 : vector<16xi1>, vector<16xf32>
    %add3A_1163 = arith.constant 0 : i32
    %add3A_1164 = vector.broadcast %add3A_1163 : i32 to vector<16xi32>
    %add3A_1165 = arith.addi %add3A_1164, %iota3A : vector<16xi32>
    %min3A_1166 = arith.constant 37 : i32
    %min3A_1167 = vector.broadcast %min3A_1166 : i32 to vector<16xi32>
    %min3A_1168 = arith.minsi %add3A_1165, %min3A_1167 : vector<16xi32>
    %broadcast_in_dim3A_1169 = arith.constant 0 : i32
    %broadcast_in_dim3A_1170 = vector.broadcast %broadcast_in_dim3A_1169 : i32 to vector<16xi32>
    %gather3A_1171 = tpu.vector_load_idx %arg10[%min3A_1168, %broadcast_in_dim3A_1170] : memref<38x85xf32, #tpu.memory_space<vmem>>[vector<16xi32>, vector<16xi32>], vector<16xf32>,
    %broadcast_in_dim3A_1172 = arith.constant 1 : i32
    %broadcast_in_dim3A_1173 = vector.broadcast %broadcast_in_dim3A_1172 : i32 to vector<16xi32>
    %gather3A_1174 = tpu.vector_load_idx %arg10[%min3A_1168, %broadcast_in_dim3A_1173] : memref<38x85xf32, #tpu.memory_space<vmem>>[vector<16xi32>, vector<16xi32>], vector<16xf32>,
    %broadcast_in_dim3A_1175 = arith.constant 2 : i32
    %broadcast_in_dim3A_1176 = vector.broadcast %broadcast_in_dim3A_1175 : i32 to vector<16xi32>
    %gather3A_1177 = tpu.vector_load_idx %arg10[%min3A_1168, %broadcast_in_dim3A_1176] : memref<38x85xf32, #tpu.memory_space<vmem>>[vector<16xi32>, vector<16xi32>], vector<16xf32>,
    %broadcast_in_dim3A_1178 = arith.constant 3 : i32
    %broadcast_in_dim3A_1179 = vector.broadcast %broadcast_in_dim3A_1178 : i32 to vector<16xi32>
    %gather3A_1180 = tpu.vector_load_idx %arg10[%min3A_1168, %broadcast_in_dim3A_1179] : memref<38x85xf32, #tpu.memory_space<vmem>>[vector<16xi32>, vector<16xi32>], vector<16xf32>,
    %neg3A_1181 = arith.constant 0.000000e+00 : f32
    %neg3A_1182 = vector.broadcast %neg3A_1181 : f32 to vector<16xf32>
    %neg3A_1183 = arith.subf %neg3A_1182, %gather3A_1171 : vector<16xf32>
    %exp3A_1184 = math.exp %neg3A_1183 : vector<16xf32>
    %add3A_1185 = arith.constant 1.000000e+00 : f32
    %add3A_1186 = vector.broadcast %add3A_1185 : f32 to vector<16xf32>
    %add3A_1187 = arith.addf %add3A_1186, %exp3A_1184 : vector<16xf32>
    %div3A_1188 = arith.constant 1.000000e+00 : f32
    %div3A_1189 = vector.broadcast %div3A_1188 : f32 to vector<16xf32>
    %div3A_1190 = arith.divf %div3A_1189, %add3A_1187 : vector<16xf32>
    %neg3A_1191 = arith.constant 0.000000e+00 : f32
    %neg3A_1192 = vector.broadcast %neg3A_1191 : f32 to vector<16xf32>
    %neg3A_1193 = arith.subf %neg3A_1192, %gather3A_1174 : vector<16xf32>
    %exp3A_1194 = math.exp %neg3A_1193 : vector<16xf32>
    %add3A_1195 = arith.constant 1.000000e+00 : f32
    %add3A_1196 = vector.broadcast %add3A_1195 : f32 to vector<16xf32>
    %add3A_1197 = arith.addf %add3A_1196, %exp3A_1194 : vector<16xf32>
    %div3A_1198 = arith.constant 1.000000e+00 : f32
    %div3A_1199 = vector.broadcast %div3A_1198 : f32 to vector<16xf32>
    %div3A_1200 = arith.divf %div3A_1199, %add3A_1197 : vector<16xf32>
    %exp3A_1201 = math.exp %gather3A_1177 : vector<16xf32>
    %mul3A_1202 = arith.mulf %exp3A_1201, %gather3A_1138 : vector<16xf32>
    %exp3A_1203 = math.exp %gather3A_1180 : vector<16xf32>
    %mul3A_1204 = arith.mulf %exp3A_1203, %gather3A_1142 : vector<16xf32>
    %mul3A_1205 = arith.constant 5.000000e-01 : f32
    %mul3A_1206 = vector.broadcast %mul3A_1205 : f32 to vector<16xf32>
    %mul3A_1207 = arith.mulf %mul3A_1202, %mul3A_1206 : vector<16xf32>
    %add3A_1208 = arith.addf %div3A_1190, %mul3A_1207 : vector<16xf32>
    %mul3A_1209 = arith.constant 5.000000e-01 : f32
    %mul3A_1210 = vector.broadcast %mul3A_1209 : f32 to vector<16xf32>
    %mul3A_1211 = arith.mulf %mul3A_1119, %mul3A_1210 : vector<16xf32>
    %add3A_1212 = arith.addf %sub3A_1125, %mul3A_1211 : vector<16xf32>
    %min3A_1213 = arith.minimumf %add3A_1208, %add3A_1212 : vector<16xf32>
    %mul3A_1214 = arith.constant 5.000000e-01 : f32
    %mul3A_1215 = vector.broadcast %mul3A_1214 : f32 to vector<16xf32>
    %mul3A_1216 = arith.mulf %mul3A_1202, %mul3A_1215 : vector<16xf32>
    %sub3A_1217 = arith.subf %div3A_1190, %mul3A_1216 : vector<16xf32>
    %mul3A_1218 = arith.constant 5.000000e-01 : f32
    %mul3A_1219 = vector.broadcast %mul3A_1218 : f32 to vector<16xf32>
    %mul3A_1220 = arith.mulf %mul3A_1119, %mul3A_1219 : vector<16xf32>
    %sub3A_1221 = arith.subf %sub3A_1125, %mul3A_1220 : vector<16xf32>
    %max3A_1222 = arith.maximumf %sub3A_1217, %sub3A_1221 : vector<16xf32>
    %sub3A_1223 = arith.subf %min3A_1213, %max3A_1222 : vector<16xf32>
    %max3A_1224 = arith.constant 0.000000e+00 : f32
    %max3A_1225 = vector.broadcast %max3A_1224 : f32 to vector<16xf32>
    %max3A_1226 = arith.maximumf %sub3A_1223, %max3A_1225 : vector<16xf32>
    %mul3A_1227 = arith.constant 5.000000e-01 : f32
    %mul3A_1228 = vector.broadcast %mul3A_1227 : f32 to vector<16xf32>
    %mul3A_1229 = arith.mulf %mul3A_1204, %mul3A_1228 : vector<16xf32>
    %add3A_1230 = arith.addf %div3A_1200, %mul3A_1229 : vector<16xf32>
    %mul3A_1231 = arith.constant 5.000000e-01 : f32
    %mul3A_1232 = vector.broadcast %mul3A_1231 : f32 to vector<16xf32>
    %mul3A_1233 = arith.mulf %mul3A_1122, %mul3A_1232 : vector<16xf32>
    %add3A_1234 = arith.addf %sub3A_1128, %mul3A_1233 : vector<16xf32>
    %min3A_1235 = arith.minimumf %add3A_1230, %add3A_1234 : vector<16xf32>
    %mul3A_1236 = arith.constant 5.000000e-01 : f32
    %mul3A_1237 = vector.broadcast %mul3A_1236 : f32 to vector<16xf32>
    %mul3A_1238 = arith.mulf %mul3A_1204, %mul3A_1237 : vector<16xf32>
    %sub3A_1239 = arith.subf %div3A_1200, %mul3A_1238 : vector<16xf32>
    %mul3A_1240 = arith.constant 5.000000e-01 : f32
    %mul3A_1241 = vector.broadcast %mul3A_1240 : f32 to vector<16xf32>
    %mul3A_1242 = arith.mulf %mul3A_1122, %mul3A_1241 : vector<16xf32>
    %sub3A_1243 = arith.subf %sub3A_1128, %mul3A_1242 : vector<16xf32>
    %max3A_1244 = arith.maximumf %sub3A_1239, %sub3A_1243 : vector<16xf32>
    %sub3A_1245 = arith.subf %min3A_1235, %max3A_1244 : vector<16xf32>
    %max3A_1246 = arith.constant 0.000000e+00 : f32
    %max3A_1247 = vector.broadcast %max3A_1246 : f32 to vector<16xf32>
    %max3A_1248 = arith.maximumf %sub3A_1245, %max3A_1247 : vector<16xf32>
    %mul3A_1249 = arith.mulf %max3A_1226, %max3A_1248 : vector<16xf32>
    %mul3A_1250 = arith.mulf %mul3A_1202, %mul3A_1204 : vector<16xf32>
    %mul3A_1251 = arith.mulf %mul3A_1119, %mul3A_1122 : vector<16xf32>
    %add3A_1252 = arith.addf %mul3A_1250, %mul3A_1251 : vector<16xf32>
    %sub3A_1253 = arith.subf %add3A_1252, %mul3A_1249 : vector<16xf32>
    %add3A_1254 = arith.constant 1.000000e-07 : f32
    %add3A_1255 = vector.broadcast %add3A_1254 : f32 to vector<16xf32>
    %add3A_1256 = arith.addf %sub3A_1253, %add3A_1255 : vector<16xf32>
    %div3A_1257 = arith.divf %mul3A_1249, %add3A_1256 : vector<16xf32>
    %sub3A_1258 = arith.constant 1.000000e+00 : f32
    %sub3A_1259 = vector.broadcast %sub3A_1258 : f32 to vector<16xf32>
    %sub3A_1260 = arith.subf %sub3A_1259, %div3A_1257 : vector<16xf32>
    %mul3A_1261 = arith.mulf %sub3A_1260, %select_n3A_1162 : vector<16xf32>
    %add3A_1262 = arith.addf %broadcast_in_dim3A_1108, %mul3A_1261 : vector<16xf32>
    %add3A_1263 = arith.addf %broadcast_in_dim3A_1110, %select_n3A_1162 : vector<16xf32>
    %mul3A_1264 = arith.constant 3.200000e+01 : f32
    %mul3A_1265 = vector.broadcast %mul3A_1264 : f32 to vector<16xf32>
    %mul3A_1266 = arith.mulf %gather3A_68, %mul3A_1265 : vector<16xf32>
    %mul3A_1267 = arith.constant 3.200000e+01 : f32
    %mul3A_1268 = vector.broadcast %mul3A_1267 : f32 to vector<16xf32>
    %mul3A_1269 = arith.mulf %gather3A_72, %mul3A_1268 : vector<16xf32>
    %mul3A_1270 = arith.constant 3.200000e+01 : f32
    %mul3A_1271 = vector.broadcast %mul3A_1270 : f32 to vector<16xf32>
    %mul3A_1272 = arith.mulf %gather3A_76, %mul3A_1271 : vector<16xf32>
    %mul3A_1273 = arith.constant 3.200000e+01 : f32
    %mul3A_1274 = vector.broadcast %mul3A_1273 : f32 to vector<16xf32>
    %mul3A_1275 = arith.mulf %gather3A_80, %mul3A_1274 : vector<16xf32>
    %convert_element_type3A_1276 = arith.fptosi %mul3A_1266 : vector<16xf32> to vector<16xi32>
    %convert_element_type3A_1277 = arith.sitofp %convert_element_type3A_1276 : vector<16xi32> to vector<16xf32>
    %sub3A_1278 = arith.subf %mul3A_1266, %convert_element_type3A_1277 : vector<16xf32>
    %convert_element_type3A_1279 = arith.fptosi %mul3A_1269 : vector<16xf32> to vector<16xi32>
    %convert_element_type3A_1280 = arith.sitofp %convert_element_type3A_1279 : vector<16xi32> to vector<16xf32>
    %sub3A_1281 = arith.subf %mul3A_1269, %convert_element_type3A_1280 : vector<16xf32>
    %min3A_1282 = arith.constant 2 : i32
    %min3A_1283 = vector.broadcast %min3A_1282 : i32 to vector<16xi32>
    %min3A_1284 = arith.minsi %div3A_54, %min3A_1283 : vector<16xi32>
    %mul3A_1285 = arith.constant 2 : i32
    %mul3A_1286 = vector.broadcast %mul3A_1285 : i32 to vector<16xi32>
    %mul3A_1287 = arith.muli %min3A_1284, %mul3A_1286 : vector<16xi32>
    %add3A_1288 = arith.constant 1208 : i32
    %add3A_1289 = vector.broadcast %add3A_1288 : i32 to vector<16xi32>
    %add3A_1290 = arith.addi %add3A_1289, %mul3A_1287 : vector<16xi32>
    %gather3A_1291 = tpu.vector_load_idx %arg7[%add3A_1290] : memref<1224xf32, #tpu.memory_space<vmem>>[vector<16xi32>], vector<16xf32>,
    %add3A_1292 = arith.constant 1 : i32
    %add3A_1293 = vector.broadcast %add3A_1292 : i32 to vector<16xi32>
    %add3A_1294 = arith.addi %add3A_1290, %add3A_1293 : vector<16xi32>
    %gather3A_1295 = tpu.vector_load_idx %arg7[%add3A_1294] : memref<1224xf32, #tpu.memory_space<vmem>>[vector<16xi32>], vector<16xf32>,
    %div3A_1296 = arith.divf %mul3A_1272, %gather3A_1291 : vector<16xf32>
    %div3A_1297 = arith.divf %mul3A_1275, %gather3A_1295 : vector<16xf32>
    %div3A_1298 = arith.constant 1.000000e+00 : f32
    %div3A_1299 = vector.broadcast %div3A_1298 : f32 to vector<16xf32>
    %div3A_1300 = arith.divf %div3A_1299, %div3A_1296 : vector<16xf32>
    %max3A_1301 = arith.maximumf %div3A_1296, %div3A_1300 : vector<16xf32>
    %div3A_1302 = arith.constant 1.000000e+00 : f32
    %div3A_1303 = vector.broadcast %div3A_1302 : f32 to vector<16xf32>
    %div3A_1304 = arith.divf %div3A_1303, %div3A_1297 : vector<16xf32>
    %max3A_1305 = arith.maximumf %div3A_1297, %div3A_1304 : vector<16xf32>
    %max3A_1306 = arith.maximumf %max3A_1301, %max3A_1305 : vector<16xf32>
    %lt3A_1307 = arith.constant 4.000000e+00 : f32
    %lt3A_1308 = vector.broadcast %lt3A_1307 : f32 to vector<16xf32>
    %lt3A_1309 = arith.cmpf olt, %max3A_1306, %lt3A_1308 : vector<16xf32>
    %and3A_1310 = arith.andi %and3A_51, %lt3A_1309 : vector<16xi1>
    %jit3A_1311 = arith.constant 1.000000e+00 : f32
    %jit3A_1312 = arith.constant 0.000000e+00 : f32
    %broadcast_in_dim3A_1313 = vector.broadcast %jit3A_1311 : f32 to vector<16xf32>
    %broadcast_in_dim3A_1314 = vector.broadcast %jit3A_1312 : f32 to vector<16xf32>
    %select_n3A_1315 = arith.select %and3A_1310, %broadcast_in_dim3A_1313, %broadcast_in_dim3A_1314 : vector<16xi1>, vector<16xf32>
    %add3A_1316 = arith.constant 16 : i32
    %add3A_1317 = vector.broadcast %add3A_1316 : i32 to vector<16xi32>
    %add3A_1318 = arith.addi %add3A_1317, %iota3A : vector<16xi32>
    %min3A_1319 = arith.constant 37 : i32
    %min3A_1320 = vector.broadcast %min3A_1319 : i32 to vector<16xi32>
    %min3A_1321 = arith.minsi %add3A_1318, %min3A_1320 : vector<16xi32>
    %broadcast_in_dim3A_1322 = arith.constant 0 : i32
    %broadcast_in_dim3A_1323 = vector.broadcast %broadcast_in_dim3A_1322 : i32 to vector<16xi32>
    %gather3A_1324 = tpu.vector_load_idx %arg10[%min3A_1321, %broadcast_in_dim3A_1323] : memref<38x85xf32, #tpu.memory_space<vmem>>[vector<16xi32>, vector<16xi32>], vector<16xf32>,
    %broadcast_in_dim3A_1325 = arith.constant 1 : i32
    %broadcast_in_dim3A_1326 = vector.broadcast %broadcast_in_dim3A_1325 : i32 to vector<16xi32>
    %gather3A_1327 = tpu.vector_load_idx %arg10[%min3A_1321, %broadcast_in_dim3A_1326] : memref<38x85xf32, #tpu.memory_space<vmem>>[vector<16xi32>, vector<16xi32>], vector<16xf32>,
    %broadcast_in_dim3A_1328 = arith.constant 2 : i32
    %broadcast_in_dim3A_1329 = vector.broadcast %broadcast_in_dim3A_1328 : i32 to vector<16xi32>
    %gather3A_1330 = tpu.vector_load_idx %arg10[%min3A_1321, %broadcast_in_dim3A_1329] : memref<38x85xf32, #tpu.memory_space<vmem>>[vector<16xi32>, vector<16xi32>], vector<16xf32>,
    %broadcast_in_dim3A_1331 = arith.constant 3 : i32
    %broadcast_in_dim3A_1332 = vector.broadcast %broadcast_in_dim3A_1331 : i32 to vector<16xi32>
    %gather3A_1333 = tpu.vector_load_idx %arg10[%min3A_1321, %broadcast_in_dim3A_1332] : memref<38x85xf32, #tpu.memory_space<vmem>>[vector<16xi32>, vector<16xi32>], vector<16xf32>,
    %neg3A_1334 = arith.constant 0.000000e+00 : f32
    %neg3A_1335 = vector.broadcast %neg3A_1334 : f32 to vector<16xf32>
    %neg3A_1336 = arith.subf %neg3A_1335, %gather3A_1324 : vector<16xf32>
    %exp3A_1337 = math.exp %neg3A_1336 : vector<16xf32>
    %add3A_1338 = arith.constant 1.000000e+00 : f32
    %add3A_1339 = vector.broadcast %add3A_1338 : f32 to vector<16xf32>
    %add3A_1340 = arith.addf %add3A_1339, %exp3A_1337 : vector<16xf32>
    %div3A_1341 = arith.constant 1.000000e+00 : f32
    %div3A_1342 = vector.broadcast %div3A_1341 : f32 to vector<16xf32>
    %div3A_1343 = arith.divf %div3A_1342, %add3A_1340 : vector<16xf32>
    %neg3A_1344 = arith.constant 0.000000e+00 : f32
    %neg3A_1345 = vector.broadcast %neg3A_1344 : f32 to vector<16xf32>
    %neg3A_1346 = arith.subf %neg3A_1345, %gather3A_1327 : vector<16xf32>
    %exp3A_1347 = math.exp %neg3A_1346 : vector<16xf32>
    %add3A_1348 = arith.constant 1.000000e+00 : f32
    %add3A_1349 = vector.broadcast %add3A_1348 : f32 to vector<16xf32>
    %add3A_1350 = arith.addf %add3A_1349, %exp3A_1347 : vector<16xf32>
    %div3A_1351 = arith.constant 1.000000e+00 : f32
    %div3A_1352 = vector.broadcast %div3A_1351 : f32 to vector<16xf32>
    %div3A_1353 = arith.divf %div3A_1352, %add3A_1350 : vector<16xf32>
    %exp3A_1354 = math.exp %gather3A_1330 : vector<16xf32>
    %mul3A_1355 = arith.mulf %exp3A_1354, %gather3A_1291 : vector<16xf32>
    %exp3A_1356 = math.exp %gather3A_1333 : vector<16xf32>
    %mul3A_1357 = arith.mulf %exp3A_1356, %gather3A_1295 : vector<16xf32>
    %mul3A_1358 = arith.constant 5.000000e-01 : f32
    %mul3A_1359 = vector.broadcast %mul3A_1358 : f32 to vector<16xf32>
    %mul3A_1360 = arith.mulf %mul3A_1355, %mul3A_1359 : vector<16xf32>
    %add3A_1361 = arith.addf %div3A_1343, %mul3A_1360 : vector<16xf32>
    %mul3A_1362 = arith.constant 5.000000e-01 : f32
    %mul3A_1363 = vector.broadcast %mul3A_1362 : f32 to vector<16xf32>
    %mul3A_1364 = arith.mulf %mul3A_1272, %mul3A_1363 : vector<16xf32>
    %add3A_1365 = arith.addf %sub3A_1278, %mul3A_1364 : vector<16xf32>
    %min3A_1366 = arith.minimumf %add3A_1361, %add3A_1365 : vector<16xf32>
    %mul3A_1367 = arith.constant 5.000000e-01 : f32
    %mul3A_1368 = vector.broadcast %mul3A_1367 : f32 to vector<16xf32>
    %mul3A_1369 = arith.mulf %mul3A_1355, %mul3A_1368 : vector<16xf32>
    %sub3A_1370 = arith.subf %div3A_1343, %mul3A_1369 : vector<16xf32>
    %mul3A_1371 = arith.constant 5.000000e-01 : f32
    %mul3A_1372 = vector.broadcast %mul3A_1371 : f32 to vector<16xf32>
    %mul3A_1373 = arith.mulf %mul3A_1272, %mul3A_1372 : vector<16xf32>
    %sub3A_1374 = arith.subf %sub3A_1278, %mul3A_1373 : vector<16xf32>
    %max3A_1375 = arith.maximumf %sub3A_1370, %sub3A_1374 : vector<16xf32>
    %sub3A_1376 = arith.subf %min3A_1366, %max3A_1375 : vector<16xf32>
    %max3A_1377 = arith.constant 0.000000e+00 : f32
    %max3A_1378 = vector.broadcast %max3A_1377 : f32 to vector<16xf32>
    %max3A_1379 = arith.maximumf %sub3A_1376, %max3A_1378 : vector<16xf32>
    %mul3A_1380 = arith.constant 5.000000e-01 : f32
    %mul3A_1381 = vector.broadcast %mul3A_1380 : f32 to vector<16xf32>
    %mul3A_1382 = arith.mulf %mul3A_1357, %mul3A_1381 : vector<16xf32>
    %add3A_1383 = arith.addf %div3A_1353, %mul3A_1382 : vector<16xf32>
    %mul3A_1384 = arith.constant 5.000000e-01 : f32
    %mul3A_1385 = vector.broadcast %mul3A_1384 : f32 to vector<16xf32>
    %mul3A_1386 = arith.mulf %mul3A_1275, %mul3A_1385 : vector<16xf32>
    %add3A_1387 = arith.addf %sub3A_1281, %mul3A_1386 : vector<16xf32>
    %min3A_1388 = arith.minimumf %add3A_1383, %add3A_1387 : vector<16xf32>
    %mul3A_1389 = arith.constant 5.000000e-01 : f32
    %mul3A_1390 = vector.broadcast %mul3A_1389 : f32 to vector<16xf32>
    %mul3A_1391 = arith.mulf %mul3A_1357, %mul3A_1390 : vector<16xf32>
    %sub3A_1392 = arith.subf %div3A_1353, %mul3A_1391 : vector<16xf32>
    %mul3A_1393 = arith.constant 5.000000e-01 : f32
    %mul3A_1394 = vector.broadcast %mul3A_1393 : f32 to vector<16xf32>
    %mul3A_1395 = arith.mulf %mul3A_1275, %mul3A_1394 : vector<16xf32>
    %sub3A_1396 = arith.subf %sub3A_1281, %mul3A_1395 : vector<16xf32>
    %max3A_1397 = arith.maximumf %sub3A_1392, %sub3A_1396 : vector<16xf32>
    %sub3A_1398 = arith.subf %min3A_1388, %max3A_1397 : vector<16xf32>
    %max3A_1399 = arith.constant 0.000000e+00 : f32
    %max3A_1400 = vector.broadcast %max3A_1399 : f32 to vector<16xf32>
    %max3A_1401 = arith.maximumf %sub3A_1398, %max3A_1400 : vector<16xf32>
    %mul3A_1402 = arith.mulf %max3A_1379, %max3A_1401 : vector<16xf32>
    %mul3A_1403 = arith.mulf %mul3A_1355, %mul3A_1357 : vector<16xf32>
    %mul3A_1404 = arith.mulf %mul3A_1272, %mul3A_1275 : vector<16xf32>
    %add3A_1405 = arith.addf %mul3A_1403, %mul3A_1404 : vector<16xf32>
    %sub3A_1406 = arith.subf %add3A_1405, %mul3A_1402 : vector<16xf32>
    %add3A_1407 = arith.constant 1.000000e-07 : f32
    %add3A_1408 = vector.broadcast %add3A_1407 : f32 to vector<16xf32>
    %add3A_1409 = arith.addf %sub3A_1406, %add3A_1408 : vector<16xf32>
    %div3A_1410 = arith.divf %mul3A_1402, %add3A_1409 : vector<16xf32>
    %sub3A_1411 = arith.constant 1.000000e+00 : f32
    %sub3A_1412 = vector.broadcast %sub3A_1411 : f32 to vector<16xf32>
    %sub3A_1413 = arith.subf %sub3A_1412, %div3A_1410 : vector<16xf32>
    %mul3A_1414 = arith.mulf %sub3A_1413, %select_n3A_1315 : vector<16xf32>
    %add3A_1415 = arith.addf %add3A_1262, %mul3A_1414 : vector<16xf32>
    %add3A_1416 = arith.addf %add3A_1263, %select_n3A_1315 : vector<16xf32>
    %mul3A_1417 = arith.constant 3.200000e+01 : f32
    %mul3A_1418 = vector.broadcast %mul3A_1417 : f32 to vector<16xf32>
    %mul3A_1419 = arith.mulf %gather3A_111, %mul3A_1418 : vector<16xf32>
    %mul3A_1420 = arith.constant 3.200000e+01 : f32
    %mul3A_1421 = vector.broadcast %mul3A_1420 : f32 to vector<16xf32>
    %mul3A_1422 = arith.mulf %gather3A_115, %mul3A_1421 : vector<16xf32>
    %mul3A_1423 = arith.constant 3.200000e+01 : f32
    %mul3A_1424 = vector.broadcast %mul3A_1423 : f32 to vector<16xf32>
    %mul3A_1425 = arith.mulf %gather3A_119, %mul3A_1424 : vector<16xf32>
    %mul3A_1426 = arith.constant 3.200000e+01 : f32
    %mul3A_1427 = vector.broadcast %mul3A_1426 : f32 to vector<16xf32>
    %mul3A_1428 = arith.mulf %gather3A_123, %mul3A_1427 : vector<16xf32>
    %convert_element_type3A_1429 = arith.fptosi %mul3A_1419 : vector<16xf32> to vector<16xi32>
    %convert_element_type3A_1430 = arith.sitofp %convert_element_type3A_1429 : vector<16xi32> to vector<16xf32>
    %sub3A_1431 = arith.subf %mul3A_1419, %convert_element_type3A_1430 : vector<16xf32>
    %convert_element_type3A_1432 = arith.fptosi %mul3A_1422 : vector<16xf32> to vector<16xi32>
    %convert_element_type3A_1433 = arith.sitofp %convert_element_type3A_1432 : vector<16xi32> to vector<16xf32>
    %sub3A_1434 = arith.subf %mul3A_1422, %convert_element_type3A_1433 : vector<16xf32>
    %min3A_1435 = arith.constant 2 : i32
    %min3A_1436 = vector.broadcast %min3A_1435 : i32 to vector<16xi32>
    %min3A_1437 = arith.minsi %div3A_97, %min3A_1436 : vector<16xi32>
    %mul3A_1438 = arith.constant 2 : i32
    %mul3A_1439 = vector.broadcast %mul3A_1438 : i32 to vector<16xi32>
    %mul3A_1440 = arith.muli %min3A_1437, %mul3A_1439 : vector<16xi32>
    %add3A_1441 = arith.constant 1208 : i32
    %add3A_1442 = vector.broadcast %add3A_1441 : i32 to vector<16xi32>
    %add3A_1443 = arith.addi %add3A_1442, %mul3A_1440 : vector<16xi32>
    %gather3A_1444 = tpu.vector_load_idx %arg7[%add3A_1443] : memref<1224xf32, #tpu.memory_space<vmem>>[vector<16xi32>], vector<16xf32>,
    %add3A_1445 = arith.constant 1 : i32
    %add3A_1446 = vector.broadcast %add3A_1445 : i32 to vector<16xi32>
    %add3A_1447 = arith.addi %add3A_1443, %add3A_1446 : vector<16xi32>
    %gather3A_1448 = tpu.vector_load_idx %arg7[%add3A_1447] : memref<1224xf32, #tpu.memory_space<vmem>>[vector<16xi32>], vector<16xf32>,
    %div3A_1449 = arith.divf %mul3A_1425, %gather3A_1444 : vector<16xf32>
    %div3A_1450 = arith.divf %mul3A_1428, %gather3A_1448 : vector<16xf32>
    %div3A_1451 = arith.constant 1.000000e+00 : f32
    %div3A_1452 = vector.broadcast %div3A_1451 : f32 to vector<16xf32>
    %div3A_1453 = arith.divf %div3A_1452, %div3A_1449 : vector<16xf32>
    %max3A_1454 = arith.maximumf %div3A_1449, %div3A_1453 : vector<16xf32>
    %div3A_1455 = arith.constant 1.000000e+00 : f32
    %div3A_1456 = vector.broadcast %div3A_1455 : f32 to vector<16xf32>
    %div3A_1457 = arith.divf %div3A_1456, %div3A_1450 : vector<16xf32>
    %max3A_1458 = arith.maximumf %div3A_1450, %div3A_1457 : vector<16xf32>
    %max3A_1459 = arith.maximumf %max3A_1454, %max3A_1458 : vector<16xf32>
    %lt3A_1460 = arith.constant 4.000000e+00 : f32
    %lt3A_1461 = vector.broadcast %lt3A_1460 : f32 to vector<16xf32>
    %lt3A_1462 = arith.cmpf olt, %max3A_1459, %lt3A_1461 : vector<16xf32>
    %and3A_1463 = arith.andi %and3A_94, %lt3A_1462 : vector<16xi1>
    %jit3A_1464 = arith.constant 1.000000e+00 : f32
    %jit3A_1465 = arith.constant 0.000000e+00 : f32
    %broadcast_in_dim3A_1466 = vector.broadcast %jit3A_1464 : f32 to vector<16xf32>
    %broadcast_in_dim3A_1467 = vector.broadcast %jit3A_1465 : f32 to vector<16xf32>
    %select_n3A_1468 = arith.select %and3A_1463, %broadcast_in_dim3A_1466, %broadcast_in_dim3A_1467 : vector<16xi1>, vector<16xf32>
    %add3A_1469 = arith.constant 32 : i32
    %add3A_1470 = vector.broadcast %add3A_1469 : i32 to vector<16xi32>
    %add3A_1471 = arith.addi %add3A_1470, %iota3A : vector<16xi32>
    %min3A_1472 = arith.constant 37 : i32
    %min3A_1473 = vector.broadcast %min3A_1472 : i32 to vector<16xi32>
    %min3A_1474 = arith.minsi %add3A_1471, %min3A_1473 : vector<16xi32>
    %broadcast_in_dim3A_1475 = arith.constant 0 : i32
    %broadcast_in_dim3A_1476 = vector.broadcast %broadcast_in_dim3A_1475 : i32 to vector<16xi32>
    %gather3A_1477 = tpu.vector_load_idx %arg10[%min3A_1474, %broadcast_in_dim3A_1476] : memref<38x85xf32, #tpu.memory_space<vmem>>[vector<16xi32>, vector<16xi32>], vector<16xf32>,
    %broadcast_in_dim3A_1478 = arith.constant 1 : i32
    %broadcast_in_dim3A_1479 = vector.broadcast %broadcast_in_dim3A_1478 : i32 to vector<16xi32>
    %gather3A_1480 = tpu.vector_load_idx %arg10[%min3A_1474, %broadcast_in_dim3A_1479] : memref<38x85xf32, #tpu.memory_space<vmem>>[vector<16xi32>, vector<16xi32>], vector<16xf32>,
    %broadcast_in_dim3A_1481 = arith.constant 2 : i32
    %broadcast_in_dim3A_1482 = vector.broadcast %broadcast_in_dim3A_1481 : i32 to vector<16xi32>
    %gather3A_1483 = tpu.vector_load_idx %arg10[%min3A_1474, %broadcast_in_dim3A_1482] : memref<38x85xf32, #tpu.memory_space<vmem>>[vector<16xi32>, vector<16xi32>], vector<16xf32>,
    %broadcast_in_dim3A_1484 = arith.constant 3 : i32
    %broadcast_in_dim3A_1485 = vector.broadcast %broadcast_in_dim3A_1484 : i32 to vector<16xi32>
    %gather3A_1486 = tpu.vector_load_idx %arg10[%min3A_1474, %broadcast_in_dim3A_1485] : memref<38x85xf32, #tpu.memory_space<vmem>>[vector<16xi32>, vector<16xi32>], vector<16xf32>,
    %neg3A_1487 = arith.constant 0.000000e+00 : f32
    %neg3A_1488 = vector.broadcast %neg3A_1487 : f32 to vector<16xf32>
    %neg3A_1489 = arith.subf %neg3A_1488, %gather3A_1477 : vector<16xf32>
    %exp3A_1490 = math.exp %neg3A_1489 : vector<16xf32>
    %add3A_1491 = arith.constant 1.000000e+00 : f32
    %add3A_1492 = vector.broadcast %add3A_1491 : f32 to vector<16xf32>
    %add3A_1493 = arith.addf %add3A_1492, %exp3A_1490 : vector<16xf32>
    %div3A_1494 = arith.constant 1.000000e+00 : f32
    %div3A_1495 = vector.broadcast %div3A_1494 : f32 to vector<16xf32>
    %div3A_1496 = arith.divf %div3A_1495, %add3A_1493 : vector<16xf32>
    %neg3A_1497 = arith.constant 0.000000e+00 : f32
    %neg3A_1498 = vector.broadcast %neg3A_1497 : f32 to vector<16xf32>
    %neg3A_1499 = arith.subf %neg3A_1498, %gather3A_1480 : vector<16xf32>
    %exp3A_1500 = math.exp %neg3A_1499 : vector<16xf32>
    %add3A_1501 = arith.constant 1.000000e+00 : f32
    %add3A_1502 = vector.broadcast %add3A_1501 : f32 to vector<16xf32>
    %add3A_1503 = arith.addf %add3A_1502, %exp3A_1500 : vector<16xf32>
    %div3A_1504 = arith.constant 1.000000e+00 : f32
    %div3A_1505 = vector.broadcast %div3A_1504 : f32 to vector<16xf32>
    %div3A_1506 = arith.divf %div3A_1505, %add3A_1503 : vector<16xf32>
    %exp3A_1507 = math.exp %gather3A_1483 : vector<16xf32>
    %mul3A_1508 = arith.mulf %exp3A_1507, %gather3A_1444 : vector<16xf32>
    %exp3A_1509 = math.exp %gather3A_1486 : vector<16xf32>
    %mul3A_1510 = arith.mulf %exp3A_1509, %gather3A_1448 : vector<16xf32>
    %mul3A_1511 = arith.constant 5.000000e-01 : f32
    %mul3A_1512 = vector.broadcast %mul3A_1511 : f32 to vector<16xf32>
    %mul3A_1513 = arith.mulf %mul3A_1508, %mul3A_1512 : vector<16xf32>
    %add3A_1514 = arith.addf %div3A_1496, %mul3A_1513 : vector<16xf32>
    %mul3A_1515 = arith.constant 5.000000e-01 : f32
    %mul3A_1516 = vector.broadcast %mul3A_1515 : f32 to vector<16xf32>
    %mul3A_1517 = arith.mulf %mul3A_1425, %mul3A_1516 : vector<16xf32>
    %add3A_1518 = arith.addf %sub3A_1431, %mul3A_1517 : vector<16xf32>
    %min3A_1519 = arith.minimumf %add3A_1514, %add3A_1518 : vector<16xf32>
    %mul3A_1520 = arith.constant 5.000000e-01 : f32
    %mul3A_1521 = vector.broadcast %mul3A_1520 : f32 to vector<16xf32>
    %mul3A_1522 = arith.mulf %mul3A_1508, %mul3A_1521 : vector<16xf32>
    %sub3A_1523 = arith.subf %div3A_1496, %mul3A_1522 : vector<16xf32>
    %mul3A_1524 = arith.constant 5.000000e-01 : f32
    %mul3A_1525 = vector.broadcast %mul3A_1524 : f32 to vector<16xf32>
    %mul3A_1526 = arith.mulf %mul3A_1425, %mul3A_1525 : vector<16xf32>
    %sub3A_1527 = arith.subf %sub3A_1431, %mul3A_1526 : vector<16xf32>
    %max3A_1528 = arith.maximumf %sub3A_1523, %sub3A_1527 : vector<16xf32>
    %sub3A_1529 = arith.subf %min3A_1519, %max3A_1528 : vector<16xf32>
    %max3A_1530 = arith.constant 0.000000e+00 : f32
    %max3A_1531 = vector.broadcast %max3A_1530 : f32 to vector<16xf32>
    %max3A_1532 = arith.maximumf %sub3A_1529, %max3A_1531 : vector<16xf32>
    %mul3A_1533 = arith.constant 5.000000e-01 : f32
    %mul3A_1534 = vector.broadcast %mul3A_1533 : f32 to vector<16xf32>
    %mul3A_1535 = arith.mulf %mul3A_1510, %mul3A_1534 : vector<16xf32>
    %add3A_1536 = arith.addf %div3A_1506, %mul3A_1535 : vector<16xf32>
    %mul3A_1537 = arith.constant 5.000000e-01 : f32
    %mul3A_1538 = vector.broadcast %mul3A_1537 : f32 to vector<16xf32>
    %mul3A_1539 = arith.mulf %mul3A_1428, %mul3A_1538 : vector<16xf32>
    %add3A_1540 = arith.addf %sub3A_1434, %mul3A_1539 : vector<16xf32>
    %min3A_1541 = arith.minimumf %add3A_1536, %add3A_1540 : vector<16xf32>
    %mul3A_1542 = arith.constant 5.000000e-01 : f32
    %mul3A_1543 = vector.broadcast %mul3A_1542 : f32 to vector<16xf32>
    %mul3A_1544 = arith.mulf %mul3A_1510, %mul3A_1543 : vector<16xf32>
    %sub3A_1545 = arith.subf %div3A_1506, %mul3A_1544 : vector<16xf32>
    %mul3A_1546 = arith.constant 5.000000e-01 : f32
    %mul3A_1547 = vector.broadcast %mul3A_1546 : f32 to vector<16xf32>
    %mul3A_1548 = arith.mulf %mul3A_1428, %mul3A_1547 : vector<16xf32>
    %sub3A_1549 = arith.subf %sub3A_1434, %mul3A_1548 : vector<16xf32>
    %max3A_1550 = arith.maximumf %sub3A_1545, %sub3A_1549 : vector<16xf32>
    %sub3A_1551 = arith.subf %min3A_1541, %max3A_1550 : vector<16xf32>
    %max3A_1552 = arith.constant 0.000000e+00 : f32
    %max3A_1553 = vector.broadcast %max3A_1552 : f32 to vector<16xf32>
    %max3A_1554 = arith.maximumf %sub3A_1551, %max3A_1553 : vector<16xf32>
    %mul3A_1555 = arith.mulf %max3A_1532, %max3A_1554 : vector<16xf32>
    %mul3A_1556 = arith.mulf %mul3A_1508, %mul3A_1510 : vector<16xf32>
    %mul3A_1557 = arith.mulf %mul3A_1425, %mul3A_1428 : vector<16xf32>
    %add3A_1558 = arith.addf %mul3A_1556, %mul3A_1557 : vector<16xf32>
    %sub3A_1559 = arith.subf %add3A_1558, %mul3A_1555 : vector<16xf32>
    %add3A_1560 = arith.constant 1.000000e-07 : f32
    %add3A_1561 = vector.broadcast %add3A_1560 : f32 to vector<16xf32>
    %add3A_1562 = arith.addf %sub3A_1559, %add3A_1561 : vector<16xf32>
    %div3A_1563 = arith.divf %mul3A_1555, %add3A_1562 : vector<16xf32>
    %sub3A_1564 = arith.constant 1.000000e+00 : f32
    %sub3A_1565 = vector.broadcast %sub3A_1564 : f32 to vector<16xf32>
    %sub3A_1566 = arith.subf %sub3A_1565, %div3A_1563 : vector<16xf32>
    %mul3A_1567 = arith.mulf %sub3A_1566, %select_n3A_1468 : vector<16xf32>
    %add3A_1568 = arith.addf %add3A_1415, %mul3A_1567 : vector<16xf32>
    %add3A_1569 = arith.addf %add3A_1416, %select_n3A_1468 : vector<16xf32>
    %swap3A_1570 = arith.constant 16 : index
    %swap3A_1571 = tpu.vector_load %arg12[%swap3A_1570] {strides = array<i32>} : memref<96xf32, #tpu.memory_space<vmem>>, vector<16xf32>,
    tpu.vector_store %arg12[%swap3A_1570], %add3A_1568 {strides = array<i32>} : memref<96xf32, #tpu.memory_space<vmem>>, vector<16xf32>,
    %swap3A_1572 = arith.constant 64 : index
    %swap3A_1573 = tpu.vector_load %arg12[%swap3A_1572] {strides = array<i32>} : memref<96xf32, #tpu.memory_space<vmem>>, vector<16xf32>,
    tpu.vector_store %arg12[%swap3A_1572], %add3A_1569 {strides = array<i32>} : memref<96xf32, #tpu.memory_space<vmem>>, vector<16xf32>,
    %dma_wait3A_1574 = arith.constant 0 : i32
    %dma_wait3A_1575 = arith.constant 0 : i32
    %dma_wait3A_1576 = tpu.memref_slice %arg11[%dma_wait3A_1574, %dma_wait3A_1575] : memref<38x85xf32, #tpu.memory_space<vmem>> -> memref<32x85xf32, #tpu.memory_space<vmem>>
    %dma_wait3A_1577 = arith.constant 0 : i32
    %dma_wait3A_1578 = arith.constant 0 : i32
    %dma_wait3A_1579 = tpu.memref_slice %arg4[%dma_wait3A_1577, %dma_wait3A_1578] : memref<12288x85xf32, #tpu.memory_space<hbm>> -> memref<32x85xf32, #tpu.memory_space<hbm>>
    %dma_wait3A_1580 = arith.constant 0 : i32
    %dma_wait3A_1581 = arith.constant 0 : i32
    %dma_wait3A_1582 = tpu.memref_slice %arg11[%dma_wait3A_1580, %dma_wait3A_1581] : memref<38x85xf32, #tpu.memory_space<vmem>> -> memref<32x85xf32, #tpu.memory_space<vmem>>
    %dma_wait3A_1583 = arith.constant 0 : i32
    %dma_wait3A_1584 = arith.constant 0 : i32
    %dma_wait3A_1585 = tpu.memref_slice %arg4[%dma_wait3A_1583, %dma_wait3A_1584] : memref<12288x85xf32, #tpu.memory_space<hbm>> -> memref<32x85xf32, #tpu.memory_space<hbm>>
    tpu.wait_dma2 semaphore(%arg16 : memref<!tpu.dma_semaphore, #tpu.memory_space<semaphore_mem>>) src(%dma_wait3A_1585 : memref<32x85xf32, #tpu.memory_space<hbm>>) dst(%dma_wait3A_1582 : memref<32x85xf32, #tpu.memory_space<vmem>>)
    %dma_wait3A_1586 = arith.constant 32 : i32
    %dma_wait3A_1587 = arith.constant 0 : i32
    %dma_wait3A_1588 = tpu.memref_slice %arg11[%dma_wait3A_1586, %dma_wait3A_1587] : memref<38x85xf32, #tpu.memory_space<vmem>> -> memref<1x85xf32, #tpu.memory_space<vmem>>
    %dma_wait3A_1589 = arith.constant 0 : i32
    %dma_wait3A_1590 = arith.constant 0 : i32
    %dma_wait3A_1591 = tpu.memref_slice %arg4[%dma_wait3A_1589, %dma_wait3A_1590] : memref<12288x85xf32, #tpu.memory_space<hbm>> -> memref<1x85xf32, #tpu.memory_space<hbm>>
    %dma_wait3A_1592 = arith.constant 32 : i32
    %dma_wait3A_1593 = arith.constant 0 : i32
    %dma_wait3A_1594 = tpu.memref_slice %arg11[%dma_wait3A_1592, %dma_wait3A_1593] : memref<38x85xf32, #tpu.memory_space<vmem>> -> memref<1x85xf32, #tpu.memory_space<vmem>>
    %dma_wait3A_1595 = arith.constant 0 : i32
    %dma_wait3A_1596 = arith.constant 0 : i32
    %dma_wait3A_1597 = tpu.memref_slice %arg4[%dma_wait3A_1595, %dma_wait3A_1596] : memref<12288x85xf32, #tpu.memory_space<hbm>> -> memref<1x85xf32, #tpu.memory_space<hbm>>
    tpu.wait_dma2 semaphore(%arg16 : memref<!tpu.dma_semaphore, #tpu.memory_space<semaphore_mem>>) src(%dma_wait3A_1597 : memref<1x85xf32, #tpu.memory_space<hbm>>) dst(%dma_wait3A_1594 : memref<1x85xf32, #tpu.memory_space<vmem>>)
    %dma_wait3A_1598 = arith.constant 33 : i32
    %dma_wait3A_1599 = arith.constant 0 : i32
    %dma_wait3A_1600 = tpu.memref_slice %arg11[%dma_wait3A_1598, %dma_wait3A_1599] : memref<38x85xf32, #tpu.memory_space<vmem>> -> memref<1x85xf32, #tpu.memory_space<vmem>>
    %dma_wait3A_1601 = arith.constant 0 : i32
    %dma_wait3A_1602 = arith.constant 0 : i32
    %dma_wait3A_1603 = tpu.memref_slice %arg4[%dma_wait3A_1601, %dma_wait3A_1602] : memref<12288x85xf32, #tpu.memory_space<hbm>> -> memref<1x85xf32, #tpu.memory_space<hbm>>
    %dma_wait3A_1604 = arith.constant 33 : i32
    %dma_wait3A_1605 = arith.constant 0 : i32
    %dma_wait3A_1606 = tpu.memref_slice %arg11[%dma_wait3A_1604, %dma_wait3A_1605] : memref<38x85xf32, #tpu.memory_space<vmem>> -> memref<1x85xf32, #tpu.memory_space<vmem>>
    %dma_wait3A_1607 = arith.constant 0 : i32
    %dma_wait3A_1608 = arith.constant 0 : i32
    %dma_wait3A_1609 = tpu.memref_slice %arg4[%dma_wait3A_1607, %dma_wait3A_1608] : memref<12288x85xf32, #tpu.memory_space<hbm>> -> memref<1x85xf32, #tpu.memory_space<hbm>>
    tpu.wait_dma2 semaphore(%arg16 : memref<!tpu.dma_semaphore, #tpu.memory_space<semaphore_mem>>) src(%dma_wait3A_1609 : memref<1x85xf32, #tpu.memory_space<hbm>>) dst(%dma_wait3A_1606 : memref<1x85xf32, #tpu.memory_space<vmem>>)
    %dma_wait3A_1610 = arith.constant 34 : i32
    %dma_wait3A_1611 = arith.constant 0 : i32
    %dma_wait3A_1612 = tpu.memref_slice %arg11[%dma_wait3A_1610, %dma_wait3A_1611] : memref<38x85xf32, #tpu.memory_space<vmem>> -> memref<1x85xf32, #tpu.memory_space<vmem>>
    %dma_wait3A_1613 = arith.constant 0 : i32
    %dma_wait3A_1614 = arith.constant 0 : i32
    %dma_wait3A_1615 = tpu.memref_slice %arg4[%dma_wait3A_1613, %dma_wait3A_1614] : memref<12288x85xf32, #tpu.memory_space<hbm>> -> memref<1x85xf32, #tpu.memory_space<hbm>>
    %dma_wait3A_1616 = arith.constant 34 : i32
    %dma_wait3A_1617 = arith.constant 0 : i32
    %dma_wait3A_1618 = tpu.memref_slice %arg11[%dma_wait3A_1616, %dma_wait3A_1617] : memref<38x85xf32, #tpu.memory_space<vmem>> -> memref<1x85xf32, #tpu.memory_space<vmem>>
    %dma_wait3A_1619 = arith.constant 0 : i32
    %dma_wait3A_1620 = arith.constant 0 : i32
    %dma_wait3A_1621 = tpu.memref_slice %arg4[%dma_wait3A_1619, %dma_wait3A_1620] : memref<12288x85xf32, #tpu.memory_space<hbm>> -> memref<1x85xf32, #tpu.memory_space<hbm>>
    tpu.wait_dma2 semaphore(%arg16 : memref<!tpu.dma_semaphore, #tpu.memory_space<semaphore_mem>>) src(%dma_wait3A_1621 : memref<1x85xf32, #tpu.memory_space<hbm>>) dst(%dma_wait3A_1618 : memref<1x85xf32, #tpu.memory_space<vmem>>)
    %dma_wait3A_1622 = arith.constant 35 : i32
    %dma_wait3A_1623 = arith.constant 0 : i32
    %dma_wait3A_1624 = tpu.memref_slice %arg11[%dma_wait3A_1622, %dma_wait3A_1623] : memref<38x85xf32, #tpu.memory_space<vmem>> -> memref<1x85xf32, #tpu.memory_space<vmem>>
    %dma_wait3A_1625 = arith.constant 0 : i32
    %dma_wait3A_1626 = arith.constant 0 : i32
    %dma_wait3A_1627 = tpu.memref_slice %arg4[%dma_wait3A_1625, %dma_wait3A_1626] : memref<12288x85xf32, #tpu.memory_space<hbm>> -> memref<1x85xf32, #tpu.memory_space<hbm>>
    %dma_wait3A_1628 = arith.constant 35 : i32
    %dma_wait3A_1629 = arith.constant 0 : i32
    %dma_wait3A_1630 = tpu.memref_slice %arg11[%dma_wait3A_1628, %dma_wait3A_1629] : memref<38x85xf32, #tpu.memory_space<vmem>> -> memref<1x85xf32, #tpu.memory_space<vmem>>
    %dma_wait3A_1631 = arith.constant 0 : i32
    %dma_wait3A_1632 = arith.constant 0 : i32
    %dma_wait3A_1633 = tpu.memref_slice %arg4[%dma_wait3A_1631, %dma_wait3A_1632] : memref<12288x85xf32, #tpu.memory_space<hbm>> -> memref<1x85xf32, #tpu.memory_space<hbm>>
    tpu.wait_dma2 semaphore(%arg16 : memref<!tpu.dma_semaphore, #tpu.memory_space<semaphore_mem>>) src(%dma_wait3A_1633 : memref<1x85xf32, #tpu.memory_space<hbm>>) dst(%dma_wait3A_1630 : memref<1x85xf32, #tpu.memory_space<vmem>>)
    %dma_wait3A_1634 = arith.constant 36 : i32
    %dma_wait3A_1635 = arith.constant 0 : i32
    %dma_wait3A_1636 = tpu.memref_slice %arg11[%dma_wait3A_1634, %dma_wait3A_1635] : memref<38x85xf32, #tpu.memory_space<vmem>> -> memref<1x85xf32, #tpu.memory_space<vmem>>
    %dma_wait3A_1637 = arith.constant 0 : i32
    %dma_wait3A_1638 = arith.constant 0 : i32
    %dma_wait3A_1639 = tpu.memref_slice %arg4[%dma_wait3A_1637, %dma_wait3A_1638] : memref<12288x85xf32, #tpu.memory_space<hbm>> -> memref<1x85xf32, #tpu.memory_space<hbm>>
    %dma_wait3A_1640 = arith.constant 36 : i32
    %dma_wait3A_1641 = arith.constant 0 : i32
    %dma_wait3A_1642 = tpu.memref_slice %arg11[%dma_wait3A_1640, %dma_wait3A_1641] : memref<38x85xf32, #tpu.memory_space<vmem>> -> memref<1x85xf32, #tpu.memory_space<vmem>>
    %dma_wait3A_1643 = arith.constant 0 : i32
    %dma_wait3A_1644 = arith.constant 0 : i32
    %dma_wait3A_1645 = tpu.memref_slice %arg4[%dma_wait3A_1643, %dma_wait3A_1644] : memref<12288x85xf32, #tpu.memory_space<hbm>> -> memref<1x85xf32, #tpu.memory_space<hbm>>
    tpu.wait_dma2 semaphore(%arg16 : memref<!tpu.dma_semaphore, #tpu.memory_space<semaphore_mem>>) src(%dma_wait3A_1645 : memref<1x85xf32, #tpu.memory_space<hbm>>) dst(%dma_wait3A_1642 : memref<1x85xf32, #tpu.memory_space<vmem>>)
    %dma_wait3A_1646 = arith.constant 37 : i32
    %dma_wait3A_1647 = arith.constant 0 : i32
    %dma_wait3A_1648 = tpu.memref_slice %arg11[%dma_wait3A_1646, %dma_wait3A_1647] : memref<38x85xf32, #tpu.memory_space<vmem>> -> memref<1x85xf32, #tpu.memory_space<vmem>>
    %dma_wait3A_1649 = arith.constant 0 : i32
    %dma_wait3A_1650 = arith.constant 0 : i32
    %dma_wait3A_1651 = tpu.memref_slice %arg4[%dma_wait3A_1649, %dma_wait3A_1650] : memref<12288x85xf32, #tpu.memory_space<hbm>> -> memref<1x85xf32, #tpu.memory_space<hbm>>
    %dma_wait3A_1652 = arith.constant 37 : i32
    %dma_wait3A_1653 = arith.constant 0 : i32
    %dma_wait3A_1654 = tpu.memref_slice %arg11[%dma_wait3A_1652, %dma_wait3A_1653] : memref<38x85xf32, #tpu.memory_space<vmem>> -> memref<1x85xf32, #tpu.memory_space<vmem>>
    %dma_wait3A_1655 = arith.constant 0 : i32
    %dma_wait3A_1656 = arith.constant 0 : i32
    %dma_wait3A_1657 = tpu.memref_slice %arg4[%dma_wait3A_1655, %dma_wait3A_1656] : memref<12288x85xf32, #tpu.memory_space<hbm>> -> memref<1x85xf32, #tpu.memory_space<hbm>>
    tpu.wait_dma2 semaphore(%arg16 : memref<!tpu.dma_semaphore, #tpu.memory_space<semaphore_mem>>) src(%dma_wait3A_1657 : memref<1x85xf32, #tpu.memory_space<hbm>>) dst(%dma_wait3A_1654 : memref<1x85xf32, #tpu.memory_space<vmem>>)
    %broadcast_in_dim3A_1658 = arith.constant 0.000000e+00 : f32
    %broadcast_in_dim3A_1659 = vector.broadcast %broadcast_in_dim3A_1658 : f32 to vector<16xf32>
    %broadcast_in_dim3A_1660 = arith.constant 0.000000e+00 : f32
    %broadcast_in_dim3A_1661 = vector.broadcast %broadcast_in_dim3A_1660 : f32 to vector<16xf32>
    %mul3A_1662 = arith.constant 1.600000e+01 : f32
    %mul3A_1663 = vector.broadcast %mul3A_1662 : f32 to vector<16xf32>
    %mul3A_1664 = arith.mulf %gather3A_25, %mul3A_1663 : vector<16xf32>
    %mul3A_1665 = arith.constant 1.600000e+01 : f32
    %mul3A_1666 = vector.broadcast %mul3A_1665 : f32 to vector<16xf32>
    %mul3A_1667 = arith.mulf %gather3A_29, %mul3A_1666 : vector<16xf32>
    %mul3A_1668 = arith.constant 1.600000e+01 : f32
    %mul3A_1669 = vector.broadcast %mul3A_1668 : f32 to vector<16xf32>
    %mul3A_1670 = arith.mulf %gather3A_33, %mul3A_1669 : vector<16xf32>
    %mul3A_1671 = arith.constant 1.600000e+01 : f32
    %mul3A_1672 = vector.broadcast %mul3A_1671 : f32 to vector<16xf32>
    %mul3A_1673 = arith.mulf %gather3A_37, %mul3A_1672 : vector<16xf32>
    %convert_element_type3A_1674 = arith.fptosi %mul3A_1664 : vector<16xf32> to vector<16xi32>
    %convert_element_type3A_1675 = arith.sitofp %convert_element_type3A_1674 : vector<16xi32> to vector<16xf32>
    %sub3A_1676 = arith.subf %mul3A_1664, %convert_element_type3A_1675 : vector<16xf32>
    %convert_element_type3A_1677 = arith.fptosi %mul3A_1667 : vector<16xf32> to vector<16xi32>
    %convert_element_type3A_1678 = arith.sitofp %convert_element_type3A_1677 : vector<16xi32> to vector<16xf32>
    %sub3A_1679 = arith.subf %mul3A_1667, %convert_element_type3A_1678 : vector<16xf32>
    %min3A_1680 = arith.constant 2 : i32
    %min3A_1681 = vector.broadcast %min3A_1680 : i32 to vector<16xi32>
    %min3A_1682 = arith.minsi %div3A_13, %min3A_1681 : vector<16xi32>
    %mul3A_1683 = arith.constant 2 : i32
    %mul3A_1684 = vector.broadcast %mul3A_1683 : i32 to vector<16xi32>
    %mul3A_1685 = arith.muli %min3A_1682, %mul3A_1684 : vector<16xi32>
    %add3A_1686 = arith.constant 1216 : i32
    %add3A_1687 = vector.broadcast %add3A_1686 : i32 to vector<16xi32>
    %add3A_1688 = arith.addi %add3A_1687, %mul3A_1685 : vector<16xi32>
    %gather3A_1689 = tpu.vector_load_idx %arg7[%add3A_1688] : memref<1224xf32, #tpu.memory_space<vmem>>[vector<16xi32>], vector<16xf32>,
    %add3A_1690 = arith.constant 1 : i32
    %add3A_1691 = vector.broadcast %add3A_1690 : i32 to vector<16xi32>
    %add3A_1692 = arith.addi %add3A_1688, %add3A_1691 : vector<16xi32>
    %gather3A_1693 = tpu.vector_load_idx %arg7[%add3A_1692] : memref<1224xf32, #tpu.memory_space<vmem>>[vector<16xi32>], vector<16xf32>,
    %div3A_1694 = arith.divf %mul3A_1670, %gather3A_1689 : vector<16xf32>
    %div3A_1695 = arith.divf %mul3A_1673, %gather3A_1693 : vector<16xf32>
    %div3A_1696 = arith.constant 1.000000e+00 : f32
    %div3A_1697 = vector.broadcast %div3A_1696 : f32 to vector<16xf32>
    %div3A_1698 = arith.divf %div3A_1697, %div3A_1694 : vector<16xf32>
    %max3A_1699 = arith.maximumf %div3A_1694, %div3A_1698 : vector<16xf32>
    %div3A_1700 = arith.constant 1.000000e+00 : f32
    %div3A_1701 = vector.broadcast %div3A_1700 : f32 to vector<16xf32>
    %div3A_1702 = arith.divf %div3A_1701, %div3A_1695 : vector<16xf32>
    %max3A_1703 = arith.maximumf %div3A_1695, %div3A_1702 : vector<16xf32>
    %max3A_1704 = arith.maximumf %max3A_1699, %max3A_1703 : vector<16xf32>
    %lt3A_1705 = arith.constant 4.000000e+00 : f32
    %lt3A_1706 = vector.broadcast %lt3A_1705 : f32 to vector<16xf32>
    %lt3A_1707 = arith.cmpf olt, %max3A_1704, %lt3A_1706 : vector<16xf32>
    %and3A_1708 = arith.andi %and3A, %lt3A_1707 : vector<16xi1>
    %jit3A_1709 = arith.constant 1.000000e+00 : f32
    %jit3A_1710 = arith.constant 0.000000e+00 : f32
    %broadcast_in_dim3A_1711 = vector.broadcast %jit3A_1709 : f32 to vector<16xf32>
    %broadcast_in_dim3A_1712 = vector.broadcast %jit3A_1710 : f32 to vector<16xf32>
    %select_n3A_1713 = arith.select %and3A_1708, %broadcast_in_dim3A_1711, %broadcast_in_dim3A_1712 : vector<16xi1>, vector<16xf32>
    %add3A_1714 = arith.constant 0 : i32
    %add3A_1715 = vector.broadcast %add3A_1714 : i32 to vector<16xi32>
    %add3A_1716 = arith.addi %add3A_1715, %iota3A : vector<16xi32>
    %min3A_1717 = arith.constant 37 : i32
    %min3A_1718 = vector.broadcast %min3A_1717 : i32 to vector<16xi32>
    %min3A_1719 = arith.minsi %add3A_1716, %min3A_1718 : vector<16xi32>
    %broadcast_in_dim3A_1720 = arith.constant 0 : i32
    %broadcast_in_dim3A_1721 = vector.broadcast %broadcast_in_dim3A_1720 : i32 to vector<16xi32>
    %gather3A_1722 = tpu.vector_load_idx %arg11[%min3A_1719, %broadcast_in_dim3A_1721] : memref<38x85xf32, #tpu.memory_space<vmem>>[vector<16xi32>, vector<16xi32>], vector<16xf32>,
    %broadcast_in_dim3A_1723 = arith.constant 1 : i32
    %broadcast_in_dim3A_1724 = vector.broadcast %broadcast_in_dim3A_1723 : i32 to vector<16xi32>
    %gather3A_1725 = tpu.vector_load_idx %arg11[%min3A_1719, %broadcast_in_dim3A_1724] : memref<38x85xf32, #tpu.memory_space<vmem>>[vector<16xi32>, vector<16xi32>], vector<16xf32>,
    %broadcast_in_dim3A_1726 = arith.constant 2 : i32
    %broadcast_in_dim3A_1727 = vector.broadcast %broadcast_in_dim3A_1726 : i32 to vector<16xi32>
    %gather3A_1728 = tpu.vector_load_idx %arg11[%min3A_1719, %broadcast_in_dim3A_1727] : memref<38x85xf32, #tpu.memory_space<vmem>>[vector<16xi32>, vector<16xi32>], vector<16xf32>,
    %broadcast_in_dim3A_1729 = arith.constant 3 : i32
    %broadcast_in_dim3A_1730 = vector.broadcast %broadcast_in_dim3A_1729 : i32 to vector<16xi32>
    %gather3A_1731 = tpu.vector_load_idx %arg11[%min3A_1719, %broadcast_in_dim3A_1730] : memref<38x85xf32, #tpu.memory_space<vmem>>[vector<16xi32>, vector<16xi32>], vector<16xf32>,
    %neg3A_1732 = arith.constant 0.000000e+00 : f32
    %neg3A_1733 = vector.broadcast %neg3A_1732 : f32 to vector<16xf32>
    %neg3A_1734 = arith.subf %neg3A_1733, %gather3A_1722 : vector<16xf32>
    %exp3A_1735 = math.exp %neg3A_1734 : vector<16xf32>
    %add3A_1736 = arith.constant 1.000000e+00 : f32
    %add3A_1737 = vector.broadcast %add3A_1736 : f32 to vector<16xf32>
    %add3A_1738 = arith.addf %add3A_1737, %exp3A_1735 : vector<16xf32>
    %div3A_1739 = arith.constant 1.000000e+00 : f32
    %div3A_1740 = vector.broadcast %div3A_1739 : f32 to vector<16xf32>
    %div3A_1741 = arith.divf %div3A_1740, %add3A_1738 : vector<16xf32>
    %neg3A_1742 = arith.constant 0.000000e+00 : f32
    %neg3A_1743 = vector.broadcast %neg3A_1742 : f32 to vector<16xf32>
    %neg3A_1744 = arith.subf %neg3A_1743, %gather3A_1725 : vector<16xf32>
    %exp3A_1745 = math.exp %neg3A_1744 : vector<16xf32>
    %add3A_1746 = arith.constant 1.000000e+00 : f32
    %add3A_1747 = vector.broadcast %add3A_1746 : f32 to vector<16xf32>
    %add3A_1748 = arith.addf %add3A_1747, %exp3A_1745 : vector<16xf32>
    %div3A_1749 = arith.constant 1.000000e+00 : f32
    %div3A_1750 = vector.broadcast %div3A_1749 : f32 to vector<16xf32>
    %div3A_1751 = arith.divf %div3A_1750, %add3A_1748 : vector<16xf32>
    %exp3A_1752 = math.exp %gather3A_1728 : vector<16xf32>
    %mul3A_1753 = arith.mulf %exp3A_1752, %gather3A_1689 : vector<16xf32>
    %exp3A_1754 = math.exp %gather3A_1731 : vector<16xf32>
    %mul3A_1755 = arith.mulf %exp3A_1754, %gather3A_1693 : vector<16xf32>
    %mul3A_1756 = arith.constant 5.000000e-01 : f32
    %mul3A_1757 = vector.broadcast %mul3A_1756 : f32 to vector<16xf32>
    %mul3A_1758 = arith.mulf %mul3A_1753, %mul3A_1757 : vector<16xf32>
    %add3A_1759 = arith.addf %div3A_1741, %mul3A_1758 : vector<16xf32>
    %mul3A_1760 = arith.constant 5.000000e-01 : f32
    %mul3A_1761 = vector.broadcast %mul3A_1760 : f32 to vector<16xf32>
    %mul3A_1762 = arith.mulf %mul3A_1670, %mul3A_1761 : vector<16xf32>
    %add3A_1763 = arith.addf %sub3A_1676, %mul3A_1762 : vector<16xf32>
    %min3A_1764 = arith.minimumf %add3A_1759, %add3A_1763 : vector<16xf32>
    %mul3A_1765 = arith.constant 5.000000e-01 : f32
    %mul3A_1766 = vector.broadcast %mul3A_1765 : f32 to vector<16xf32>
    %mul3A_1767 = arith.mulf %mul3A_1753, %mul3A_1766 : vector<16xf32>
    %sub3A_1768 = arith.subf %div3A_1741, %mul3A_1767 : vector<16xf32>
    %mul3A_1769 = arith.constant 5.000000e-01 : f32
    %mul3A_1770 = vector.broadcast %mul3A_1769 : f32 to vector<16xf32>
    %mul3A_1771 = arith.mulf %mul3A_1670, %mul3A_1770 : vector<16xf32>
    %sub3A_1772 = arith.subf %sub3A_1676, %mul3A_1771 : vector<16xf32>
    %max3A_1773 = arith.maximumf %sub3A_1768, %sub3A_1772 : vector<16xf32>
    %sub3A_1774 = arith.subf %min3A_1764, %max3A_1773 : vector<16xf32>
    %max3A_1775 = arith.constant 0.000000e+00 : f32
    %max3A_1776 = vector.broadcast %max3A_1775 : f32 to vector<16xf32>
    %max3A_1777 = arith.maximumf %sub3A_1774, %max3A_1776 : vector<16xf32>
    %mul3A_1778 = arith.constant 5.000000e-01 : f32
    %mul3A_1779 = vector.broadcast %mul3A_1778 : f32 to vector<16xf32>
    %mul3A_1780 = arith.mulf %mul3A_1755, %mul3A_1779 : vector<16xf32>
    %add3A_1781 = arith.addf %div3A_1751, %mul3A_1780 : vector<16xf32>
    %mul3A_1782 = arith.constant 5.000000e-01 : f32
    %mul3A_1783 = vector.broadcast %mul3A_1782 : f32 to vector<16xf32>
    %mul3A_1784 = arith.mulf %mul3A_1673, %mul3A_1783 : vector<16xf32>
    %add3A_1785 = arith.addf %sub3A_1679, %mul3A_1784 : vector<16xf32>
    %min3A_1786 = arith.minimumf %add3A_1781, %add3A_1785 : vector<16xf32>
    %mul3A_1787 = arith.constant 5.000000e-01 : f32
    %mul3A_1788 = vector.broadcast %mul3A_1787 : f32 to vector<16xf32>
    %mul3A_1789 = arith.mulf %mul3A_1755, %mul3A_1788 : vector<16xf32>
    %sub3A_1790 = arith.subf %div3A_1751, %mul3A_1789 : vector<16xf32>
    %mul3A_1791 = arith.constant 5.000000e-01 : f32
    %mul3A_1792 = vector.broadcast %mul3A_1791 : f32 to vector<16xf32>
    %mul3A_1793 = arith.mulf %mul3A_1673, %mul3A_1792 : vector<16xf32>
    %sub3A_1794 = arith.subf %sub3A_1679, %mul3A_1793 : vector<16xf32>
    %max3A_1795 = arith.maximumf %sub3A_1790, %sub3A_1794 : vector<16xf32>
    %sub3A_1796 = arith.subf %min3A_1786, %max3A_1795 : vector<16xf32>
    %max3A_1797 = arith.constant 0.000000e+00 : f32
    %max3A_1798 = vector.broadcast %max3A_1797 : f32 to vector<16xf32>
    %max3A_1799 = arith.maximumf %sub3A_1796, %max3A_1798 : vector<16xf32>
    %mul3A_1800 = arith.mulf %max3A_1777, %max3A_1799 : vector<16xf32>
    %mul3A_1801 = arith.mulf %mul3A_1753, %mul3A_1755 : vector<16xf32>
    %mul3A_1802 = arith.mulf %mul3A_1670, %mul3A_1673 : vector<16xf32>
    %add3A_1803 = arith.addf %mul3A_1801, %mul3A_1802 : vector<16xf32>
    %sub3A_1804 = arith.subf %add3A_1803, %mul3A_1800 : vector<16xf32>
    %add3A_1805 = arith.constant 1.000000e-07 : f32
    %add3A_1806 = vector.broadcast %add3A_1805 : f32 to vector<16xf32>
    %add3A_1807 = arith.addf %sub3A_1804, %add3A_1806 : vector<16xf32>
    %div3A_1808 = arith.divf %mul3A_1800, %add3A_1807 : vector<16xf32>
    %sub3A_1809 = arith.constant 1.000000e+00 : f32
    %sub3A_1810 = vector.broadcast %sub3A_1809 : f32 to vector<16xf32>
    %sub3A_1811 = arith.subf %sub3A_1810, %div3A_1808 : vector<16xf32>
    %mul3A_1812 = arith.mulf %sub3A_1811, %select_n3A_1713 : vector<16xf32>
    %add3A_1813 = arith.addf %broadcast_in_dim3A_1659, %mul3A_1812 : vector<16xf32>
    %add3A_1814 = arith.addf %broadcast_in_dim3A_1661, %select_n3A_1713 : vector<16xf32>
    %mul3A_1815 = arith.constant 1.600000e+01 : f32
    %mul3A_1816 = vector.broadcast %mul3A_1815 : f32 to vector<16xf32>
    %mul3A_1817 = arith.mulf %gather3A_68, %mul3A_1816 : vector<16xf32>
    %mul3A_1818 = arith.constant 1.600000e+01 : f32
    %mul3A_1819 = vector.broadcast %mul3A_1818 : f32 to vector<16xf32>
    %mul3A_1820 = arith.mulf %gather3A_72, %mul3A_1819 : vector<16xf32>
    %mul3A_1821 = arith.constant 1.600000e+01 : f32
    %mul3A_1822 = vector.broadcast %mul3A_1821 : f32 to vector<16xf32>
    %mul3A_1823 = arith.mulf %gather3A_76, %mul3A_1822 : vector<16xf32>
    %mul3A_1824 = arith.constant 1.600000e+01 : f32
    %mul3A_1825 = vector.broadcast %mul3A_1824 : f32 to vector<16xf32>
    %mul3A_1826 = arith.mulf %gather3A_80, %mul3A_1825 : vector<16xf32>
    %convert_element_type3A_1827 = arith.fptosi %mul3A_1817 : vector<16xf32> to vector<16xi32>
    %convert_element_type3A_1828 = arith.sitofp %convert_element_type3A_1827 : vector<16xi32> to vector<16xf32>
    %sub3A_1829 = arith.subf %mul3A_1817, %convert_element_type3A_1828 : vector<16xf32>
    %convert_element_type3A_1830 = arith.fptosi %mul3A_1820 : vector<16xf32> to vector<16xi32>
    %convert_element_type3A_1831 = arith.sitofp %convert_element_type3A_1830 : vector<16xi32> to vector<16xf32>
    %sub3A_1832 = arith.subf %mul3A_1820, %convert_element_type3A_1831 : vector<16xf32>
    %min3A_1833 = arith.constant 2 : i32
    %min3A_1834 = vector.broadcast %min3A_1833 : i32 to vector<16xi32>
    %min3A_1835 = arith.minsi %div3A_54, %min3A_1834 : vector<16xi32>
    %mul3A_1836 = arith.constant 2 : i32
    %mul3A_1837 = vector.broadcast %mul3A_1836 : i32 to vector<16xi32>
    %mul3A_1838 = arith.muli %min3A_1835, %mul3A_1837 : vector<16xi32>
    %add3A_1839 = arith.constant 1216 : i32
    %add3A_1840 = vector.broadcast %add3A_1839 : i32 to vector<16xi32>
    %add3A_1841 = arith.addi %add3A_1840, %mul3A_1838 : vector<16xi32>
    %gather3A_1842 = tpu.vector_load_idx %arg7[%add3A_1841] : memref<1224xf32, #tpu.memory_space<vmem>>[vector<16xi32>], vector<16xf32>,
    %add3A_1843 = arith.constant 1 : i32
    %add3A_1844 = vector.broadcast %add3A_1843 : i32 to vector<16xi32>
    %add3A_1845 = arith.addi %add3A_1841, %add3A_1844 : vector<16xi32>
    %gather3A_1846 = tpu.vector_load_idx %arg7[%add3A_1845] : memref<1224xf32, #tpu.memory_space<vmem>>[vector<16xi32>], vector<16xf32>,
    %div3A_1847 = arith.divf %mul3A_1823, %gather3A_1842 : vector<16xf32>
    %div3A_1848 = arith.divf %mul3A_1826, %gather3A_1846 : vector<16xf32>
    %div3A_1849 = arith.constant 1.000000e+00 : f32
    %div3A_1850 = vector.broadcast %div3A_1849 : f32 to vector<16xf32>
    %div3A_1851 = arith.divf %div3A_1850, %div3A_1847 : vector<16xf32>
    %max3A_1852 = arith.maximumf %div3A_1847, %div3A_1851 : vector<16xf32>
    %div3A_1853 = arith.constant 1.000000e+00 : f32
    %div3A_1854 = vector.broadcast %div3A_1853 : f32 to vector<16xf32>
    %div3A_1855 = arith.divf %div3A_1854, %div3A_1848 : vector<16xf32>
    %max3A_1856 = arith.maximumf %div3A_1848, %div3A_1855 : vector<16xf32>
    %max3A_1857 = arith.maximumf %max3A_1852, %max3A_1856 : vector<16xf32>
    %lt3A_1858 = arith.constant 4.000000e+00 : f32
    %lt3A_1859 = vector.broadcast %lt3A_1858 : f32 to vector<16xf32>
    %lt3A_1860 = arith.cmpf olt, %max3A_1857, %lt3A_1859 : vector<16xf32>
    %and3A_1861 = arith.andi %and3A_51, %lt3A_1860 : vector<16xi1>
    %jit3A_1862 = arith.constant 1.000000e+00 : f32
    %jit3A_1863 = arith.constant 0.000000e+00 : f32
    %broadcast_in_dim3A_1864 = vector.broadcast %jit3A_1862 : f32 to vector<16xf32>
    %broadcast_in_dim3A_1865 = vector.broadcast %jit3A_1863 : f32 to vector<16xf32>
    %select_n3A_1866 = arith.select %and3A_1861, %broadcast_in_dim3A_1864, %broadcast_in_dim3A_1865 : vector<16xi1>, vector<16xf32>
    %add3A_1867 = arith.constant 16 : i32
    %add3A_1868 = vector.broadcast %add3A_1867 : i32 to vector<16xi32>
    %add3A_1869 = arith.addi %add3A_1868, %iota3A : vector<16xi32>
    %min3A_1870 = arith.constant 37 : i32
    %min3A_1871 = vector.broadcast %min3A_1870 : i32 to vector<16xi32>
    %min3A_1872 = arith.minsi %add3A_1869, %min3A_1871 : vector<16xi32>
    %broadcast_in_dim3A_1873 = arith.constant 0 : i32
    %broadcast_in_dim3A_1874 = vector.broadcast %broadcast_in_dim3A_1873 : i32 to vector<16xi32>
    %gather3A_1875 = tpu.vector_load_idx %arg11[%min3A_1872, %broadcast_in_dim3A_1874] : memref<38x85xf32, #tpu.memory_space<vmem>>[vector<16xi32>, vector<16xi32>], vector<16xf32>,
    %broadcast_in_dim3A_1876 = arith.constant 1 : i32
    %broadcast_in_dim3A_1877 = vector.broadcast %broadcast_in_dim3A_1876 : i32 to vector<16xi32>
    %gather3A_1878 = tpu.vector_load_idx %arg11[%min3A_1872, %broadcast_in_dim3A_1877] : memref<38x85xf32, #tpu.memory_space<vmem>>[vector<16xi32>, vector<16xi32>], vector<16xf32>,
    %broadcast_in_dim3A_1879 = arith.constant 2 : i32
    %broadcast_in_dim3A_1880 = vector.broadcast %broadcast_in_dim3A_1879 : i32 to vector<16xi32>
    %gather3A_1881 = tpu.vector_load_idx %arg11[%min3A_1872, %broadcast_in_dim3A_1880] : memref<38x85xf32, #tpu.memory_space<vmem>>[vector<16xi32>, vector<16xi32>], vector<16xf32>,
    %broadcast_in_dim3A_1882 = arith.constant 3 : i32
    %broadcast_in_dim3A_1883 = vector.broadcast %broadcast_in_dim3A_1882 : i32 to vector<16xi32>
    %gather3A_1884 = tpu.vector_load_idx %arg11[%min3A_1872, %broadcast_in_dim3A_1883] : memref<38x85xf32, #tpu.memory_space<vmem>>[vector<16xi32>, vector<16xi32>], vector<16xf32>,
    %neg3A_1885 = arith.constant 0.000000e+00 : f32
    %neg3A_1886 = vector.broadcast %neg3A_1885 : f32 to vector<16xf32>
    %neg3A_1887 = arith.subf %neg3A_1886, %gather3A_1875 : vector<16xf32>
    %exp3A_1888 = math.exp %neg3A_1887 : vector<16xf32>
    %add3A_1889 = arith.constant 1.000000e+00 : f32
    %add3A_1890 = vector.broadcast %add3A_1889 : f32 to vector<16xf32>
    %add3A_1891 = arith.addf %add3A_1890, %exp3A_1888 : vector<16xf32>
    %div3A_1892 = arith.constant 1.000000e+00 : f32
    %div3A_1893 = vector.broadcast %div3A_1892 : f32 to vector<16xf32>
    %div3A_1894 = arith.divf %div3A_1893, %add3A_1891 : vector<16xf32>
    %neg3A_1895 = arith.constant 0.000000e+00 : f32
    %neg3A_1896 = vector.broadcast %neg3A_1895 : f32 to vector<16xf32>
    %neg3A_1897 = arith.subf %neg3A_1896, %gather3A_1878 : vector<16xf32>
    %exp3A_1898 = math.exp %neg3A_1897 : vector<16xf32>
    %add3A_1899 = arith.constant 1.000000e+00 : f32
    %add3A_1900 = vector.broadcast %add3A_1899 : f32 to vector<16xf32>
    %add3A_1901 = arith.addf %add3A_1900, %exp3A_1898 : vector<16xf32>
    %div3A_1902 = arith.constant 1.000000e+00 : f32
    %div3A_1903 = vector.broadcast %div3A_1902 : f32 to vector<16xf32>
    %div3A_1904 = arith.divf %div3A_1903, %add3A_1901 : vector<16xf32>
    %exp3A_1905 = math.exp %gather3A_1881 : vector<16xf32>
    %mul3A_1906 = arith.mulf %exp3A_1905, %gather3A_1842 : vector<16xf32>
    %exp3A_1907 = math.exp %gather3A_1884 : vector<16xf32>
    %mul3A_1908 = arith.mulf %exp3A_1907, %gather3A_1846 : vector<16xf32>
    %mul3A_1909 = arith.constant 5.000000e-01 : f32
    %mul3A_1910 = vector.broadcast %mul3A_1909 : f32 to vector<16xf32>
    %mul3A_1911 = arith.mulf %mul3A_1906, %mul3A_1910 : vector<16xf32>
    %add3A_1912 = arith.addf %div3A_1894, %mul3A_1911 : vector<16xf32>
    %mul3A_1913 = arith.constant 5.000000e-01 : f32
    %mul3A_1914 = vector.broadcast %mul3A_1913 : f32 to vector<16xf32>
    %mul3A_1915 = arith.mulf %mul3A_1823, %mul3A_1914 : vector<16xf32>
    %add3A_1916 = arith.addf %sub3A_1829, %mul3A_1915 : vector<16xf32>
    %min3A_1917 = arith.minimumf %add3A_1912, %add3A_1916 : vector<16xf32>
    %mul3A_1918 = arith.constant 5.000000e-01 : f32
    %mul3A_1919 = vector.broadcast %mul3A_1918 : f32 to vector<16xf32>
    %mul3A_1920 = arith.mulf %mul3A_1906, %mul3A_1919 : vector<16xf32>
    %sub3A_1921 = arith.subf %div3A_1894, %mul3A_1920 : vector<16xf32>
    %mul3A_1922 = arith.constant 5.000000e-01 : f32
    %mul3A_1923 = vector.broadcast %mul3A_1922 : f32 to vector<16xf32>
    %mul3A_1924 = arith.mulf %mul3A_1823, %mul3A_1923 : vector<16xf32>
    %sub3A_1925 = arith.subf %sub3A_1829, %mul3A_1924 : vector<16xf32>
    %max3A_1926 = arith.maximumf %sub3A_1921, %sub3A_1925 : vector<16xf32>
    %sub3A_1927 = arith.subf %min3A_1917, %max3A_1926 : vector<16xf32>
    %max3A_1928 = arith.constant 0.000000e+00 : f32
    %max3A_1929 = vector.broadcast %max3A_1928 : f32 to vector<16xf32>
    %max3A_1930 = arith.maximumf %sub3A_1927, %max3A_1929 : vector<16xf32>
    %mul3A_1931 = arith.constant 5.000000e-01 : f32
    %mul3A_1932 = vector.broadcast %mul3A_1931 : f32 to vector<16xf32>
    %mul3A_1933 = arith.mulf %mul3A_1908, %mul3A_1932 : vector<16xf32>
    %add3A_1934 = arith.addf %div3A_1904, %mul3A_1933 : vector<16xf32>
    %mul3A_1935 = arith.constant 5.000000e-01 : f32
    %mul3A_1936 = vector.broadcast %mul3A_1935 : f32 to vector<16xf32>
    %mul3A_1937 = arith.mulf %mul3A_1826, %mul3A_1936 : vector<16xf32>
    %add3A_1938 = arith.addf %sub3A_1832, %mul3A_1937 : vector<16xf32>
    %min3A_1939 = arith.minimumf %add3A_1934, %add3A_1938 : vector<16xf32>
    %mul3A_1940 = arith.constant 5.000000e-01 : f32
    %mul3A_1941 = vector.broadcast %mul3A_1940 : f32 to vector<16xf32>
    %mul3A_1942 = arith.mulf %mul3A_1908, %mul3A_1941 : vector<16xf32>
    %sub3A_1943 = arith.subf %div3A_1904, %mul3A_1942 : vector<16xf32>
    %mul3A_1944 = arith.constant 5.000000e-01 : f32
    %mul3A_1945 = vector.broadcast %mul3A_1944 : f32 to vector<16xf32>
    %mul3A_1946 = arith.mulf %mul3A_1826, %mul3A_1945 : vector<16xf32>
    %sub3A_1947 = arith.subf %sub3A_1832, %mul3A_1946 : vector<16xf32>
    %max3A_1948 = arith.maximumf %sub3A_1943, %sub3A_1947 : vector<16xf32>
    %sub3A_1949 = arith.subf %min3A_1939, %max3A_1948 : vector<16xf32>
    %max3A_1950 = arith.constant 0.000000e+00 : f32
    %max3A_1951 = vector.broadcast %max3A_1950 : f32 to vector<16xf32>
    %max3A_1952 = arith.maximumf %sub3A_1949, %max3A_1951 : vector<16xf32>
    %mul3A_1953 = arith.mulf %max3A_1930, %max3A_1952 : vector<16xf32>
    %mul3A_1954 = arith.mulf %mul3A_1906, %mul3A_1908 : vector<16xf32>
    %mul3A_1955 = arith.mulf %mul3A_1823, %mul3A_1826 : vector<16xf32>
    %add3A_1956 = arith.addf %mul3A_1954, %mul3A_1955 : vector<16xf32>
    %sub3A_1957 = arith.subf %add3A_1956, %mul3A_1953 : vector<16xf32>
    %add3A_1958 = arith.constant 1.000000e-07 : f32
    %add3A_1959 = vector.broadcast %add3A_1958 : f32 to vector<16xf32>
    %add3A_1960 = arith.addf %sub3A_1957, %add3A_1959 : vector<16xf32>
    %div3A_1961 = arith.divf %mul3A_1953, %add3A_1960 : vector<16xf32>
    %sub3A_1962 = arith.constant 1.000000e+00 : f32
    %sub3A_1963 = vector.broadcast %sub3A_1962 : f32 to vector<16xf32>
    %sub3A_1964 = arith.subf %sub3A_1963, %div3A_1961 : vector<16xf32>
    %mul3A_1965 = arith.mulf %sub3A_1964, %select_n3A_1866 : vector<16xf32>
    %add3A_1966 = arith.addf %add3A_1813, %mul3A_1965 : vector<16xf32>
    %add3A_1967 = arith.addf %add3A_1814, %select_n3A_1866 : vector<16xf32>
    %mul3A_1968 = arith.constant 1.600000e+01 : f32
    %mul3A_1969 = vector.broadcast %mul3A_1968 : f32 to vector<16xf32>
    %mul3A_1970 = arith.mulf %gather3A_111, %mul3A_1969 : vector<16xf32>
    %mul3A_1971 = arith.constant 1.600000e+01 : f32
    %mul3A_1972 = vector.broadcast %mul3A_1971 : f32 to vector<16xf32>
    %mul3A_1973 = arith.mulf %gather3A_115, %mul3A_1972 : vector<16xf32>
    %mul3A_1974 = arith.constant 1.600000e+01 : f32
    %mul3A_1975 = vector.broadcast %mul3A_1974 : f32 to vector<16xf32>
    %mul3A_1976 = arith.mulf %gather3A_119, %mul3A_1975 : vector<16xf32>
    %mul3A_1977 = arith.constant 1.600000e+01 : f32
    %mul3A_1978 = vector.broadcast %mul3A_1977 : f32 to vector<16xf32>
    %mul3A_1979 = arith.mulf %gather3A_123, %mul3A_1978 : vector<16xf32>
    %convert_element_type3A_1980 = arith.fptosi %mul3A_1970 : vector<16xf32> to vector<16xi32>
    %convert_element_type3A_1981 = arith.sitofp %convert_element_type3A_1980 : vector<16xi32> to vector<16xf32>
    %sub3A_1982 = arith.subf %mul3A_1970, %convert_element_type3A_1981 : vector<16xf32>
    %convert_element_type3A_1983 = arith.fptosi %mul3A_1973 : vector<16xf32> to vector<16xi32>
    %convert_element_type3A_1984 = arith.sitofp %convert_element_type3A_1983 : vector<16xi32> to vector<16xf32>
    %sub3A_1985 = arith.subf %mul3A_1973, %convert_element_type3A_1984 : vector<16xf32>
    %min3A_1986 = arith.constant 2 : i32
    %min3A_1987 = vector.broadcast %min3A_1986 : i32 to vector<16xi32>
    %min3A_1988 = arith.minsi %div3A_97, %min3A_1987 : vector<16xi32>
    %mul3A_1989 = arith.constant 2 : i32
    %mul3A_1990 = vector.broadcast %mul3A_1989 : i32 to vector<16xi32>
    %mul3A_1991 = arith.muli %min3A_1988, %mul3A_1990 : vector<16xi32>
    %add3A_1992 = arith.constant 1216 : i32
    %add3A_1993 = vector.broadcast %add3A_1992 : i32 to vector<16xi32>
    %add3A_1994 = arith.addi %add3A_1993, %mul3A_1991 : vector<16xi32>
    %gather3A_1995 = tpu.vector_load_idx %arg7[%add3A_1994] : memref<1224xf32, #tpu.memory_space<vmem>>[vector<16xi32>], vector<16xf32>,
    %add3A_1996 = arith.constant 1 : i32
    %add3A_1997 = vector.broadcast %add3A_1996 : i32 to vector<16xi32>
    %add3A_1998 = arith.addi %add3A_1994, %add3A_1997 : vector<16xi32>
    %gather3A_1999 = tpu.vector_load_idx %arg7[%add3A_1998] : memref<1224xf32, #tpu.memory_space<vmem>>[vector<16xi32>], vector<16xf32>,
    %div3A_2000 = arith.divf %mul3A_1976, %gather3A_1995 : vector<16xf32>
    %div3A_2001 = arith.divf %mul3A_1979, %gather3A_1999 : vector<16xf32>
    %div3A_2002 = arith.constant 1.000000e+00 : f32
    %div3A_2003 = vector.broadcast %div3A_2002 : f32 to vector<16xf32>
    %div3A_2004 = arith.divf %div3A_2003, %div3A_2000 : vector<16xf32>
    %max3A_2005 = arith.maximumf %div3A_2000, %div3A_2004 : vector<16xf32>
    %div3A_2006 = arith.constant 1.000000e+00 : f32
    %div3A_2007 = vector.broadcast %div3A_2006 : f32 to vector<16xf32>
    %div3A_2008 = arith.divf %div3A_2007, %div3A_2001 : vector<16xf32>
    %max3A_2009 = arith.maximumf %div3A_2001, %div3A_2008 : vector<16xf32>
    %max3A_2010 = arith.maximumf %max3A_2005, %max3A_2009 : vector<16xf32>
    %lt3A_2011 = arith.constant 4.000000e+00 : f32
    %lt3A_2012 = vector.broadcast %lt3A_2011 : f32 to vector<16xf32>
    %lt3A_2013 = arith.cmpf olt, %max3A_2010, %lt3A_2012 : vector<16xf32>
    %and3A_2014 = arith.andi %and3A_94, %lt3A_2013 : vector<16xi1>
    %jit3A_2015 = arith.constant 1.000000e+00 : f32
    %jit3A_2016 = arith.constant 0.000000e+00 : f32
    %broadcast_in_dim3A_2017 = vector.broadcast %jit3A_2015 : f32 to vector<16xf32>
    %broadcast_in_dim3A_2018 = vector.broadcast %jit3A_2016 : f32 to vector<16xf32>
    %select_n3A_2019 = arith.select %and3A_2014, %broadcast_in_dim3A_2017, %broadcast_in_dim3A_2018 : vector<16xi1>, vector<16xf32>
    %add3A_2020 = arith.constant 32 : i32
    %add3A_2021 = vector.broadcast %add3A_2020 : i32 to vector<16xi32>
    %add3A_2022 = arith.addi %add3A_2021, %iota3A : vector<16xi32>
    %min3A_2023 = arith.constant 37 : i32
    %min3A_2024 = vector.broadcast %min3A_2023 : i32 to vector<16xi32>
    %min3A_2025 = arith.minsi %add3A_2022, %min3A_2024 : vector<16xi32>
    %broadcast_in_dim3A_2026 = arith.constant 0 : i32
    %broadcast_in_dim3A_2027 = vector.broadcast %broadcast_in_dim3A_2026 : i32 to vector<16xi32>
    %gather3A_2028 = tpu.vector_load_idx %arg11[%min3A_2025, %broadcast_in_dim3A_2027] : memref<38x85xf32, #tpu.memory_space<vmem>>[vector<16xi32>, vector<16xi32>], vector<16xf32>,
    %broadcast_in_dim3A_2029 = arith.constant 1 : i32
    %broadcast_in_dim3A_2030 = vector.broadcast %broadcast_in_dim3A_2029 : i32 to vector<16xi32>
    %gather3A_2031 = tpu.vector_load_idx %arg11[%min3A_2025, %broadcast_in_dim3A_2030] : memref<38x85xf32, #tpu.memory_space<vmem>>[vector<16xi32>, vector<16xi32>], vector<16xf32>,
    %broadcast_in_dim3A_2032 = arith.constant 2 : i32
    %broadcast_in_dim3A_2033 = vector.broadcast %broadcast_in_dim3A_2032 : i32 to vector<16xi32>
    %gather3A_2034 = tpu.vector_load_idx %arg11[%min3A_2025, %broadcast_in_dim3A_2033] : memref<38x85xf32, #tpu.memory_space<vmem>>[vector<16xi32>, vector<16xi32>], vector<16xf32>,
    %broadcast_in_dim3A_2035 = arith.constant 3 : i32
    %broadcast_in_dim3A_2036 = vector.broadcast %broadcast_in_dim3A_2035 : i32 to vector<16xi32>
    %gather3A_2037 = tpu.vector_load_idx %arg11[%min3A_2025, %broadcast_in_dim3A_2036] : memref<38x85xf32, #tpu.memory_space<vmem>>[vector<16xi32>, vector<16xi32>], vector<16xf32>,
    %neg3A_2038 = arith.constant 0.000000e+00 : f32
    %neg3A_2039 = vector.broadcast %neg3A_2038 : f32 to vector<16xf32>
    %neg3A_2040 = arith.subf %neg3A_2039, %gather3A_2028 : vector<16xf32>
    %exp3A_2041 = math.exp %neg3A_2040 : vector<16xf32>
    %add3A_2042 = arith.constant 1.000000e+00 : f32
    %add3A_2043 = vector.broadcast %add3A_2042 : f32 to vector<16xf32>
    %add3A_2044 = arith.addf %add3A_2043, %exp3A_2041 : vector<16xf32>
    %div3A_2045 = arith.constant 1.000000e+00 : f32
    %div3A_2046 = vector.broadcast %div3A_2045 : f32 to vector<16xf32>
    %div3A_2047 = arith.divf %div3A_2046, %add3A_2044 : vector<16xf32>
    %neg3A_2048 = arith.constant 0.000000e+00 : f32
    %neg3A_2049 = vector.broadcast %neg3A_2048 : f32 to vector<16xf32>
    %neg3A_2050 = arith.subf %neg3A_2049, %gather3A_2031 : vector<16xf32>
    %exp3A_2051 = math.exp %neg3A_2050 : vector<16xf32>
    %add3A_2052 = arith.constant 1.000000e+00 : f32
    %add3A_2053 = vector.broadcast %add3A_2052 : f32 to vector<16xf32>
    %add3A_2054 = arith.addf %add3A_2053, %exp3A_2051 : vector<16xf32>
    %div3A_2055 = arith.constant 1.000000e+00 : f32
    %div3A_2056 = vector.broadcast %div3A_2055 : f32 to vector<16xf32>
    %div3A_2057 = arith.divf %div3A_2056, %add3A_2054 : vector<16xf32>
    %exp3A_2058 = math.exp %gather3A_2034 : vector<16xf32>
    %mul3A_2059 = arith.mulf %exp3A_2058, %gather3A_1995 : vector<16xf32>
    %exp3A_2060 = math.exp %gather3A_2037 : vector<16xf32>
    %mul3A_2061 = arith.mulf %exp3A_2060, %gather3A_1999 : vector<16xf32>
    %mul3A_2062 = arith.constant 5.000000e-01 : f32
    %mul3A_2063 = vector.broadcast %mul3A_2062 : f32 to vector<16xf32>
    %mul3A_2064 = arith.mulf %mul3A_2059, %mul3A_2063 : vector<16xf32>
    %add3A_2065 = arith.addf %div3A_2047, %mul3A_2064 : vector<16xf32>
    %mul3A_2066 = arith.constant 5.000000e-01 : f32
    %mul3A_2067 = vector.broadcast %mul3A_2066 : f32 to vector<16xf32>
    %mul3A_2068 = arith.mulf %mul3A_1976, %mul3A_2067 : vector<16xf32>
    %add3A_2069 = arith.addf %sub3A_1982, %mul3A_2068 : vector<16xf32>
    %min3A_2070 = arith.minimumf %add3A_2065, %add3A_2069 : vector<16xf32>
    %mul3A_2071 = arith.constant 5.000000e-01 : f32
    %mul3A_2072 = vector.broadcast %mul3A_2071 : f32 to vector<16xf32>
    %mul3A_2073 = arith.mulf %mul3A_2059, %mul3A_2072 : vector<16xf32>
    %sub3A_2074 = arith.subf %div3A_2047, %mul3A_2073 : vector<16xf32>
    %mul3A_2075 = arith.constant 5.000000e-01 : f32
    %mul3A_2076 = vector.broadcast %mul3A_2075 : f32 to vector<16xf32>
    %mul3A_2077 = arith.mulf %mul3A_1976, %mul3A_2076 : vector<16xf32>
    %sub3A_2078 = arith.subf %sub3A_1982, %mul3A_2077 : vector<16xf32>
    %max3A_2079 = arith.maximumf %sub3A_2074, %sub3A_2078 : vector<16xf32>
    %sub3A_2080 = arith.subf %min3A_2070, %max3A_2079 : vector<16xf32>
    %max3A_2081 = arith.constant 0.000000e+00 : f32
    %max3A_2082 = vector.broadcast %max3A_2081 : f32 to vector<16xf32>
    %max3A_2083 = arith.maximumf %sub3A_2080, %max3A_2082 : vector<16xf32>
    %mul3A_2084 = arith.constant 5.000000e-01 : f32
    %mul3A_2085 = vector.broadcast %mul3A_2084 : f32 to vector<16xf32>
    %mul3A_2086 = arith.mulf %mul3A_2061, %mul3A_2085 : vector<16xf32>
    %add3A_2087 = arith.addf %div3A_2057, %mul3A_2086 : vector<16xf32>
    %mul3A_2088 = arith.constant 5.000000e-01 : f32
    %mul3A_2089 = vector.broadcast %mul3A_2088 : f32 to vector<16xf32>
    %mul3A_2090 = arith.mulf %mul3A_1979, %mul3A_2089 : vector<16xf32>
    %add3A_2091 = arith.addf %sub3A_1985, %mul3A_2090 : vector<16xf32>
    %min3A_2092 = arith.minimumf %add3A_2087, %add3A_2091 : vector<16xf32>
    %mul3A_2093 = arith.constant 5.000000e-01 : f32
    %mul3A_2094 = vector.broadcast %mul3A_2093 : f32 to vector<16xf32>
    %mul3A_2095 = arith.mulf %mul3A_2061, %mul3A_2094 : vector<16xf32>
    %sub3A_2096 = arith.subf %div3A_2057, %mul3A_2095 : vector<16xf32>
    %mul3A_2097 = arith.constant 5.000000e-01 : f32
    %mul3A_2098 = vector.broadcast %mul3A_2097 : f32 to vector<16xf32>
    %mul3A_2099 = arith.mulf %mul3A_1979, %mul3A_2098 : vector<16xf32>
    %sub3A_2100 = arith.subf %sub3A_1985, %mul3A_2099 : vector<16xf32>
    %max3A_2101 = arith.maximumf %sub3A_2096, %sub3A_2100 : vector<16xf32>
    %sub3A_2102 = arith.subf %min3A_2092, %max3A_2101 : vector<16xf32>
    %max3A_2103 = arith.constant 0.000000e+00 : f32
    %max3A_2104 = vector.broadcast %max3A_2103 : f32 to vector<16xf32>
    %max3A_2105 = arith.maximumf %sub3A_2102, %max3A_2104 : vector<16xf32>
    %mul3A_2106 = arith.mulf %max3A_2083, %max3A_2105 : vector<16xf32>
    %mul3A_2107 = arith.mulf %mul3A_2059, %mul3A_2061 : vector<16xf32>
    %mul3A_2108 = arith.mulf %mul3A_1976, %mul3A_1979 : vector<16xf32>
    %add3A_2109 = arith.addf %mul3A_2107, %mul3A_2108 : vector<16xf32>
    %sub3A_2110 = arith.subf %add3A_2109, %mul3A_2106 : vector<16xf32>
    %add3A_2111 = arith.constant 1.000000e-07 : f32
    %add3A_2112 = vector.broadcast %add3A_2111 : f32 to vector<16xf32>
    %add3A_2113 = arith.addf %sub3A_2110, %add3A_2112 : vector<16xf32>
    %div3A_2114 = arith.divf %mul3A_2106, %add3A_2113 : vector<16xf32>
    %sub3A_2115 = arith.constant 1.000000e+00 : f32
    %sub3A_2116 = vector.broadcast %sub3A_2115 : f32 to vector<16xf32>
    %sub3A_2117 = arith.subf %sub3A_2116, %div3A_2114 : vector<16xf32>
    %mul3A_2118 = arith.mulf %sub3A_2117, %select_n3A_2019 : vector<16xf32>
    %add3A_2119 = arith.addf %add3A_1966, %mul3A_2118 : vector<16xf32>
    %add3A_2120 = arith.addf %add3A_1967, %select_n3A_2019 : vector<16xf32>
    %swap3A_2121 = arith.constant 32 : index
    %swap3A_2122 = tpu.vector_load %arg12[%swap3A_2121] {strides = array<i32>} : memref<96xf32, #tpu.memory_space<vmem>>, vector<16xf32>,
    tpu.vector_store %arg12[%swap3A_2121], %add3A_2119 {strides = array<i32>} : memref<96xf32, #tpu.memory_space<vmem>>, vector<16xf32>,
    %swap3A_2123 = arith.constant 80 : index
    %swap3A_2124 = tpu.vector_load %arg12[%swap3A_2123] {strides = array<i32>} : memref<96xf32, #tpu.memory_space<vmem>>, vector<16xf32>,
    tpu.vector_store %arg12[%swap3A_2123], %add3A_2120 {strides = array<i32>} : memref<96xf32, #tpu.memory_space<vmem>>, vector<16xf32>,
    "tpu.region"() ({
      %run_scoped3A = tpu.sem_alloc : memref<!tpu.dma_semaphore, #tpu.memory_space<semaphore_mem>>
      %dma_start3A = arith.constant 0 : i32
      %dma_start3A_2125 = tpu.memref_slice %arg6[%arg1, %dma_start3A] : memref<16x96xf32, #tpu.memory_space<hbm>> -> memref<1x96xf32, #tpu.memory_space<hbm>>
      %dma_start3A_2126 = tpu.memref_squeeze %dma_start3A_2125 : memref<1x96xf32, #tpu.memory_space<hbm>> -> memref<96xf32, #tpu.memory_space<hbm>>
      %dma_start3A_2127 = arith.constant 0 : i32
      %dma_start3A_2128 = tpu.memref_slice %arg6[%arg1, %dma_start3A_2127] : memref<16x96xf32, #tpu.memory_space<hbm>> -> memref<1x96xf32, #tpu.memory_space<hbm>>
      %dma_start3A_2129 = tpu.memref_squeeze %dma_start3A_2128 : memref<1x96xf32, #tpu.memory_space<hbm>> -> memref<96xf32, #tpu.memory_space<hbm>>
      tpu.enqueue_dma source(%arg12 : memref<96xf32, #tpu.memory_space<vmem>>) target(%dma_start3A_2129 : memref<96xf32, #tpu.memory_space<hbm>>) target_semaphore(%run_scoped3A : memref<!tpu.dma_semaphore, #tpu.memory_space<semaphore_mem>>)
      %dma_wait3A_2130 = arith.constant 0 : i32
      %dma_wait3A_2131 = tpu.memref_slice %arg6[%arg1, %dma_wait3A_2130] : memref<16x96xf32, #tpu.memory_space<hbm>> -> memref<1x96xf32, #tpu.memory_space<hbm>>
      %dma_wait3A_2132 = tpu.memref_squeeze %dma_wait3A_2131 : memref<1x96xf32, #tpu.memory_space<hbm>> -> memref<96xf32, #tpu.memory_space<hbm>>
      %dma_wait3A_2133 = arith.constant 0 : i32
      %dma_wait3A_2134 = tpu.memref_slice %arg6[%arg1, %dma_wait3A_2133] : memref<16x96xf32, #tpu.memory_space<hbm>> -> memref<1x96xf32, #tpu.memory_space<hbm>>
      %dma_wait3A_2135 = tpu.memref_squeeze %dma_wait3A_2134 : memref<1x96xf32, #tpu.memory_space<hbm>> -> memref<96xf32, #tpu.memory_space<hbm>>
      tpu.wait_dma2 semaphore(%run_scoped3A : memref<!tpu.dma_semaphore, #tpu.memory_space<semaphore_mem>>) src(%arg12 : memref<96xf32, #tpu.memory_space<vmem>>) dst(%dma_wait3A_2135 : memref<96xf32, #tpu.memory_space<hbm>>)
      tpu.yield
    }) : () -> ()
    return
  }
}

</mosaic_0001>

<sc_bundles>
// kernel: _sc_partials.3.cloned.1.call-start
scs
__scs_entry_jumppad:
0x0: {  	(pc) =	sbr.rel $0x88, $3  }
0x1: {  	(tag) =	ssettag $0x0;
	lr =	simm.s32 $0x1  }
0x2: {  	[smem:$0x3F9D] =	sst lr;
	_ =	strace $0xD0000000  }
0x3: {  	_ = 	snop  }
0x4: {  	_ = 	snop  }
0x5: {  	_ = 	snop  }
0x6: {  	_ = 	snop  }
0x7: {  	_ = 	snop  }
__scs_overlays_trampoline_lowered:
0x8: {  	[smem:$0x3FAC] =	sst s0  }
0x9: {  	[smem:$0x3FAD] =	sst s1  }
0xa: {  	[smem:$0x3FAE] =	sst s2  }
0xb: {  	[smem:$0x3FAF] =	sst s3  }
0xc: {  	[smem:$0x3FB0] =	sst s4  }
0xd: {  	[smem:$0x3FB1] =	sst s5  }
0xe: {  	[smem:$0x3FB2] =	sst s6  }
0xf: {  	[smem:$0x3FB3] =	sst s7  }
0x10: {  	[smem:$0x3FB4] =	sst s8  }
0x11: {  	[smem:$0x3FB5] =	sst s9;
	s0 =	simm.s32 @!p0 $0x0  }
0x12: {  	s1 =	sld [smem:$0x3F9B];
	s0 =	simm.s32 @p0 $0x1  }
0x13: {  	[smem:$0x3FB6] =	sst s0;
	s0 =	simm.s32 @!p1 $0x0  }
0x14: {  	s2 =	sld [smem:$0x3F9A];
	s0 =	simm.s32 @p1 $0x1  }
0x15: {  	[smem:$0x3FB7] =	sst s0;
	s0 =	simm.s32 @!p2 $0x0  }
0x16: {  	s3 =	sld [smem:$0x3FDB];
	s0 =	simm.s32 @p2 $0x1  }
0x17: {  	s4 =	simm.s32 $0x1BF5;
	[smem:$0x3FB9] =	sst s0  }
0x18: {  	s0 =	sld [smem:$0x3F9C];
	_ =	swait.ge [sflag:s4], $0x0  }
0x19: {  	s7 =	sld [smem:$0x3F9D]  }
0x1a: {  	s8 =	sadd.s32 $0xFFFFE003, lr  }
0x1b: {  	s9 =	sadd.s32 $0xFFFFFEF7, lr;
	s5 =	simm.s32 $0xFFFFFFFF;
	p2 =	slt.u32 s8, $0xFFFFF086  }
0x1c: {  	p1 =	slt.u32 s9, $0xF7A;
	s5 =	simm.s32 @!p2 $0x0  }
0x1d: {  	s5 =	simm.s32 @p1 $0x1;
	p0 =	seq.s32 s7, s2  }
0x1e: {  	s7 =	smul.u32 @!p0 $0xF7A, s2;
	p2 =	seq.s32 @!p0 s5, $0x0  }
0x1f: {  	s9 =	smul.u32 $0xF7A, s1;
	s8 =	simm.s32 @!p0 $0x1BF5;
	p2 =	por !p2, p0  }
0x20: {  	[sflag:s8] =	ssyncset.s32 @!p0 $0xFFFFF086;
	s6 =	sadd.s32 @!p0 s3, s7;
	s7 =	simm.s32 @!p0 $0x108  }
0x21: {  	s3 =	sadd.s32 s3, s9;
	s6 =	sadd.s32 @!p0 $0x88, s6;
	s7 =	simm.s32 @p2 $0x1082  }
0x22: {  	[simem:s7], [sflag:s8] =	dma.local @!p0 [hbm:s6], $0xF7A  }
0x23: {  	s9 =	sor.u32 $0xD0000000, s2;
	s6 =	simm.s32 $0x108;
	_ =	swait.ge @!p0 [sflag:s8], $0x0  }
0x24: {  	s3 =	sadd.s32 $0x88, s3;
	s6 =	simm.s32 @!p1 $0x1082;
	[sflag:s4] =	ssyncset.s32 $0xFFFFF086  }
0x25: {  	[simem:s6], [sflag:s4] =	dma.local [hbm:s3], $0xF7A  }
0x26: {  	[smem:$0x3F9D] =	sst s1;
	(tag) =	ssettag s2;
	_ =	strace s9  }
0x27: {  	s1 =	sld [smem:$0x3FAD]  }
0x28: {  	s2 =	sld [smem:$0x3FAE]  }
0x29: {  	s4 =	sld [smem:$0x3FB0]  }
0x2a: {  	p0 =	seq.s32 s5, $0x0;
	s5 =	sld [smem:$0x3FB1]  }
0x2b: {  	s6 =	sld [smem:$0x3FB2]  }
0x2c: {  	s7 =	sld [smem:$0x3FB3]  }
0x2d: {  	s3 =	simm.s32 $0x108;
	s8 =	sld [smem:$0x3FB4]  }
0x2e: {  	s3 =	simm.s32 @!p0 $0x1082;
	s9 =	sld [smem:$0x3FB5]  }
0x2f: {  	lr =	sadd.s32 s0, s3;
	s0 =	sld [smem:$0x3FAC]  }
0x30: {  	s3 =	sld [smem:$0x3FAF]  }
0x31: {  	[smem:$0x3FB8] =	sst s10  }
0x32: {  	s10 =	sld [smem:$0x3FB6];
	_ =	sdelay $0x3  }
0x33: {  	p0 =	seq.s32 s10, $0x1;
	s10 =	sld [smem:$0x3FB8];
	_ =	sdelay $0x3  }
0x34: {  	[smem:$0x3FB8] =	sst s10  }
0x35: {  	s10 =	sld [smem:$0x3FB7];
	_ =	sdelay $0x3  }
0x36: {  	p1 =	seq.s32 s10, $0x1;
	s10 =	sld [smem:$0x3FB8];
	_ =	sdelay $0x3  }
0x37: {  	[smem:$0x3FB8] =	sst s10  }
0x38: {  	s10 =	sld [smem:$0x3FB9]  }
0x39: {  	_ = 	snop;
	(pc) =	sbr.ind lr, $3  }
0x3a: {  	_ = 	snop  }
0x3b: {  	_ = 	snop  }
0x3c: {  	p2 =	seq.s32 s10, $0x1;
	s10 =	sld [smem:$0x3FB8]  }
0x3d: {  	_ =	shalt  }
0x3e: {  	_ =	shalt  }
0x3f: {  	_ =	shalt  }
0x40: {  	_ =	shalt  }
0x41: {  	_ =	shalt  }
0x42: {  	_ =	shalt  }
0x43: {  	_ =	shalt  }
0x44: {  	_ =	shalt  }
0x45: {  	_ =	shalt  }
0x46: {  	_ =	shalt  }
0x47: {  	_ =	shalt  }
0x48: {  	_ =	shalt  }
0x49: {  	_ =	shalt  }
0x4a: {  	_ =	shalt  }
0x4b: {  	_ =	shalt  }
0x4c: {  	_ =	shalt  }
0x4d: {  	_ =	shalt  }
0x4e: {  	_ =	shalt  }
0x4f: {  	_ =	shalt  }
0x50: {  	_ =	shalt  }
0x51: {  	_ =	shalt  }
0x52: {  	_ =	shalt  }
0x53: {  	_ =	shalt  }
0x54: {  	_ =	shalt  }
0x55: {  	_ =	shalt  }
0x56: {  	_ =	shalt  }
0x57: {  	_ =	shalt  }
0x58: {  	_ =	shalt  }
0x59: {  	_ =	shalt  }
0x5a: {  	_ =	shalt  }
0x5b: {  	_ =	shalt  }
0x5c: {  	_ =	shalt  }
0x5d: {  	_ =	shalt  }
0x5e: {  	_ =	shalt  }
0x5f: {  	_ =	shalt  }
0x60: {  	_ =	shalt  }
0x61: {  	_ =	shalt  }
0x62: {  	_ =	shalt  }
0x63: {  	_ =	shalt  }
0x64: {  	_ =	shalt  }
0x65: {  	_ =	shalt  }
0x66: {  	_ =	shalt  }
0x67: {  	_ =	shalt  }
0x68: {  	_ =	shalt  }
0x69: {  	_ =	shalt  }
0x6a: {  	_ =	shalt  }
0x6b: {  	_ =	shalt  }
0x6c: {  	_ =	shalt  }
0x6d: {  	_ =	shalt  }
0x6e: {  	_ =	shalt  }
0x6f: {  	_ =	shalt  }
0x70: {  	_ =	shalt  }
0x71: {  	_ =	shalt  }
0x72: {  	_ =	shalt  }
0x73: {  	_ =	shalt  }
0x74: {  	_ =	shalt  }
0x75: {  	_ =	shalt  }
0x76: {  	_ =	shalt  }
0x77: {  	_ =	shalt  }
0x78: {  	_ =	shalt  }
0x79: {  	_ =	shalt  }
0x7a: {  	_ =	shalt  }
0x7b: {  	_ =	shalt  }
0x7c: {  	_ =	shalt  }
0x7d: {  	_ =	shalt  }
0x7e: {  	_ =	shalt  }
0x7f: {  	_ =	shalt  }
0x80: {  	_ =	shalt  }
0x81: {  	_ =	shalt  }
0x82: {  	_ =	shalt  }
0x83: {  	_ =	shalt  }
0x84: {  	_ =	shalt  }
0x85: {  	_ =	shalt  }
0x86: {  	_ =	shalt  }
0x87: {  	_ =	shalt  }
.Lfunc_end0:
.L_simem_size_0:
called_computation_lowered:
.L_overlay_start_0:
0x88: {  	s0 =	sld [smem:$0x3FD9]  }
0x89: {  	s1 =	sld [smem:$0x3FFE];
	_ =	sdelay $0x3  }
0x8a: {  	s0 =	sadd.s32 s1, s0  }
0x8b: {  	[smem:$0x3FC4] =	sst s0  }
0x8c: {  	_ = 	snop  }
0x8d: {  	s0 =	sld [smem:$0x3FC6]  }
0x8e: {  	s16 =	sld [smem:$0x3FD0];
	(tm) =	ssettm $0x1  }
0x8f: {  	s2 =	sld [smem:$0x3FFB];
	_ =	sdelay $0x3  }
0x90: {  	_ =	strace s2  }
0x91: {  	s2 =	sld [smem:$0x3FFC];
	_ =	sdelay $0x3  }
0x92: {  	_ =	strace s2  }
0x93: {  	s2 =	sld [smem:$0x3FFD];
	_ =	sdelay $0x3  }
0x94: {  	_ =	strace s2  }
0x95: {  	_ =	strace $0x8FFFFFFF  }
0x96: {  	s17 =	sld [smem:$0x3FDB];
	_ =	sdelay $0x1  }
0x97: {  	s3 =	simm.s32 $_scs_section_size  }
0x98: {  	s4 =	simm.s32 $_size__tile_overlayer_lowered;
	s5 =	simm.s32 $_tile_overlayer_lowered  }
0x99: {  	s20 =	simm.s32 $0x1BFF;
	s19 =	sshll.u32 s5, $0x1;
	s2 =	sadd.s32 s3, s17  }
0x9a: {  	s6 =	simm.s32 $0x0;
	s18 =	sshll.u32 s4, $0x1;
	s4 =	sadd.s32 s19, s2  }
0x9b: {  	[timem:s6], [sflag:s20] =	dma.local [hbm:s4], s18  }
0x9c: {  	_ =	swait.ge [sflag:s20], s18  }
0x9d: {  	s3 =	ssub.s32 $0x0, s18;
	[sflag:s20] =	ssyncset.done $0x0  }
0x9e: {  	[sflag:s20] =	ssyncadd.s32 s3;
	_ =	sdelay $0x1  }
0x9f: {  	s21 =	simm.s32 $0x1B8B  }
0xa0: {  	_ =	swait.ge [sflag:s21], $0x1  }
0xa1: {  	[sflag:s21] =	ssyncset.done $0x0  }
0xa2: {  	s23 =	simm.s32 $0x1B8E;
	s22 =	sld [smem:$0x3FFE];
	[sflag:s21] =	ssyncadd.s32 $0xFFFFFFFF  }
0xa3: {  	s24 =	simm.s32 $execute0_lowered;
	[smem:$0x3FD2] =	sst s23  }
0xa4: {  	s4 =	sshll.u32 s24, $0x1;
	_ =	strace $0x80000046;
	[dreg:$0x1] =	wrdreg $0xFFFFFFFF  }
0xa5: {  	s25 =	simm.s32 $_size_execute0_lowered;
	s2 =	sadd.s32 s2, s4;
	[dreg:$0x0] =	wrdreg $0x0  }
0xa6: {  	s4 =	sshll.u32 s25, $0x1;
	[dreg:$0x2] =	wrdreg s2  }
0xa7: {  	[dreg:$0x3] =	wrdreg s4  }
0xa8: {  	[dreg:$0x4] =	wrdreg $0xC0  }
0xa9: {  	_ =	task [dreg:s6], $0x5FFFF  }
0xaa: {  	[dreg:$0x1] =	wrdreg $0xFFFFFFFF  }
0xab: {  	[dreg:$0x0] =	wrdreg $0x60  }
0xac: {  	[dreg:$0x2] =	wrdreg s22  }
0xad: {  	[dreg:$0x3] =	wrdreg s0  }
0xae: {  	[dreg:$0x4] =	wrdreg s16  }
0xaf: {  	[dreg:$0x5] =	wrdreg $0x9  }
0xb0: {  	_ =	task.clear_ibuf [dreg:s6], $0x6FFFF;
	_ =	strace $0x90000046  }
0xb1: {  	s26 =	simm.s32 $0x9;
	_ =	strace $0x80000048  }
0xb2: {  	_ =	swait.ge [sflag:s26], $0x1  }
0xb3: {  	[sflag:s26] =	ssyncadd.s32 $0xFFFFFFFF  }
0xb4: {  	_ =	strace $0x90000048  }
0xb5: {  	_ =	sfence  }
0xb6: {  	s28 =	sld [smem:$0x0];
	_ =	sdelay $0x1  }
0xb7: {  	s29 =	srdreg.scid  }
0xb8: {  	s30 =	sshll.u32 s29, $0xD;
	s31 =	sshrl.u32 s29, $0x2  }
0xb9: {  	s1 =	sand.u32 $0x1, s29;
	s2 =	sand.u32 $0x4000, s30;
	s0 =	sadd.s32 s31, s28  }
0xba: {  	s1 =	sor.u32 s2, s1;
	s0 =	sshll.u32 s0, $0x11  }
0xbb: {  	s0 =	sor.u32 s0, s1  }
0xbc: {  	s0 =	sadd.s32 $0x8F2B, s0  }
0xbd: {  	[sflag:s0] =	ssyncadd.remote.s32 $0x1  }
0xbe: {  	_ =	sfence.sel $0xFFFF  }
0xbf: {  	[dreg:$0x0] =	wrdreg $0xFFFFFFFF;
	(pc) =	sbr.abs _section_cstart, $3  }
0xc0: {  	[dreg:$0x1] =	wrdreg $0xFFFFFFFF  }
0xc1: {  	_ =	task.clear_ibuf [dreg:s6], $0x2FFFF;
	_ =	strace $0x9FFFFFFF  }
0xc2: {  	(tm) =	ssettm $0x7FFFFFFF  }
0xc3: {  	_ =	shalt  }
tec
execute0_lowered:
.L_overlay_start_1:
0x0: {  	(tag) =	ssettag $0x1  }
0x1: {  	s0 =	stileid.u32  }
0x2: {  	s5 =	smul.u32 $0x26, s0;
	_ =	sdelay $0x1  }
0x3: {  	v0 =	vmov s5  }
0x4: {  	v0 =	vbroadcast v0, $0x0  }
0x5: {  	v1 =	vlaneseq.u32  }
0x6: {  	v0 =	vadd.s32 v1, v0  }
0x7: {  	v2 =	vmulhi.u32 $0x51EB851F, v0  }
0x8: {  	s1 =	sadd.s32 $0x10, s5  }
0x9: {  	v35 =	vshrl.u32 v2, $0x6;
	v2 =	vmov s1  }
0xa: {  	s4 =	rddreg [dreg:$0x0];
	v3 =	vmul.u32 $0xFFFFFF38, v35;
	v2 =	vbroadcast v2, $0x0  }
0xb: {  	s6 =	rddreg [dreg:$0x1]  }
0xc: {  	s2 =	rddreg [dreg:$0x2];
	s3 =	simm.s32 $0x0;
	v3 =	vadd.s32 v0, v3;
	v4 =	vadd.s32 v1, v2  }
0xd: {  	[smem:$0x7FF] =	sst s3;
	s5 =	sadd.s32 $0x20, s5;
	v5 =	vmul.u32 $0x6, v3;
	v2 =	vmulhi.u32 $0x51EB851F, v4  }
0xe: {  	s29 =	simm.s32 $0x1;
	v6 =	vmov s5;
	s1 =	rddreg [dreg:$0x3];
	_ =	strace $0x80000047  }
0xf: {  	v6 =	vbroadcast v6, $0x0;
	[tilespmem:s3], [sflag:$0x1] =	stream.linear.gather [hbm4b:s6+s3], $0x500, $0x38;
	v3 =	vadd.s32 $0x2, v5;
	v37 =	vshrl.u32 v2, $0x6;
	[tilespmem:$0x4280] =	vst v63  }
0x10: {  	_ =	swait.ge [sflag:s29], $0x500;
	v7 =	vadd.s32 $0x3, v5;
	v2 =	vmul.u32 $0xFFFFFF38, v37  }
0x11: {  	v10 =	vadd.s32 v1, v6;
	[sflag:s29] =	ssyncset.done $0x0  }
0x12: {  	v1 =	vmulhi.u32 $0x51EB851F, v10;
	[sflag:s29] =	ssyncadd.s32 $0xFFFFFB00;
	v2 =	vadd.s32 v4, v2  }
0x13: {  	vm0 =	vlt.u32 v4, $0x258;
	v9 =	vmul.u32 $0x6, v2;
	v4 =	vld.idx.msk [tilespmem:v5+s3+$0x0], $0xffff  }
0x14: {  	v34 =	vshrl.u32 v1, $0x6;
	v6 =	vld.idx.msk [tilespmem:v3+s3+$0x0], $0xffff  }
0x15: {  	vm3 =	vmmov $0x3f;
	v1 =	vmul.u32 $0xFFFFFF38, v34;
	v8 =	vld.idx.msk [tilespmem:v7+s3+$0x0], $0xffff;
	v11 =	vadd.s32 $0x2, v9  }
0x16: {  	vm1 =	vlt.u32 v0, $0x258;
	vm2 =	vlt.u32 v10, $0x258;
	v12 =	vadd.s32 $0x3, v9  }
0x17: {  	v2 =	vadd.s32 $0x5, v5;
	v3 =	vadd.s32 $0x4, v5;
	v5 =	vadd.s32 v10, v1  }
0x18: {  	vm2 =	vmand vm2, vm3;
	v0 =	vadd.s32 $0x4, v9;
	v10 =	vmul.u32 $0x6, v5  }
0x19: {  	v1 =	vadd.s32 $0x5, v9;
	v13 =	vtrunc.f32 v4;
	v41 =	vmul.f32 $6.400000000e+01, v6;
	v9 =	vld.idx.msk [tilespmem:v9+s3+$0x0], $0xffff  }
0x1a: {  	v4 =	vadd.s32 $0x4, v10;
	v42 =	vmul.f32 $6.400000000e+01, v8;
	v13 =	vcvt.f32.s32 v13;
	v7 =	vld.idx.msk [tilespmem:v11+s3+$0x0], $0xffff  }
0x1b: {  	v26 =	vmul.f32 $3.200000000e+01, v6;
	v11 =	vadd.s32 $0x2, v10;
	v16 =	vld.idx.msk [tilespmem:v12+s3+$0x0], $0xffff;
	v5 =	vtrunc.f32 v41  }
0x1c: {  	v13 =	vmul.u32 $0x3, v13;
	v43 =	vcvt.f32.s32 v5;
	v5 =	vtrunc.f32 v42  }
0x1d: {  	v27 =	vmul.f32 $3.200000000e+01, v8;
	v12 =	vadd.s32 $0x3, v10;
	v44 =	vcvt.f32.s32 v5  }
0x1e: {  	v5 =	vadd.s32 $0x5, v10;
	v38 =	vadd.s32 v35, v13;
	vm3 =	vgt.s32 v43, $0x0  }
0x1f: {  	v13 =	vshll.u32 v38, $0xC;
	v9 =	vtrunc.f32 v9;
	v45 =	vmul.f32 $6.400000000e+01, v7  }
0x20: {  	v10 =	vld.idx.msk [tilespmem:v10+s3+$0x0], $0xffff;
	v14 =	vnsel vm3, $0x0, v43;
	v46 =	vmul.f32 $6.400000000e+01, v16;
	v9 =	vcvt.f32.s32 v9  }
0x21: {  	vm3 =	vgt.s32 v44, $0x0;
	v36 =	vld.idx.msk [tilespmem:v11+s3+$0x0], $0xffff;
	v22 =	vmul.f32 $3.200000000e+01, v7;
	v23 =	vmul.f32 $3.200000000e+01, v16  }
0x22: {  	v39 =	vld.idx.msk [tilespmem:v12+s3+$0x0], $0xffff;
	v15 =	vnsel vm3, $0x0, v44;
	v12 =	vmin.u32 v14, $0x3F;
	v17 =	vtrunc.f32 v45  }
0x23: {  	v11 =	vmin.u32 v15, $0x3F;
	v15 =	vtrunc.f32 v46;
	v9 =	vmul.u32 $0x3, v9  }
0x24: {  	v47 =	vcvt.f32.s32 v17;
	v11 =	vshll.u32 v11, $0x6;
	v48 =	vcvt.f32.s32 v15  }
0x25: {  	v10 =	vtrunc.f32 v10;
	v11 =	vor.u32 v13, v11;
	v40 =	vadd.s32 v37, v9  }
0x26: {  	v10 =	vcvt.f32.s32 v10;
	vm3 =	vgt.s32 v47, $0x0;
	v11 =	vor.u32 v12, v11  }
0x27: {  	v30 =	vmul.f32 $6.400000000e+01, v36;
	v13 =	vnsel vm3, $0x0, v47;
	vm3 =	vgt.s32 v48, $0x0  }
0x28: {  	v9 =	vshll.u32 v40, $0xC;
	v31 =	vmul.f32 $6.400000000e+01, v39;
	v12 =	vnsel vm3, $0x0, v48  }
0x29: {  	v18 =	vmul.f32 $3.200000000e+01, v36;
	v19 =	vmul.f32 $3.200000000e+01, v39;
	v12 =	vmin.u32 v12, $0x3F  }
0x2a: {  	v13 =	vmin.u32 v13, $0x3F;
	v14 =	vtrunc.f32 v30;
	v12 =	vshll.u32 v12, $0x6  }
0x2b: {  	v32 =	vcvt.f32.s32 v14;
	v9 =	vor.u32 v9, v12;
	v12 =	vtrunc.f32 v31  }
0x2c: {  	v49 =	vnsel vm1, $0x0, v11;
	v9 =	vor.u32 v13, v9;
	v33 =	vcvt.f32.s32 v12  }
0x2d: {  	vm3 =	vgt.s32 v32, $0x0;
	v12 =	vtrunc.f32 v26;
	v50 =	vnsel vm0, $0x0, v9  }
0x2e: {  	v9 =	vmul.u32 $0x3, v10;
	v10 =	vnsel vm3, $0x0, v32;
	vm3 =	vgt.s32 v33, $0x0  }
0x2f: {  	v13 =	vmul.f32 $1.600000000e+01, v8;
	v28 =	vcvt.f32.s32 v12;
	v11 =	vnsel vm3, $0x0, v33  }
0x30: {  	v12 =	vtrunc.f32 v27;
	v51 =	vadd.s32 v34, v9;
	v9 =	vmin.u32 v11, $0x3F  }
0x31: {  	v10 =	vmin.u32 v10, $0x3F;
	v11 =	vshll.u32 v51, $0xC;
	v9 =	vshll.u32 v9, $0x6  }
0x32: {  	v29 =	vcvt.f32.s32 v12;
	v12 =	vshll.u32 v38, $0xA;
	v9 =	vor.u32 v11, v9  }
0x33: {  	vm3 =	vgt.s32 v28, $0x0;
	v11 =	vtrunc.f32 v22;
	v9 =	vor.u32 v10, v9  }
0x34: {  	v10 =	vnsel vm3, $0x0, v28;
	vm3 =	vgt.s32 v29, $0x0;
	v24 =	vcvt.f32.s32 v11  }
0x35: {  	v11 =	vtrunc.f32 v23;
	v52 =	vnsel vm2, $0x0, v9;
	v9 =	vnsel vm3, $0x0, v29  }
0x36: {  	v25 =	vcvt.f32.s32 v11;
	v9 =	vmin.u32 v9, $0x1F;
	vm3 =	vgt.s32 v24, $0x0  }
0x37: {  	v10 =	vmin.u32 v10, $0x1F;
	v9 =	vshll.u32 v9, $0x5;
	v11 =	vnsel vm3, $0x0, v24  }
0x38: {  	vm3 =	vgt.s32 v25, $0x0;
	v9 =	vor.u32 v12, v9;
	v12 =	vtrunc.f32 v18  }
0x39: {  	v11 =	vmin.u32 v11, $0x1F;
	v53 =	vor.u32 v10, v9;
	v9 =	vnsel vm3, $0x0, v25  }
0x3a: {  	v20 =	vcvt.f32.s32 v12;
	v12 =	vtrunc.f32 v19;
	v9 =	vmin.u32 v9, $0x1F  }
0x3b: {  	v10 =	vshll.u32 v40, $0xA;
	v21 =	vcvt.f32.s32 v12;
	v9 =	vshll.u32 v9, $0x5  }
0x3c: {  	v12 =	vmul.f32 $1.600000000e+01, v6;
	vm3 =	vgt.s32 v20, $0x0;
	v9 =	vor.u32 v10, v9  }
0x3d: {  	v6 =	vnsel vm3, $0x0, v20;
	vm3 =	vgt.s32 v21, $0x0;
	v54 =	vor.u32 v11, v9  }
0x3e: {  	v8 =	vmin.u32 v6, $0x1F;
	v6 =	vnsel vm3, $0x0, v21;
	v9 =	vtrunc.f32 v12  }
0x3f: {  	v6 =	vmin.u32 v6, $0x1F;
	v14 =	vcvt.f32.s32 v9;
	v9 =	vtrunc.f32 v13  }
0x40: {  	v10 =	vshll.u32 v51, $0xA;
	v6 =	vshll.u32 v6, $0x5;
	v15 =	vcvt.f32.s32 v9  }
0x41: {  	v9 =	vor.u32 v10, v6;
	vm3 =	vgt.s32 v14, $0x0;
	v6 =	vmul.f32 $1.600000000e+01, v16  }
0x42: {  	v55 =	vor.u32 v8, v9;
	v8 =	vnsel vm3, $0x0, v14;
	vm3 =	vgt.s32 v15, $0x0  }
0x43: {  	v7 =	vmul.f32 $1.600000000e+01, v7;
	v9 =	vnsel vm3, $0x0, v15;
	v10 =	vtrunc.f32 v6  }
0x44: {  	v11 =	vmin.u32 v8, $0xF;
	v9 =	vmin.u32 v9, $0xF;
	v8 =	vcvt.f32.s32 v10  }
0x45: {  	v16 =	vld.idx.msk [tilespmem:v3+s3+$0x0], $0xffff;
	v3 =	vshll.u32 v38, $0x8;
	v10 =	vtrunc.f32 v7;
	v9 =	vshll.u32 v9, $0x4  }
0x46: {  	v17 =	vld.idx.msk [tilespmem:v2+s3+$0x0], $0xffff;
	v2 =	vor.u32 v3, v9;
	v9 =	vcvt.f32.s32 v10;
	vm3 =	vgt.s32 v8, $0x0  }
0x47: {  	v10 =	vld.idx.msk [tilespmem:v0+s3+$0x0], $0xffff;
	v0 =	vmul.f32 $1.600000000e+01, v39;
	v38 =	vor.u32 v11, v2;
	v2 =	vnsel vm3, $0x0, v8  }
0x48: {  	v61 =	vnsel vm1, $0x0, v53;
	v3 =	vshll.u32 v40, $0x8;
	v2 =	vmin.u32 v2, $0xF  }
0x49: {  	v11 =	vld.idx.msk [tilespmem:v1+s3+$0x0], $0xffff;
	v1 =	vmul.f32 $1.600000000e+01, v36;
	v59 =	vtrunc.f32 v0;
	v2 =	vshll.u32 v2, $0x4  }
0x4a: {  	v4 =	vld.idx.msk [tilespmem:v4+s3+$0x0], $0xffff;
	v63 =	vnsel vm0, $0x0, v54;
	v60 =	vor.u32 v3, v2;
	v2 =	vcvt.f32.s32 v59  }
0x4b: {  	v5 =	vld.idx.msk [tilespmem:v5+s3+$0x0], $0xffff;
	v57 =	vnsel vm2, $0x0, v55;
	[tilespmem:$0x500] =	vst v49;
	vm3 =	vgt.s32 v9, $0x0;
	v3 =	vtrunc.f32 v1  }
0x4c: {  	[tilespmem:$0x510] =	vst v50;
	v62 =	vnsel vm3, $0x0, v9;
	v3 =	vcvt.f32.s32 v3;
	vm3 =	vgt.s32 v2, $0x0  }
0x4d: {  	[tilespmem:$0x520] =	vst v52;
	v36 =	vmov s3;
	v40 =	vmin.u32 v62, $0xF;
	v56 =	vnsel vm3, $0x0, v2  }
0x4e: {  	[tilespmem:$0x530] =	vst v61;
	v39 =	vor.u32 v40, v60;
	vm3 =	vgt.s32 v3, $0x0;
	v59 =	vmin.u32 v56, $0xF  }
0x4f: {  	[tilespmem:$0x540] =	vst v63;
	v60 =	vshll.u32 v51, $0x8;
	v58 =	vnsel vm3, $0x0, v3;
	v61 =	vshll.u32 v59, $0x4  }
0x50: {  	[tilespmem:$0x550] =	vst v57;
	v38 =	vnsel vm1, $0x0, v38;
	v62 =	vmin.u32 v58, $0xF;
	v40 =	vor.u32 v60, v61  }
0x51: {  	[tilespmem:$0x560] =	vst v38;
	v39 =	vnsel vm0, $0x0, v39;
	v63 =	vor.u32 v62, v40  }
0x52: {  	[tilespmem:$0x570] =	vst v39;
	v38 =	vnsel vm2, $0x0, v63  }
0x53: {  	s9 =	simm.s32 $0x500;
	[tilespmem:$0x580] =	vst v38  }
0x54: {  	v38 =	vld.idx.msk [tilespmem:v36+s9+$0x0], $0xffff;
	_ =	sdelay $0x4  }
0x55: {  	(v2sf) =	vpush v38, $0x0;
	_ =	sdelay $0xd  }
0x56: {  	s30 =	simm.s32 $0x1  }
0x57: {  	v38 =	vmov s30;
	s31 =	spop (v2sf)  }
0x58: {  	s5 =	sshll.u32 s31, $0x4  }
0x59: {  	s8 =	sadd.s32 $0xF0400, s4;
	s5 =	sand.u32 $0x1FFFFFF0, s5  }
0x5a: {  	s10 =	simm.s32 $0x600;
	s5 =	sadd.s32 s8, s5  }
0x5b: {  	[tilespmem:s10], [sflag:$0x2] =	stream.linear.gather [hbm4b:s5+s3], $0x80, $0x38;
	[tilespmem:$0x4280] =	vst v63  }
0x5c: {  	v39 =	vld.idx.msk [tilespmem:v38+s9+$0x0], $0xffff;
	_ =	sdelay $0x4  }
0x5d: {  	(v2sf) =	vpush v39, $0x0;
	_ =	sdelay $0xd  }
0x5e: {  	s7 =	simm.s32 $0x2;
	s6 =	sadd.s32 $0x30400, s4  }
0x5f: {  	s5 =	sadd.s32 $0x400, s4;
	s4 =	simm.s32 $0x3;
	v39 =	vmov s7;
	s11 =	spop (v2sf)  }
.LBB2_1:
0x60: {  	p0 =	sne.s32 s4, $0x25;
	s11 =	sshll.u32 s11, $0x4  }
0x61: {  	s11 =	sand.u32 $0x1FFFFFF0, s11  }
0x62: {  	s10 =	sadd.s32 $0x80, s10;
	s11 =	sadd.s32 s8, s11  }
0x63: {  	[tilespmem:s10], [sflag:$0x2] =	stream.linear.gather [hbm4b:s11+s3], $0x80, $0x38;
	[tilespmem:$0x4280] =	vst v63  }
0x64: {  	v39 =	vld.idx.msk [tilespmem:v39+s9+$0x0], $0xffff;
	_ =	sdelay $0x5  }
0x65: {  	(v2sf) =	vpush v39, $0x0;
	_ =	sdelay $0xa  }
.Ltmp0:
0x66: {  	(pc) =	sbr.rel @p0 .LBB2_1-.Ltmp0, $2  }
0x67: {  	_ =	sdelay $0x2  }
0x68: {  	v39 =	vmov s4;
	s4 =	sadd.s32 $0x1, s4;
	s11 =	spop (v2sf)  }
0x69: {  	s4 =	sshll.u32 s11, $0x4  }
0x6a: {  	s4 =	sand.u32 $0x1FFFFFF0, s4  }
0x6b: {  	s10 =	sadd.s32 $0x80, s10;
	s4 =	sadd.s32 s8, s4  }
0x6c: {  	[tilespmem:s10], [sflag:$0x2] =	stream.linear.gather [hbm4b:s4+s3], $0x80, $0x38;
	[tilespmem:$0x4280] =	vst v63  }
0x6d: {  	v39 =	vld.idx.msk [tilespmem:v39+s9+$0x0], $0xffff;
	_ =	sdelay $0x4  }
0x6e: {  	(v2sf) =	vpush v39, $0x0;
	_ =	sdelay $0xd  }
0x6f: {  	v36 =	vadd.s32 $0x30, v36  }
0x70: {  	v36 =	vbroadcast v36, $0x0;
	s28 =	spop (v2sf)  }
0x71: {  	s4 =	sshll.u32 s28, $0x4  }
0x72: {  	s4 =	sand.u32 $0x1FFFFFF0, s4  }
0x73: {  	s29 =	sadd.s32 $0x80, s10;
	s4 =	sadd.s32 s8, s4  }
0x74: {  	[tilespmem:s29], [sflag:$0x2] =	stream.linear.gather [hbm4b:s4+s3], $0x80, $0x38;
	[tilespmem:$0x4280] =	vst v63  }
0x75: {  	s4 =	simm.s32 $0x500  }
0x76: {  	v36 =	vld.idx.msk [tilespmem:v36+s4+$0x0], $0xffff;
	_ =	sdelay $0x4  }
0x77: {  	(v2sf) =	vpush v36, $0x0;
	_ =	sdelay $0xc  }
0x78: {  	v63 =	vadd.s32 $0x30, v38  }
0x79: {  	v36 =	vbroadcast v63, $0x0  }
0x7a: {  	s30 =	spop (v2sf)  }
0x7b: {  	s3 =	sshll.u32 s30, $0x4  }
0x7c: {  	s3 =	sand.u32 $0x1FFFFFF0, s3  }
0x7d: {  	s8 =	simm.s32 $0x1A00;
	s31 =	sadd.s32 s6, s3;
	s3 =	simm.s32 $0x0  }
0x7e: {  	[tilespmem:s8], [sflag:$0x3] =	stream.linear.gather [hbm4b:s31+s3], $0x80, $0x38;
	[tilespmem:$0x4280] =	vst v63  }
0x7f: {  	v36 =	vld.idx.msk [tilespmem:v36+s4+$0x0], $0xffff;
	_ =	sdelay $0x4  }
0x80: {  	(v2sf) =	vpush v36, $0x0;
	_ =	sdelay $0xb  }
0x81: {  	v36 =	vmov s7;
	s7 =	simm.s32 $0x3  }
.LBB2_3:
0x82: {  	p0 =	sne.s32 s7, $0x25;
	v36 =	vadd.s32 $0x30, v36  }
0x83: {  	v36 =	vbroadcast v36, $0x0  }
0x84: {  	s9 =	spop (v2sf)  }
0x85: {  	s9 =	sshll.u32 s9, $0x4  }
0x86: {  	s9 =	sand.u32 $0x1FFFFFF0, s9  }
0x87: {  	s8 =	sadd.s32 $0x80, s8;
	s9 =	sadd.s32 s6, s9  }
0x88: {  	[tilespmem:s8], [sflag:$0x3] =	stream.linear.gather [hbm4b:s9+s3], $0x80, $0x38;
	[tilespmem:$0x4280] =	vst v63  }
0x89: {  	v36 =	vld.idx.msk [tilespmem:v36+s4+$0x0], $0xffff;
	_ =	sdelay $0x5  }
0x8a: {  	(v2sf) =	vpush v36, $0x0;
	_ =	sdelay $0x7  }
.Ltmp1:
0x8b: {  	(pc) =	sbr.rel @p0 .LBB2_3-.Ltmp1, $2  }
0x8c: {  	_ =	sdelay $0x2  }
0x8d: {  	v36 =	vmov s7;
	s7 =	sadd.s32 $0x1, s7  }
0x8e: {  	v36 =	vadd.s32 $0x30, v36  }
0x8f: {  	v36 =	vbroadcast v36, $0x0  }
0x90: {  	s3 =	spop (v2sf)  }
0x91: {  	s3 =	sshll.u32 s3, $0x4  }
0x92: {  	s3 =	sand.u32 $0x1FFFFFF0, s3  }
0x93: {  	s8 =	sadd.s32 $0x80, s8;
	s7 =	sadd.s32 s6, s3;
	s3 =	simm.s32 $0x0  }
0x94: {  	[tilespmem:s8], [sflag:$0x3] =	stream.linear.gather [hbm4b:s7+s3], $0x80, $0x38;
	[tilespmem:$0x4280] =	vst v63  }
0x95: {  	v36 =	vld.idx.msk [tilespmem:v36+s4+$0x0], $0xffff;
	_ =	sdelay $0x4  }
0x96: {  	(v2sf) =	vpush v36, $0x0;
	_ =	sdelay $0x9  }
0x97: {  	[tilespmem:$0x1FF60] =	vst v0  }
0x98: {  	[tilespmem:$0x1FF70] =	vst v1  }
0x99: {  	[tilespmem:$0x1FF80] =	vst v6  }
0x9a: {  	[tilespmem:$0x1FF90] =	vst v7  }
0x9b: {  	[tilespmem:$0x1FFA0] =	vst v12  }
0x9c: {  	p2 =	por $0x1, $0x1;
	[tilespmem:$0x1FFB0] =	vst v13;
	s30 =	spop (v2sf)  }
.Ltmp2:
0x9d: {  	[tilespmem:$0x1FFC0] =	vst v18;
	s4 =	sshll.u32 s30, $0x4;
	(pc) =	sbr.rel @!p2 .LBB2_5-.Ltmp2, $4  }
0x9e: {  	p0 =	por $0x0, $0x0;
	[tilespmem:$0x1FFD0] =	vst v19;
	s4 =	sand.u32 $0x1FFFFFF0, s4  }
0x9f: {  	p1 =	por $0x0, $0x0;
	[tilespmem:$0x1FFE0] =	vst v2;
	s31 =	sadd.s32 $0x80, s8;
	s4 =	sadd.s32 s6, s4  }
0xa0: {  	[tilespmem:s31], [sflag:$0x3] =	stream.linear.gather [hbm4b:s4+s3], $0x80, $0x38;
	[tilespmem:$0x4280] =	vst v63  }
0xa1: {  	[tilespmem:$0x1FFF0] =	vst v3;
	s7 =	simm.s32 $0x1;
	v36 =	vmov s3;
	s6 =	simm.s32 $0x500;
	s4 =	simm.s32 $0x2E00  }
0xa2: {  	v36 =	vadd.s32 $0x60, v36  }
0xa3: {  	v36 =	vbroadcast v36, $0x0;
	_ =	sdelay $0x5  }
0xa4: {  	p2 =	por $0x1, $0x1;
	v36 =	vld.idx.msk [tilespmem:v36+s6+$0x0], $0xffff  }
.Ltmp3:
0xa5: {  	_ = 	snop;
	(pc) =	sbr.rel @!p2 .LBB2_7-.Ltmp3, $2  }
0xa6: {  	_ =	sdelay $0x2  }
0xa7: {  	p0 =	por $0x1, $0x1;
	(v2sf) =	vpush v36, $0x0;
	v36 =	vmov s7;
	s7 =	simm.s32 $0x2  }
0xa8: {  	_ =	sdelay $0xb  }
0xa9: {  	v36 =	vadd.s32 $0x60, v36  }
0xaa: {  	v36 =	vbroadcast v36, $0x0  }
0xab: {  	s8 =	spop (v2sf)  }
0xac: {  	s8 =	sshll.u32 s8, $0x4  }
0xad: {  	s8 =	sand.u32 $0x1FFFFFF0, s8  }
0xae: {  	s8 =	sadd.s32 s5, s8  }
0xaf: {  	[tilespmem:s4], [sflag:$0x4] =	stream.linear.gather [hbm4b:s8+s3], $0x80, $0x38;
	[tilespmem:$0x4280] =	vst v63  }
0xb0: {  	v36 =	vld.idx.msk [tilespmem:v36+s6+$0x0], $0xffff;
	_ =	sdelay $0x4  }
0xb1: {  	(v2sf) =	vpush v36, $0x0;
	_ =	sdelay $0x6  }
0xb2: {  	p2 =	por $0x1, $0x1  }
.Ltmp4:
0xb3: {  	_ = 	snop;
	(pc) =	sbr.rel @!p2 .LBB2_9-.Ltmp4, $2  }
0xb4: {  	_ =	sdelay $0x2  }
0xb5: {  	p1 =	por $0x1, $0x1;
	s8 =	simm.s32 $0x3;
	v36 =	vmov s7;
	s7 =	simm.s32 $0x2E00  }
.LBB2_10:
0xb6: {  	p2 =	sne.s32 s8, $0x25;
	v36 =	vadd.s32 $0x60, v36  }
0xb7: {  	v36 =	vbroadcast v36, $0x0  }
0xb8: {  	s9 =	spop (v2sf)  }
0xb9: {  	s9 =	sshll.u32 s9, $0x4  }
0xba: {  	s9 =	sand.u32 $0x1FFFFFF0, s9  }
0xbb: {  	s7 =	sadd.s32 $0x80, s7;
	s9 =	sadd.s32 s5, s9  }
0xbc: {  	[tilespmem:s7], [sflag:$0x4] =	stream.linear.gather [hbm4b:s9+s3], $0x80, $0x38;
	[tilespmem:$0x4280] =	vst v63  }
0xbd: {  	v36 =	vld.idx.msk [tilespmem:v36+s6+$0x0], $0xffff;
	_ =	sdelay $0x5  }
0xbe: {  	(v2sf) =	vpush v36, $0x0;
	_ =	sdelay $0x7  }
.Ltmp5:
0xbf: {  	(pc) =	sbr.rel @p2 .LBB2_10-.Ltmp5, $2  }
0xc0: {  	_ =	sdelay $0x2  }
0xc1: {  	v36 =	vmov s8;
	s8 =	sadd.s32 $0x1, s8  }
0xc2: {  	v3 =	vmov v23;
	v2 =	vmov v22  }
.LBB2_12:
0xc3: {  	v36 =	vadd.s32 $0x60, v36  }
0xc4: {  	v36 =	vbroadcast v36, $0x0  }
0xc5: {  	s8 =	spop @p0 (v2sf)  }
0xc6: {  	s8 =	sshll.u32 @p0 s8, $0x4  }
0xc7: {  	s7 =	sadd.s32 @p1 $0x80, s7;
	s9 =	simm.s32 $0x2E00;
	s8 =	sand.u32 @p0 $0x1FFFFFF0, s8  }
0xc8: {  	s9 =	smov.u32 @p1 s7;
	s8 =	sadd.s32 @p0 s5, s8  }
0xc9: {  	[tilespmem:s9], [sflag:$0x4] =	stream.linear.gather @p0 [hbm4b:s8+s3], $0x80, $0x38;
	[tilespmem:$0x4280] =	vst v63  }
0xca: {  	v36 =	vld.idx.msk [tilespmem:v36+s6+$0x0], $0xffff;
	_ =	sdelay $0x4  }
0xcb: {  	(v2sf) =	vpush v36, $0x0;
	_ =	sdelay $0xe  }
0xcc: {  	s21 =	spop (v2sf)  }
0xcd: {  	s6 =	sshll.u32 s21, $0x4  }
0xce: {  	s7 =	sadd.s32 @p0 $0x80, s9;
	s8 =	simm.s32 $0x2E00;
	s6 =	sand.u32 $0x1FFFFFF0, s6  }
0xcf: {  	s23 =	simm.s32 $0x2;
	s8 =	smov.u32 @p0 s7;
	s22 =	sadd.s32 s5, s6  }
0xd0: {  	[tilespmem:s8], [sflag:$0x4] =	stream.linear.gather [hbm4b:s22+s3], $0x80, $0x38;
	[tilespmem:$0x4280] =	vst v63  }
0xd1: {  	_ =	swait.ge [sflag:s23], $0x1000  }
0xd2: {  	[sflag:s23] =	ssyncset.done $0x0  }
0xd3: {  	[sflag:s23] =	ssyncadd.s32 $0xFFFFF000  }
0xd4: {  	_ =	swait.ge [sflag:s23], $0x80  }
0xd5: {  	[sflag:s23] =	ssyncset.done $0x0  }
0xd6: {  	[sflag:s23] =	ssyncadd.s32 $0xFFFFFF80  }
0xd7: {  	_ =	swait.ge [sflag:s23], $0x80  }
0xd8: {  	[sflag:s23] =	ssyncset.done $0x0  }
0xd9: {  	[sflag:s23] =	ssyncadd.s32 $0xFFFFFF80  }
0xda: {  	_ =	swait.ge [sflag:s23], $0x80  }
0xdb: {  	[sflag:s23] =	ssyncset.done $0x0  }
0xdc: {  	[sflag:s23] =	ssyncadd.s32 $0xFFFFFF80  }
0xdd: {  	_ =	swait.ge [sflag:s23], $0x80  }
0xde: {  	[sflag:s23] =	ssyncset.done $0x0  }
0xdf: {  	v35 =	vmin.u32 v35, $0x2;
	[sflag:s23] =	ssyncadd.s32 $0xFFFFFF80  }
0xe0: {  	v35 =	vshll.u32 v35, $0x1;
	_ =	swait.ge [sflag:s23], $0x80  }
0xe1: {  	v61 =	vor.u32 $0x4B0, v35;
	[sflag:s23] =	ssyncset.done $0x0  }
0xe2: {  	v38 =	vor.u32 $0x4B1, v35;
	[sflag:s23] =	ssyncadd.s32 $0xFFFFFF80  }
0xe3: {  	_ =	swait.ge [sflag:s23], $0x80  }
0xe4: {  	[sflag:s23] =	ssyncset.done $0x0  }
0xe5: {  	[sflag:s23] =	ssyncadd.s32 $0xFFFFFF80  }
0xe6: {  	v53 =	vld.idx.msk [tilespmem:v61+s3+$0x0], $0xffff  }
0xe7: {  	v54 =	vld.idx.msk [tilespmem:v38+s3+$0x0], $0xffff;
	_ =	sdelay $0x1  }
0xe8: {  	v62 =	vlaneseq.u32  }
0xe9: {  	v36 =	vmul.u32 $0x80, v62  }
0xea: {  	(erf) = vrcp.f32 v53  }
0xeb: {  	(erf) = vrcp.f32 v54;
	_ =	sdelay $0x2  }
0xec: {  	s24 =	simm.s32 $0x600  }
0xed: {  	v63 =	vld.idx.msk [tilespmem:v36+s24+$0x0], $0xffff;
	_ =	sdelay $0x2  }
0xee: {  	v55 =	vmul.f32 $6.400000000e+01, v16  }
0xef: {  	v56 =	vmul.f32 $6.400000000e+01, v17;
	v39 =	vpop (erf)  }
0xf0: {  	v38 =	vsub.f32 $0.0e+00, v63;
	v49 =	vmul.f32 v39, v55;
	v0 =	vpop (erf)  }
0xf1: {  	v50 =	vmul.f32 v0, v56  }
0xf2: {  	v1 =	vmul.f32 $1.442695020e+00, v38;
	(erf) = vrcp.f32 v49  }
0xf3: {  	v38 =	vor.u32 $0x1, v36;
	(erf) = vrcp.f32 v50  }
0xf4: {  	(erf) = vpow2.f32 v1;
	_ =	sdelay $0x3  }
0xf5: {  	v6 =	vld.idx.msk [tilespmem:v38+s24+$0x0], $0xffff;
	_ =	sdelay $0x2  }
0xf6: {  	v51 =	vpop (erf)  }
0xf7: {  	v52 =	vpop (erf)  }
0xf8: {  	v39 =	vsub.f32 $0.0e+00, v6;
	v40 =	vpop (erf)  }
0xf9: {  	v40 =	vadd.f32 $1.000000000e+00, v40  }
0xfa: {  	v39 =	vmul.f32 $1.442695020e+00, v39  }
0xfb: {  	(erf) = vrcp.f32 v40  }
0xfc: {  	(erf) = vpow2.f32 v39  }
0xfd: {  	v39 =	vor.u32 $0x2, v36  }
0xfe: {  	v40 =	vor.u32 $0x3, v36;
	_ =	sdelay $0x3  }
0xff: {  	v57 =	vld.idx.msk [tilespmem:v39+s24+$0x0], $0xffff  }
0x100: {  	v59 =	vld.idx.msk [tilespmem:v40+s24+$0x0], $0xffff  }
0x101: {  	v58 =	vpop (erf)  }
0x102: {  	v60 =	vpop (erf)  }
0x103: {  	v60 =	vadd.f32 $1.000000000e+00, v60  }
0x104: {  	v57 =	vmul.f32 $1.442695020e+00, v57  }
0x105: {  	v7 =	vmul.f32 $1.442695020e+00, v59;
	(erf) = vrcp.f32 v60  }
0x106: {  	(erf) = vpow2.f32 v57  }
0x107: {  	(erf) = vpow2.f32 v7;
	_ =	sdelay $0x6  }
0x108: {  	v43 =	vcvt.s32.f32 v43;
	v12 =	vpop (erf)  }
0x109: {  	v44 =	vcvt.s32.f32 v44;
	v13 =	vpop (erf)  }
0x10a: {  	v41 =	vsub.f32 v41, v43;
	v23 =	vmul.f32 $5.000000000e-01, v55;
	v53 =	vmul.f32 v13, v53;
	v18 =	vpop (erf)  }
0x10b: {  	v42 =	vsub.f32 v42, v44;
	v62 =	vmul.f32 $5.000000000e-01, v56;
	v22 =	vmul.f32 v18, v54  }
0x10c: {  	v1 =	vadd.f32 v23, v41;
	v41 =	vsub.f32 v41, v23;
	v19 =	vmul.f32 $5.000000000e-01, v53  }
0x10d: {  	v7 =	vadd.f32 v62, v42;
	v42 =	vsub.f32 v42, v62;
	v61 =	vmul.f32 $5.000000000e-01, v22  }
0x10e: {  	v0 =	vadd.f32 v19, v58;
	v58 =	vsub.f32 v58, v19  }
0x10f: {  	v37 =	vmin.u32 v37, $0x2;
	v6 =	vadd.f32 v61, v12;
	v57 =	vsub.f32 v12, v61  }
0x110: {  	v37 =	vshll.u32 v37, $0x1;
	v44 =	vmin.f32 v0, v1  }
0x111: {  	v41 =	vmax.f32 v58, v41;
	v54 =	vmin.f32 v6, v7;
	v42 =	vmax.f32 v57, v42  }
0x112: {  	v12 =	vor.u32 $0x4B0, v37;
	v41 =	vsub.f32 v44, v41;
	v42 =	vsub.f32 v54, v42  }
0x113: {  	v13 =	vor.u32 $0x4B1, v37;
	v18 =	vmul.f32 v56, v55;
	v43 =	vmul.f32 v22, v53  }
0x114: {  	v41 =	vmax.f32 v41, $0.0e+00;
	v42 =	vmax.f32 v42, $0.0e+00  }
0x115: {  	v19 =	vadd.f32 v43, v18;
	v53 =	vmul.f32 v42, v41;
	_ =	sdelay $0x1  }
0x116: {  	v22 =	vld.idx.msk [tilespmem:v12+s3+$0x0], $0xffff;
	v41 =	vsub.f32 v19, v53  }
0x117: {  	v23 =	vld.idx.msk [tilespmem:v13+s3+$0x0], $0xffff  }
0x118: {  	v41 =	vadd.f32 $1.000000010e-07, v41;
	_ =	sdelay $0x1  }
0x119: {  	(erf) = vrcp.f32 v41  }
0x11a: {  	v41 =	vor.u32 $0x800, v36;
	(erf) = vrcp.f32 v22  }
0x11b: {  	(erf) = vrcp.f32 v23;
	_ =	sdelay $0x3  }
0x11c: {  	v58 =	vld.idx.msk [tilespmem:v41+s24+$0x0], $0xffff;
	_ =	sdelay $0x2  }
0x11d: {  	v61 =	vmul.f32 $6.400000000e+01, v10;
	v54 =	vpop (erf)  }
0x11e: {  	v62 =	vmul.f32 $6.400000000e+01, v11;
	v0 =	vpop (erf)  }
0x11f: {  	v42 =	vsub.f32 $0.0e+00, v58;
	v55 =	vmul.f32 v0, v61;
	v1 =	vpop (erf)  }
0x120: {  	v56 =	vmul.f32 v1, v62  }
0x121: {  	v6 =	vmul.f32 $1.442695020e+00, v42;
	(erf) = vrcp.f32 v55  }
0x122: {  	v42 =	vor.u32 $0x801, v36;
	(erf) = vrcp.f32 v56  }
0x123: {  	(erf) = vpow2.f32 v6;
	_ =	sdelay $0x3  }
0x124: {  	v7 =	vld.idx.msk [tilespmem:v42+s24+$0x0], $0xffff;
	_ =	sdelay $0x2  }
0x125: {  	v57 =	vpop (erf)  }
0x126: {  	v58 =	vpop (erf)  }
0x127: {  	v43 =	vsub.f32 $0.0e+00, v7;
	v12 =	vpop (erf)  }
0x128: {  	v44 =	vadd.f32 $1.000000000e+00, v12  }
0x129: {  	v43 =	vmul.f32 $1.442695020e+00, v43  }
0x12a: {  	(erf) = vrcp.f32 v44  }
0x12b: {  	(erf) = vpow2.f32 v43  }
0x12c: {  	v43 =	vor.u32 $0x802, v36;
	_ =	sdelay $0x1  }
0x12d: {  	v44 =	vor.u32 $0x803, v36;
	_ =	sdelay $0x2  }
0x12e: {  	v63 =	vld.idx.msk [tilespmem:v43+s24+$0x0], $0xffff;
	_ =	sdelay $0x1  }
0x12f: {  	v0 =	vld.idx.msk [tilespmem:v44+s24+$0x0], $0xffff;
	v1 =	vpop (erf)  }
0x130: {  	v6 =	vpop (erf)  }
0x131: {  	v6 =	vadd.f32 $1.000000000e+00, v6  }
0x132: {  	v63 =	vmul.f32 $1.442695020e+00, v63  }
0x133: {  	(erf) = vrcp.f32 v6  }
0x134: {  	v0 =	vmul.f32 $1.442695020e+00, v0;
	(erf) = vpow2.f32 v63;
	_ =	sdelay $0x1  }
0x135: {  	(erf) = vpow2.f32 v0;
	_ =	sdelay $0x5  }
0x136: {  	v0 =	vpop (erf)  }
0x137: {  	v47 =	vcvt.s32.f32 v47;
	v13 =	vpop (erf)  }
0x138: {  	v48 =	vcvt.s32.f32 v48;
	v6 =	vmul.f32 v13, v22  }
0x139: {  	v45 =	vsub.f32 v45, v47;
	v18 =	vpop (erf);
	v22 =	vmul.f32 $5.000000000e-01, v61  }
0x13a: {  	v46 =	vsub.f32 v46, v48;
	v59 =	vmul.f32 v18, v23;
	v19 =	vmul.f32 $5.000000000e-01, v6  }
0x13b: {  	v18 =	vmul.f32 $5.000000000e-01, v62;
	v13 =	vadd.f32 v22, v45;
	v45 =	vsub.f32 v45, v22  }
0x13c: {  	v12 =	vmul.f32 $5.000000000e-01, v59;
	v23 =	vadd.f32 v19, v1;
	v1 =	vsub.f32 v1, v19  }
0x13d: {  	v19 =	vadd.f32 v18, v46;
	v46 =	vsub.f32 v46, v18  }
0x13e: {  	v34 =	vmin.u32 v34, $0x2;
	v7 =	vadd.f32 v12, v0;
	v0 =	vsub.f32 v0, v12  }
0x13f: {  	v34 =	vshll.u32 v34, $0x1;
	v22 =	vmin.f32 v23, v13  }
0x140: {  	v1 =	vmax.f32 v1, v45;
	v7 =	vmin.f32 v7, v19;
	v0 =	vmax.f32 v0, v46  }
0x141: {  	v23 =	vor.u32 $0x4B0, v34;
	v1 =	vsub.f32 v22, v1;
	v0 =	vsub.f32 v7, v0  }
0x142: {  	v48 =	vor.u32 $0x4B1, v34;
	v60 =	vmul.f32 v62, v61;
	v6 =	vmul.f32 v59, v6  }
0x143: {  	v1 =	vmax.f32 v1, $0.0e+00;
	v0 =	vmax.f32 v0, $0.0e+00  }
0x144: {  	v61 =	vadd.f32 v6, v60;
	v0 =	vmul.f32 v0, v1;
	_ =	sdelay $0x1  }
0x145: {  	vm4 =	vcmask $0x300;
	v62 =	vimm.s32 $0x1280;
	v6 =	vld.idx.msk [tilespmem:v23+s3+$0x0], $0xffff;
	v1 =	vsub.f32 v61, v0  }
0x146: {  	vm3 =	vcmask $0x704;
	v45 =	vsel vm4, $0x1000, v62;
	v7 =	vld.idx.msk [tilespmem:v48+s3+$0x0], $0xffff  }
0x147: {  	vm5 =	vcmask $0xB08;
	v45 =	vsel vm3, $0x1080, v45;
	v1 =	vadd.f32 $1.000000010e-07, v1  }
0x148: {  	vm6 =	vcmask $0xF0C;
	v45 =	vsel vm5, $0x1100, v45  }
0x149: {  	vm7 =	vcmask $0x1310;
	v63 =	vsel vm6, $0x1180, v45;
	(erf) = vrcp.f32 v1  }
0x14a: {  	v45 =	vsel vm7, $0x1200, v63;
	(erf) = vrcp.f32 v6  }
0x14b: {  	(erf) = vrcp.f32 v7;
	_ =	sdelay $0x3  }
0x14c: {  	v1 =	vld.idx.msk [tilespmem:v45+s24+$0x0], $0xffff;
	_ =	sdelay $0x2  }
0x14d: {  	v60 =	vmul.f32 $6.400000000e+01, v4;
	v12 =	vimm.s32 $0x1281;
	v59 =	vpop (erf)  }
0x14e: {  	v46 =	vsel vm4, $0x1001, v12;
	v61 =	vmul.f32 $6.400000000e+01, v5;
	v13 =	vpop (erf)  }
0x14f: {  	v46 =	vsel vm3, $0x1081, v46;
	v1 =	vsub.f32 $0.0e+00, v1;
	v62 =	vmul.f32 v13, v60;
	v18 =	vpop (erf)  }
0x150: {  	v46 =	vsel vm5, $0x1101, v46;
	v63 =	vmul.f32 v18, v61  }
0x151: {  	v46 =	vsel vm6, $0x1181, v46;
	v1 =	vmul.f32 $1.442695020e+00, v1;
	(erf) = vrcp.f32 v62  }
0x152: {  	v46 =	vsel vm7, $0x1201, v46;
	(erf) = vrcp.f32 v63  }
0x153: {  	(erf) = vpow2.f32 v1;
	_ =	sdelay $0x3  }
0x154: {  	v19 =	vld.idx.msk [tilespmem:v46+s24+$0x0], $0xffff;
	_ =	sdelay $0x2  }
0x155: {  	v12 =	vpop (erf)  }
0x156: {  	v13 =	vpop (erf)  }
0x157: {  	v22 =	vimm.s32 $0x1282;
	v1 =	vsub.f32 $0.0e+00, v19;
	v23 =	vpop (erf)  }
0x158: {  	v47 =	vsel vm4, $0x1002, v22;
	v48 =	vadd.f32 $1.000000000e+00, v23  }
0x159: {  	v47 =	vsel vm3, $0x1082, v47;
	v18 =	vimm.s32 $0x1283;
	v1 =	vmul.f32 $1.442695020e+00, v1  }
0x15a: {  	v47 =	vsel vm5, $0x1102, v47;
	v18 =	vsel vm4, $0x1003, v18;
	(erf) = vrcp.f32 v48  }
0x15b: {  	v47 =	vsel vm6, $0x1182, v47;
	v18 =	vsel vm3, $0x1083, v18;
	(erf) = vpow2.f32 v1  }
0x15c: {  	v47 =	vsel vm7, $0x1202, v47;
	v48 =	vsel vm5, $0x1103, v18  }
0x15d: {  	v1 =	vsel vm6, $0x1183, v48  }
0x15e: {  	v48 =	vsel vm7, $0x1203, v1;
	_ =	sdelay $0x2  }
0x15f: {  	v1 =	vld.idx.msk [tilespmem:v47+s24+$0x0], $0xffff;
	_ =	sdelay $0x1  }
0x160: {  	v18 =	vld.idx.msk [tilespmem:v48+s24+$0x0], $0xffff;
	v19 =	vpop (erf)  }
0x161: {  	v22 =	vpop (erf)  }
0x162: {  	v22 =	vadd.f32 $1.000000000e+00, v22  }
0x163: {  	v1 =	vmul.f32 $1.442695020e+00, v1  }
0x164: {  	(erf) = vrcp.f32 v22  }
0x165: {  	v18 =	vmul.f32 $1.442695020e+00, v18;
	(erf) = vpow2.f32 v1;
	_ =	sdelay $0x1  }
0x166: {  	(erf) = vpow2.f32 v18;
	_ =	sdelay $0x5  }
0x167: {  	v1 =	vpop (erf)  }
0x168: {  	v22 =	vpop (erf)  }
0x169: {  	v6 =	vmul.f32 v22, v6  }
0x16a: {  	v18 =	vcvt.s32.f32 v32;
	v22 =	vcvt.s32.f32 v33;
	v23 =	vpop (erf)  }
0x16b: {  	v7 =	vmul.f32 v23, v7;
	v32 =	vmul.f32 $5.000000000e-01, v6  }
0x16c: {  	v18 =	vsub.f32 v30, v18;
	v23 =	vmul.f32 $5.000000000e-01, v60;
	v22 =	vsub.f32 v31, v22  }
0x16d: {  	v31 =	vadd.f32 v32, v19;
	v19 =	vsub.f32 v19, v32;
	v32 =	vmul.f32 $5.000000000e-01, v7  }
0x16e: {  	v30 =	vmul.f32 $5.000000000e-01, v61;
	v33 =	vadd.f32 v23, v18;
	v18 =	vsub.f32 v18, v23  }
0x16f: {  	v23 =	vadd.f32 v32, v1;
	v1 =	vsub.f32 v1, v32  }
0x170: {  	v32 =	vadd.f32 v30, v22;
	v22 =	vsub.f32 v22, v30  }
0x171: {  	v33 =	vmin.f32 v31, v33  }
0x172: {  	v18 =	vmax.f32 v19, v18;
	v23 =	vmin.f32 v23, v32;
	v1 =	vmax.f32 v1, v22  }
0x173: {  	v18 =	vsub.f32 v33, v18;
	v1 =	vsub.f32 v23, v1  }
0x174: {  	v6 =	vmul.f32 v7, v6;
	v30 =	vmul.f32 v61, v60  }
0x175: {  	v18 =	vmax.f32 v18, $0.0e+00;
	v1 =	vmax.f32 v1, $0.0e+00  }
0x176: {  	v6 =	vadd.f32 v6, v30;
	v1 =	vmul.f32 v1, v18;
	_ =	sdelay $0x1  }
0x177: {  	v6 =	vsub.f32 v6, v1;
	_ =	sdelay $0x1  }
0x178: {  	v6 =	vadd.f32 $1.000000010e-07, v6;
	_ =	sdelay $0x1  }
0x179: {  	(erf) = vrcp.f32 v6;
	_ =	sdelay $0x2  }
0x17a: {  	v0 =	vmul.f32 v59, v0  }
0x17b: {  	v31 =	vmax.f32 v49, v51;
	v49 =	vmax.f32 v55, v57;
	v33 =	vmul.f32 v54, v53  }
0x17c: {  	v53 =	vmax.f32 v63, v13;
	v32 =	vmax.f32 v50, v52;
	v50 =	vmax.f32 v56, v58  }
0x17d: {  	v30 =	vimm.f32 $0.0e+00;
	v7 =	vmax.f32 v49, v50;
	v6 =	vmax.f32 v31, v32  }
0x17e: {  	v52 =	vmax.f32 v62, v12;
	vm15 =	vlt.f32 v7, $4.000000000e+00;
	vm14 =	vlt.f32 v6, $4.000000000e+00  }
0x17f: {  	v7 =	vmax.f32 v52, v53;
	v6 =	vsub.f32 $1.000000000e+00, v33;
	vm3 =	vmand vm1, vm14  }
0x180: {  	v0 =	vsub.f32 $1.000000000e+00, v0;
	vm6 =	vlt.f32 v7, $4.000000000e+00;
	v51 =	vsel vm3, $0x3F800000, v30;
	v54 =	vpop (erf)  }
0x181: {  	vm3 =	vmand vm0, vm15;
	v6 =	vmul.f32 v6, v51;
	v1 =	vmul.f32 v54, v1  }
0x182: {  	v55 =	vsel vm3, $0x3F800000, v30;
	vm3 =	vmand vm2, vm6  }
0x183: {  	v0 =	vmul.f32 v0, v55;
	v6 =	vadd.f32 $0.0e+00, v6;
	v1 =	vsub.f32 $1.000000000e+00, v1  }
0x184: {  	v56 =	vsel vm3, $0x3F800000, v30;
	v57 =	vadd.f32 v55, v51  }
0x185: {  	v0 =	vadd.f32 v0, v6;
	v1 =	vmul.f32 v1, v56  }
0x186: {  	v58 =	vadd.f32 v56, v57  }
0x187: {  	v0 =	vadd.f32 v1, v0  }
0x188: {  	[tilespmem:$0x4230] =	vst v58  }
0x189: {  	s25 =	simm.s32 $0x3;
	[tilespmem:$0x4200] =	vst v0  }
0x18a: {  	_ =	swait.ge [sflag:s25], $0x1000  }
0x18b: {  	[sflag:s25] =	ssyncset.done $0x0  }
0x18c: {  	[sflag:s25] =	ssyncadd.s32 $0xFFFFF000  }
0x18d: {  	_ =	swait.ge [sflag:s25], $0x80  }
0x18e: {  	[sflag:s25] =	ssyncset.done $0x0  }
0x18f: {  	[sflag:s25] =	ssyncadd.s32 $0xFFFFFF80  }
0x190: {  	_ =	swait.ge [sflag:s25], $0x80  }
0x191: {  	[sflag:s25] =	ssyncset.done $0x0  }
0x192: {  	[sflag:s25] =	ssyncadd.s32 $0xFFFFFF80  }
0x193: {  	_ =	swait.ge [sflag:s25], $0x80  }
0x194: {  	[sflag:s25] =	ssyncset.done $0x0  }
0x195: {  	[sflag:s25] =	ssyncadd.s32 $0xFFFFFF80  }
0x196: {  	_ =	swait.ge [sflag:s25], $0x80  }
0x197: {  	[sflag:s25] =	ssyncset.done $0x0  }
0x198: {  	[sflag:s25] =	ssyncadd.s32 $0xFFFFFF80  }
0x199: {  	_ =	swait.ge [sflag:s25], $0x80  }
0x19a: {  	v59 =	vor.u32 $0x4B8, v35;
	[sflag:s25] =	ssyncset.done $0x0  }
0x19b: {  	v60 =	vor.u32 $0x4B9, v35;
	[sflag:s25] =	ssyncadd.s32 $0xFFFFFF80  }
0x19c: {  	_ =	swait.ge [sflag:s25], $0x80  }
0x19d: {  	[sflag:s25] =	ssyncset.done $0x0  }
0x19e: {  	[sflag:s25] =	ssyncadd.s32 $0xFFFFFF80  }
0x19f: {  	v0 =	vld.idx.msk [tilespmem:v59+s3+$0x0], $0xffff  }
0x1a0: {  	v1 =	vld.idx.msk [tilespmem:v60+s3+$0x0], $0xffff;
	_ =	sdelay $0x3  }
0x1a1: {  	(erf) = vrcp.f32 v0  }
0x1a2: {  	(erf) = vrcp.f32 v1;
	_ =	sdelay $0x2  }
0x1a3: {  	s26 =	simm.s32 $0x1A00  }
0x1a4: {  	v61 =	vld.idx.msk [tilespmem:v36+s26+$0x0], $0xffff;
	_ =	sdelay $0x2  }
0x1a5: {  	v7 =	vmul.f32 $3.200000000e+01, v16  }
0x1a6: {  	v12 =	vmul.f32 $3.200000000e+01, v17;
	v62 =	vpop (erf)  }
0x1a7: {  	v6 =	vsub.f32 $0.0e+00, v61;
	v31 =	vmul.f32 v62, v7;
	v63 =	vpop (erf)  }
0x1a8: {  	v32 =	vmul.f32 v63, v12  }
0x1a9: {  	v6 =	vmul.f32 $1.442695020e+00, v6;
	(erf) = vrcp.f32 v31  }
0x1aa: {  	(erf) = vrcp.f32 v32  }
0x1ab: {  	(erf) = vpow2.f32 v6;
	_ =	sdelay $0x3  }
0x1ac: {  	v18 =	vld.idx.msk [tilespmem:v38+s26+$0x0], $0xffff;
	_ =	sdelay $0x2  }
0x1ad: {  	v33 =	vpop (erf)  }
0x1ae: {  	v49 =	vpop (erf)  }
0x1af: {  	v6 =	vsub.f32 $0.0e+00, v18;
	v19 =	vpop (erf)  }
0x1b0: {  	v13 =	vadd.f32 $1.000000000e+00, v19  }
0x1b1: {  	v6 =	vmul.f32 $1.442695020e+00, v6  }
0x1b2: {  	(erf) = vrcp.f32 v13  }
0x1b3: {  	(erf) = vpow2.f32 v6;
	_ =	sdelay $0x5  }
0x1b4: {  	v22 =	vld.idx.msk [tilespmem:v39+s26+$0x0], $0xffff  }
0x1b5: {  	v23 =	vld.idx.msk [tilespmem:v40+s26+$0x0], $0xffff  }
0x1b6: {  	v13 =	vpop (erf)  }
0x1b7: {  	v50 =	vpop (erf)  }
0x1b8: {  	v19 =	vadd.f32 $1.000000000e+00, v50  }
0x1b9: {  	v6 =	vmul.f32 $1.442695020e+00, v22  }
0x1ba: {  	v51 =	vmul.f32 $1.442695020e+00, v23;
	(erf) = vrcp.f32 v19  }
0x1bb: {  	(erf) = vpow2.f32 v6  }
0x1bc: {  	(erf) = vpow2.f32 v51;
	_ =	sdelay $0x6  }
0x1bd: {  	v54 =	vcvt.s32.f32 v28;
	v52 =	vpop (erf)  }
0x1be: {  	v55 =	vcvt.s32.f32 v29;
	v53 =	vpop (erf)  }
0x1bf: {  	v58 =	vmul.f32 $5.000000000e-01, v7;
	v18 =	vsub.f32 v26, v54;
	v0 =	vmul.f32 v53, v0;
	v56 =	vpop (erf)  }
0x1c0: {  	v62 =	vmul.f32 $5.000000000e-01, v12;
	v19 =	vsub.f32 v27, v55;
	v1 =	vmul.f32 v56, v1  }
0x1c1: {  	v60 =	vadd.f32 v58, v18;
	v18 =	vsub.f32 v18, v58;
	v57 =	vmul.f32 $5.000000000e-01, v0  }
0x1c2: {  	v50 =	vadd.f32 v62, v19;
	v19 =	vsub.f32 v19, v62;
	v61 =	vmul.f32 $5.000000000e-01, v1  }
0x1c3: {  	v59 =	vadd.f32 v57, v13;
	v13 =	vsub.f32 v13, v57  }
0x1c4: {  	v63 =	vadd.f32 v61, v52;
	v6 =	vsub.f32 v52, v61  }
0x1c5: {  	v26 =	vmin.f32 v59, v60  }
0x1c6: {  	v13 =	vmax.f32 v13, v18;
	v51 =	vmin.f32 v63, v50;
	v6 =	vmax.f32 v6, v19  }
0x1c7: {  	v52 =	vor.u32 $0x4B8, v37;
	v13 =	vsub.f32 v26, v13;
	v6 =	vsub.f32 v51, v6  }
0x1c8: {  	v54 =	vmul.f32 v12, v7;
	v53 =	vor.u32 $0x4B9, v37;
	v0 =	vmul.f32 v1, v0  }
0x1c9: {  	v55 =	vmax.f32 v13, $0.0e+00;
	v6 =	vmax.f32 v6, $0.0e+00  }
0x1ca: {  	v0 =	vadd.f32 v0, v54;
	v26 =	vmul.f32 v6, v55;
	_ =	sdelay $0x1  }
0x1cb: {  	v56 =	vld.idx.msk [tilespmem:v52+s3+$0x0], $0xffff;
	v0 =	vsub.f32 v0, v26  }
0x1cc: {  	v6 =	vld.idx.msk [tilespmem:v53+s3+$0x0], $0xffff  }
0x1cd: {  	v0 =	vadd.f32 $1.000000010e-07, v0;
	_ =	sdelay $0x1  }
0x1ce: {  	(erf) = vrcp.f32 v0  }
0x1cf: {  	(erf) = vrcp.f32 v56  }
0x1d0: {  	(erf) = vrcp.f32 v6;
	_ =	sdelay $0x3  }
0x1d1: {  	v57 =	vld.idx.msk [tilespmem:v41+s26+$0x0], $0xffff;
	_ =	sdelay $0x2  }
0x1d2: {  	v7 =	vmul.f32 $3.200000000e+01, v10;
	v27 =	vpop (erf)  }
0x1d3: {  	v12 =	vmul.f32 $3.200000000e+01, v11;
	v58 =	vpop (erf)  }
0x1d4: {  	v0 =	vsub.f32 $0.0e+00, v57;
	v28 =	vmul.f32 v58, v7;
	v59 =	vpop (erf)  }
0x1d5: {  	v29 =	vmul.f32 v59, v12  }
0x1d6: {  	v0 =	vmul.f32 $1.442695020e+00, v0;
	(erf) = vrcp.f32 v28  }
0x1d7: {  	(erf) = vrcp.f32 v29  }
0x1d8: {  	(erf) = vpow2.f32 v0;
	_ =	sdelay $0x3  }
0x1d9: {  	v60 =	vld.idx.msk [tilespmem:v42+s26+$0x0], $0xffff;
	_ =	sdelay $0x2  }
0x1da: {  	v50 =	vpop (erf)  }
0x1db: {  	v51 =	vpop (erf)  }
0x1dc: {  	v0 =	vsub.f32 $0.0e+00, v60;
	v61 =	vpop (erf)  }
0x1dd: {  	v13 =	vadd.f32 $1.000000000e+00, v61  }
0x1de: {  	v0 =	vmul.f32 $1.442695020e+00, v0  }
0x1df: {  	(erf) = vrcp.f32 v13  }
0x1e0: {  	(erf) = vpow2.f32 v0;
	_ =	sdelay $0x5  }
0x1e1: {  	v62 =	vld.idx.msk [tilespmem:v43+s26+$0x0], $0xffff  }
0x1e2: {  	v63 =	vld.idx.msk [tilespmem:v44+s26+$0x0], $0xffff  }
0x1e3: {  	v13 =	vpop (erf)  }
0x1e4: {  	v22 =	vpop (erf)  }
0x1e5: {  	v19 =	vadd.f32 $1.000000000e+00, v22  }
0x1e6: {  	v0 =	vmul.f32 $1.442695020e+00, v62  }
0x1e7: {  	v23 =	vmul.f32 $1.442695020e+00, v63;
	(erf) = vrcp.f32 v19  }
0x1e8: {  	(erf) = vpow2.f32 v0  }
0x1e9: {  	(erf) = vpow2.f32 v23;
	_ =	sdelay $0x6  }
0x1ea: {  	v53 =	vcvt.s32.f32 v24;
	v0 =	vpop (erf)  }
0x1eb: {  	v54 =	vcvt.s32.f32 v25;
	v52 =	vpop (erf)  }
0x1ec: {  	v18 =	vsub.f32 v2, v53;
	v57 =	vmul.f32 $5.000000000e-01, v7;
	v1 =	vmul.f32 v52, v56;
	v55 =	vpop (erf)  }
0x1ed: {  	v61 =	vmul.f32 $5.000000000e-01, v12;
	v19 =	vsub.f32 v3, v54;
	v6 =	vmul.f32 v55, v6  }
0x1ee: {  	v59 =	vadd.f32 v57, v18;
	v18 =	vsub.f32 v18, v57;
	v56 =	vmul.f32 $5.000000000e-01, v1  }
0x1ef: {  	v63 =	vadd.f32 v61, v19;
	v19 =	vsub.f32 v19, v61;
	v60 =	vmul.f32 $5.000000000e-01, v6  }
0x1f0: {  	v58 =	vadd.f32 v56, v13;
	v13 =	vsub.f32 v13, v56  }
0x1f1: {  	v62 =	vadd.f32 v60, v0;
	v0 =	vsub.f32 v0, v60  }
0x1f2: {  	v24 =	vmin.f32 v58, v59  }
0x1f3: {  	v13 =	vmax.f32 v13, v18;
	v52 =	vmin.f32 v62, v63;
	v0 =	vmax.f32 v0, v19  }
0x1f4: {  	v53 =	vor.u32 $0x4B8, v34;
	v13 =	vsub.f32 v24, v13;
	v0 =	vsub.f32 v52, v0  }
0x1f5: {  	v54 =	vor.u32 $0x4B9, v34;
	v55 =	vmul.f32 v12, v7;
	v1 =	vmul.f32 v6, v1  }
0x1f6: {  	v56 =	vmax.f32 v13, $0.0e+00;
	v0 =	vmax.f32 v0, $0.0e+00  }
0x1f7: {  	v1 =	vadd.f32 v1, v55;
	v0 =	vmul.f32 v0, v56;
	_ =	sdelay $0x1  }
0x1f8: {  	v6 =	vld.idx.msk [tilespmem:v53+s3+$0x0], $0xffff;
	v1 =	vsub.f32 v1, v0  }
0x1f9: {  	v7 =	vld.idx.msk [tilespmem:v54+s3+$0x0], $0xffff  }
0x1fa: {  	v1 =	vadd.f32 $1.000000010e-07, v1;
	_ =	sdelay $0x1  }
0x1fb: {  	(erf) = vrcp.f32 v1  }
0x1fc: {  	(erf) = vrcp.f32 v6  }
0x1fd: {  	(erf) = vrcp.f32 v7;
	_ =	sdelay $0x3  }
0x1fe: {  	v57 =	vld.idx.msk [tilespmem:v45+s26+$0x0], $0xffff;
	_ =	sdelay $0x2  }
0x1ff: {  	v13 =	vmul.f32 $3.200000000e+01, v4;
	v12 =	vpop (erf)  }
0x200: {  	v18 =	vmul.f32 $3.200000000e+01, v5;
	v58 =	vpop (erf)  }
0x201: {  	v1 =	vsub.f32 $0.0e+00, v57;
	v19 =	vmul.f32 v58, v13;
	v59 =	vpop (erf)  }
0x202: {  	v22 =	vmul.f32 v59, v18  }
0x203: {  	v1 =	vmul.f32 $1.442695020e+00, v1;
	(erf) = vrcp.f32 v19  }
0x204: {  	(erf) = vrcp.f32 v22  }
0x205: {  	(erf) = vpow2.f32 v1;
	_ =	sdelay $0x3  }
0x206: {  	v60 =	vld.idx.msk [tilespmem:v46+s26+$0x0], $0xffff;
	_ =	sdelay $0x2  }
0x207: {  	v23 =	vpop (erf)  }
0x208: {  	v24 =	vpop (erf)  }
0x209: {  	v1 =	vsub.f32 $0.0e+00, v60;
	v61 =	vpop (erf)  }
0x20a: {  	v25 =	vadd.f32 $1.000000000e+00, v61  }
0x20b: {  	v1 =	vmul.f32 $1.442695020e+00, v1  }
0x20c: {  	(erf) = vrcp.f32 v25  }
0x20d: {  	(erf) = vpow2.f32 v1;
	_ =	sdelay $0x5  }
0x20e: {  	v62 =	vld.idx.msk [tilespmem:v47+s26+$0x0], $0xffff  }
0x20f: {  	v63 =	vld.idx.msk [tilespmem:v48+s26+$0x0], $0xffff  }
0x210: {  	v52 =	vpop (erf)  }
0x211: {  	v56 =	vpop (erf)  }
0x212: {  	v53 =	vadd.f32 $1.000000000e+00, v56  }
0x213: {  	v1 =	vmul.f32 $1.442695020e+00, v62  }
0x214: {  	v25 =	vmul.f32 $1.442695020e+00, v63;
	(erf) = vrcp.f32 v53  }
0x215: {  	(erf) = vpow2.f32 v1  }
0x216: {  	(erf) = vpow2.f32 v25;
	_ =	sdelay $0x3  }
0x217: {  	v59 =	vld [tilespmem:$0x1FFC0];
	_ =	sdelay $0x2  }
0x218: {  	v20 =	vcvt.s32.f32 v20;
	v62 =	vld [tilespmem:$0x1FFD0];
	v1 =	vpop (erf)  }
0x219: {  	v57 =	vpop (erf)  }
0x21a: {  	v20 =	vsub.f32 v59, v20;
	v61 =	vmul.f32 $5.000000000e-01, v13;
	v6 =	vmul.f32 v57, v6;
	v58 =	vpop (erf)  }
0x21b: {  	v21 =	vcvt.s32.f32 v21;
	v7 =	vmul.f32 v58, v7  }
0x21c: {  	v63 =	vadd.f32 v61, v20;
	v60 =	vmul.f32 $5.000000000e-01, v6  }
0x21d: {  	v20 =	vsub.f32 v20, v61;
	v21 =	vsub.f32 v62, v21;
	v3 =	vmul.f32 $5.000000000e-01, v7  }
0x21e: {  	v54 =	vadd.f32 v60, v52;
	v25 =	vsub.f32 v52, v60;
	v60 =	vmul.f32 $5.000000000e-01, v18  }
0x21f: {  	v61 =	vadd.f32 v3, v1;
	v1 =	vsub.f32 v1, v3  }
0x220: {  	v62 =	vadd.f32 v60, v21;
	v21 =	vsub.f32 v21, v60  }
0x221: {  	v63 =	vmin.f32 v54, v63  }
0x222: {  	v20 =	vmax.f32 v25, v20;
	v55 =	vmin.f32 v61, v62;
	v1 =	vmax.f32 v1, v21  }
0x223: {  	v20 =	vsub.f32 v63, v20;
	v1 =	vsub.f32 v55, v1  }
0x224: {  	v56 =	vmul.f32 v18, v13;
	v6 =	vmul.f32 v7, v6  }
0x225: {  	v57 =	vmax.f32 v20, $0.0e+00;
	v1 =	vmax.f32 v1, $0.0e+00  }
0x226: {  	v6 =	vadd.f32 v6, v56;
	v1 =	vmul.f32 v1, v57;
	_ =	sdelay $0x1  }
0x227: {  	v6 =	vsub.f32 v6, v1;
	_ =	sdelay $0x1  }
0x228: {  	v6 =	vadd.f32 $1.000000010e-07, v6;
	_ =	sdelay $0x1  }
0x229: {  	(erf) = vrcp.f32 v6;
	_ =	sdelay $0x1  }
0x22a: {  	v0 =	vmul.f32 v12, v0;
	_ =	sdelay $0x1  }
0x22b: {  	v0 =	vsub.f32 $1.000000000e+00, v0;
	v59 =	vmax.f32 v32, v49  }
0x22c: {  	v22 =	vmax.f32 v22, v24;
	v58 =	vmax.f32 v31, v33;
	v60 =	vmul.f32 v27, v26  }
0x22d: {  	v61 =	vmax.f32 v28, v50;
	v62 =	vmax.f32 v29, v51;
	v6 =	vmax.f32 v58, v59  }
0x22e: {  	v7 =	vsub.f32 $1.000000000e+00, v60;
	v21 =	vmax.f32 v19, v23;
	vm7 =	vlt.f32 v6, $4.000000000e+00  }
0x22f: {  	v63 =	vmax.f32 v61, v62;
	v25 =	vmax.f32 v21, v22;
	vm3 =	vmand vm1, vm7  }
0x230: {  	vm8 =	vlt.f32 v63, $4.000000000e+00;
	vm9 =	vlt.f32 v25, $4.000000000e+00;
	v23 =	vsel vm3, $0x3F800000, v30;
	v26 =	vpop (erf)  }
0x231: {  	vm3 =	vmand vm0, vm8;
	v24 =	vmul.f32 v7, v23;
	v1 =	vmul.f32 v26, v1  }
0x232: {  	v27 =	vsel vm3, $0x3F800000, v30;
	vm3 =	vmand vm2, vm9  }
0x233: {  	v0 =	vmul.f32 v0, v27;
	v6 =	vadd.f32 $0.0e+00, v24;
	v1 =	vsub.f32 $1.000000000e+00, v1  }
0x234: {  	v28 =	vsel vm3, $0x3F800000, v30;
	v29 =	vadd.f32 v27, v23  }
0x235: {  	v0 =	vadd.f32 v0, v6;
	v1 =	vmul.f32 v1, v28  }
0x236: {  	v31 =	vadd.f32 v28, v29  }
0x237: {  	v0 =	vadd.f32 v1, v0  }
0x238: {  	[tilespmem:$0x4240] =	vst v31  }
0x239: {  	s28 =	simm.s32 $0x4;
	[tilespmem:$0x4210] =	vst v0  }
0x23a: {  	_ =	swait.ge [sflag:s28], $0x1000  }
0x23b: {  	[sflag:s28] =	ssyncset.done $0x0  }
0x23c: {  	[sflag:s28] =	ssyncadd.s32 $0xFFFFF000  }
0x23d: {  	_ =	swait.ge [sflag:s28], $0x80  }
0x23e: {  	[sflag:s28] =	ssyncset.done $0x0  }
0x23f: {  	[sflag:s28] =	ssyncadd.s32 $0xFFFFFF80  }
0x240: {  	_ =	swait.ge [sflag:s28], $0x80  }
0x241: {  	[sflag:s28] =	ssyncset.done $0x0  }
0x242: {  	[sflag:s28] =	ssyncadd.s32 $0xFFFFFF80  }
0x243: {  	_ =	swait.ge [sflag:s28], $0x80  }
0x244: {  	[sflag:s28] =	ssyncset.done $0x0  }
0x245: {  	[sflag:s28] =	ssyncadd.s32 $0xFFFFFF80  }
0x246: {  	_ =	swait.ge [sflag:s28], $0x80  }
0x247: {  	[sflag:s28] =	ssyncset.done $0x0  }
0x248: {  	[sflag:s28] =	ssyncadd.s32 $0xFFFFFF80  }
0x249: {  	_ =	swait.ge [sflag:s28], $0x80  }
0x24a: {  	v32 =	vor.u32 $0x4C0, v35;
	[sflag:s28] =	ssyncset.done $0x0  }
0x24b: {  	v33 =	vor.u32 $0x4C1, v35;
	[sflag:s28] =	ssyncadd.s32 $0xFFFFFF80  }
0x24c: {  	_ =	swait.ge [sflag:s28], $0x80  }
0x24d: {  	[sflag:s28] =	ssyncset.done $0x0  }
0x24e: {  	[sflag:s28] =	ssyncadd.s32 $0xFFFFFF80  }
0x24f: {  	v0 =	vld.idx.msk [tilespmem:v32+s3+$0x0], $0xffff  }
0x250: {  	v1 =	vld.idx.msk [tilespmem:v33+s3+$0x0], $0xffff;
	_ =	sdelay $0x3  }
0x251: {  	(erf) = vrcp.f32 v0  }
0x252: {  	(erf) = vrcp.f32 v1;
	_ =	sdelay $0x3  }
0x253: {  	v35 =	vld.idx.msk [tilespmem:v36+s4+$0x0], $0xffff;
	_ =	sdelay $0x2  }
0x254: {  	v7 =	vmul.f32 $1.600000000e+01, v16  }
0x255: {  	v12 =	vmul.f32 $1.600000000e+01, v17;
	v36 =	vpop (erf)  }
0x256: {  	v6 =	vsub.f32 $0.0e+00, v35;
	v16 =	vmul.f32 v36, v7;
	v49 =	vpop (erf)  }
0x257: {  	v17 =	vmul.f32 v49, v12  }
0x258: {  	v6 =	vmul.f32 $1.442695020e+00, v6;
	(erf) = vrcp.f32 v16  }
0x259: {  	(erf) = vrcp.f32 v17  }
0x25a: {  	(erf) = vpow2.f32 v6;
	_ =	sdelay $0x3  }
0x25b: {  	v50 =	vld.idx.msk [tilespmem:v38+s4+$0x0], $0xffff;
	_ =	sdelay $0x2  }
0x25c: {  	v18 =	vpop (erf)  }
0x25d: {  	v19 =	vpop (erf)  }
0x25e: {  	v6 =	vsub.f32 $0.0e+00, v50;
	v51 =	vpop (erf)  }
0x25f: {  	v13 =	vadd.f32 $1.000000000e+00, v51  }
0x260: {  	v6 =	vmul.f32 $1.442695020e+00, v6  }
0x261: {  	(erf) = vrcp.f32 v13  }
0x262: {  	(erf) = vpow2.f32 v6;
	_ =	sdelay $0x5  }
0x263: {  	v52 =	vld.idx.msk [tilespmem:v39+s4+$0x0], $0xffff  }
0x264: {  	v53 =	vld.idx.msk [tilespmem:v40+s4+$0x0], $0xffff  }
0x265: {  	v54 =	vpop (erf)  }
0x266: {  	v55 =	vpop (erf)  }
0x267: {  	v21 =	vadd.f32 $1.000000000e+00, v55  }
0x268: {  	v6 =	vmul.f32 $1.442695020e+00, v52  }
0x269: {  	v13 =	vmul.f32 $1.442695020e+00, v53;
	(erf) = vrcp.f32 v21  }
0x26a: {  	(erf) = vpow2.f32 v6  }
0x26b: {  	(erf) = vpow2.f32 v13;
	_ =	sdelay $0x3  }
0x26c: {  	v62 =	vld [tilespmem:$0x1FFB0]  }
0x26d: {  	v59 =	vld [tilespmem:$0x1FFA0];
	_ =	sdelay $0x1  }
0x26e: {  	v15 =	vcvt.s32.f32 v15;
	v56 =	vpop (erf)  }
0x26f: {  	v14 =	vcvt.s32.f32 v14;
	v57 =	vpop (erf)  }
0x270: {  	v28 =	vmul.f32 $5.000000000e-01, v12;
	v15 =	vsub.f32 v62, v15;
	v0 =	vmul.f32 v57, v0;
	v58 =	vpop (erf)  }
0x271: {  	v61 =	vmul.f32 $5.000000000e-01, v7;
	v13 =	vsub.f32 v59, v14;
	v1 =	vmul.f32 v58, v1  }
0x272: {  	v31 =	vadd.f32 v28, v15;
	v15 =	vsub.f32 v15, v28;
	v60 =	vmul.f32 $5.000000000e-01, v0  }
0x273: {  	v2 =	vadd.f32 v61, v13;
	v13 =	vsub.f32 v13, v61;
	v3 =	vmul.f32 $5.000000000e-01, v1  }
0x274: {  	v63 =	vadd.f32 v60, v54;
	v14 =	vsub.f32 v54, v60  }
0x275: {  	v29 =	vadd.f32 v3, v56;
	v6 =	vsub.f32 v56, v3  }
0x276: {  	v32 =	vmin.f32 v63, v2  }
0x277: {  	v13 =	vmax.f32 v14, v13;
	v33 =	vmin.f32 v29, v31;
	v6 =	vmax.f32 v6, v15  }
0x278: {  	v35 =	vor.u32 $0x4C0, v37;
	v13 =	vsub.f32 v32, v13;
	v6 =	vsub.f32 v33, v6  }
0x279: {  	v36 =	vor.u32 $0x4C1, v37;
	v37 =	vmul.f32 v12, v7;
	v0 =	vmul.f32 v1, v0  }
0x27a: {  	v38 =	vmax.f32 v13, $0.0e+00;
	v6 =	vmax.f32 v6, $0.0e+00  }
0x27b: {  	v0 =	vadd.f32 v0, v37;
	v12 =	vmul.f32 v6, v38;
	_ =	sdelay $0x1  }
0x27c: {  	v39 =	vld.idx.msk [tilespmem:v35+s3+$0x0], $0xffff;
	v0 =	vsub.f32 v0, v12  }
0x27d: {  	v40 =	vld.idx.msk [tilespmem:v36+s3+$0x0], $0xffff  }
0x27e: {  	v0 =	vadd.f32 $1.000000010e-07, v0;
	_ =	sdelay $0x1  }
0x27f: {  	(erf) = vrcp.f32 v0  }
0x280: {  	(erf) = vrcp.f32 v39  }
0x281: {  	(erf) = vrcp.f32 v40;
	_ =	sdelay $0x3  }
0x282: {  	v49 =	vld.idx.msk [tilespmem:v41+s4+$0x0], $0xffff;
	_ =	sdelay $0x2  }
0x283: {  	v50 =	vmul.f32 $1.600000000e+01, v10;
	v13 =	vpop (erf)  }
0x284: {  	v51 =	vmul.f32 $1.600000000e+01, v11;
	v52 =	vpop (erf)  }
0x285: {  	v0 =	vsub.f32 $0.0e+00, v49;
	v10 =	vmul.f32 v52, v50;
	v53 =	vpop (erf)  }
0x286: {  	v11 =	vmul.f32 v53, v51  }
0x287: {  	v0 =	vmul.f32 $1.442695020e+00, v0;
	(erf) = vrcp.f32 v10  }
0x288: {  	(erf) = vrcp.f32 v11  }
0x289: {  	(erf) = vpow2.f32 v0;
	_ =	sdelay $0x3  }
0x28a: {  	v54 =	vld.idx.msk [tilespmem:v42+s4+$0x0], $0xffff;
	_ =	sdelay $0x2  }
0x28b: {  	v14 =	vpop (erf)  }
0x28c: {  	v15 =	vpop (erf)  }
0x28d: {  	v0 =	vsub.f32 $0.0e+00, v54;
	v55 =	vpop (erf)  }
0x28e: {  	v21 =	vadd.f32 $1.000000000e+00, v55  }
0x28f: {  	v0 =	vmul.f32 $1.442695020e+00, v0  }
0x290: {  	(erf) = vrcp.f32 v21  }
0x291: {  	(erf) = vpow2.f32 v0;
	_ =	sdelay $0x5  }
0x292: {  	v56 =	vld.idx.msk [tilespmem:v43+s4+$0x0], $0xffff  }
0x293: {  	v57 =	vld.idx.msk [tilespmem:v44+s4+$0x0], $0xffff  }
0x294: {  	v58 =	vpop (erf)  }
0x295: {  	v59 =	vpop (erf)  }
0x296: {  	v23 =	vadd.f32 $1.000000000e+00, v59  }
0x297: {  	v0 =	vmul.f32 $1.442695020e+00, v56  }
0x298: {  	v21 =	vmul.f32 $1.442695020e+00, v57;
	(erf) = vrcp.f32 v23  }
0x299: {  	(erf) = vpow2.f32 v0  }
0x29a: {  	(erf) = vpow2.f32 v21;
	_ =	sdelay $0x3  }
0x29b: {  	v28 =	vld [tilespmem:$0x1FF80]  }
0x29c: {  	v63 =	vld [tilespmem:$0x1FF90];
	_ =	sdelay $0x1  }
0x29d: {  	v8 =	vcvt.s32.f32 v8;
	v60 =	vpop (erf)  }
0x29e: {  	v9 =	vcvt.s32.f32 v9;
	v61 =	vpop (erf)  }
0x29f: {  	v8 =	vsub.f32 v28, v8;
	v33 =	vmul.f32 $5.000000000e-01, v51;
	v1 =	vmul.f32 v61, v39;
	v62 =	vpop (erf)  }
0x2a0: {  	v3 =	vmul.f32 $5.000000000e-01, v50;
	v9 =	vsub.f32 v63, v9;
	v6 =	vmul.f32 v62, v40  }
0x2a1: {  	v36 =	vadd.f32 v33, v8;
	v8 =	vsub.f32 v8, v33;
	v2 =	vmul.f32 $5.000000000e-01, v1  }
0x2a2: {  	v31 =	vadd.f32 v3, v9;
	v9 =	vsub.f32 v9, v3;
	v32 =	vmul.f32 $5.000000000e-01, v6  }
0x2a3: {  	v29 =	vadd.f32 v2, v58;
	v21 =	vsub.f32 v58, v2  }
0x2a4: {  	v35 =	vadd.f32 v32, v60;
	v0 =	vsub.f32 v60, v32  }
0x2a5: {  	v37 =	vmin.f32 v29, v31  }
0x2a6: {  	v9 =	vmax.f32 v21, v9;
	v38 =	vmin.f32 v35, v36;
	v0 =	vmax.f32 v0, v8  }
0x2a7: {  	v40 =	vor.u32 $0x4C0, v34;
	v39 =	vsub.f32 v37, v9;
	v0 =	vsub.f32 v38, v0  }
0x2a8: {  	v41 =	vor.u32 $0x4C1, v34;
	v42 =	vmul.f32 v51, v50;
	v1 =	vmul.f32 v6, v1  }
0x2a9: {  	v43 =	vmax.f32 v39, $0.0e+00;
	v0 =	vmax.f32 v0, $0.0e+00  }
0x2aa: {  	v1 =	vadd.f32 v1, v42;
	v0 =	vmul.f32 v0, v43;
	_ =	sdelay $0x1  }
0x2ab: {  	v44 =	vld.idx.msk [tilespmem:v40+s3+$0x0], $0xffff;
	v1 =	vsub.f32 v1, v0  }
0x2ac: {  	v49 =	vld.idx.msk [tilespmem:v41+s3+$0x0], $0xffff  }
0x2ad: {  	v1 =	vadd.f32 $1.000000010e-07, v1;
	_ =	sdelay $0x1  }
0x2ae: {  	(erf) = vrcp.f32 v1  }
0x2af: {  	(erf) = vrcp.f32 v44  }
0x2b0: {  	(erf) = vrcp.f32 v49;
	_ =	sdelay $0x3  }
0x2b1: {  	v50 =	vld.idx.msk [tilespmem:v45+s4+$0x0], $0xffff;
	_ =	sdelay $0x2  }
0x2b2: {  	v51 =	vmul.f32 $1.600000000e+01, v4;
	v8 =	vpop (erf)  }
0x2b3: {  	v52 =	vmul.f32 $1.600000000e+01, v5;
	v53 =	vpop (erf)  }
0x2b4: {  	v1 =	vsub.f32 $0.0e+00, v50;
	v9 =	vmul.f32 v53, v51;
	v54 =	vpop (erf)  }
0x2b5: {  	v20 =	vmul.f32 v54, v52  }
0x2b6: {  	v1 =	vmul.f32 $1.442695020e+00, v1;
	(erf) = vrcp.f32 v9  }
0x2b7: {  	(erf) = vrcp.f32 v20  }
0x2b8: {  	(erf) = vpow2.f32 v1;
	_ =	sdelay $0x3  }
0x2b9: {  	v55 =	vld.idx.msk [tilespmem:v46+s4+$0x0], $0xffff;
	_ =	sdelay $0x2  }
0x2ba: {  	v56 =	vpop (erf)  }
0x2bb: {  	v57 =	vpop (erf)  }
0x2bc: {  	v1 =	vsub.f32 $0.0e+00, v55;
	v58 =	vpop (erf)  }
0x2bd: {  	v23 =	vadd.f32 $1.000000000e+00, v58  }
0x2be: {  	v1 =	vmul.f32 $1.442695020e+00, v1  }
0x2bf: {  	(erf) = vrcp.f32 v23  }
0x2c0: {  	(erf) = vpow2.f32 v1;
	_ =	sdelay $0x5  }
0x2c1: {  	v59 =	vld.idx.msk [tilespmem:v47+s4+$0x0], $0xffff  }
0x2c2: {  	v60 =	vld.idx.msk [tilespmem:v48+s4+$0x0], $0xffff  }
0x2c3: {  	v61 =	vpop (erf)  }
0x2c4: {  	v62 =	vpop (erf)  }
0x2c5: {  	v25 =	vadd.f32 $1.000000000e+00, v62  }
0x2c6: {  	v1 =	vmul.f32 $1.442695020e+00, v59  }
0x2c7: {  	v23 =	vmul.f32 $1.442695020e+00, v60;
	(erf) = vrcp.f32 v25  }
0x2c8: {  	(erf) = vpow2.f32 v1  }
0x2c9: {  	(erf) = vpow2.f32 v23;
	_ =	sdelay $0x1  }
0x2ca: {  	v28 =	vld [tilespmem:$0x1FFF0]  }
0x2cb: {  	v32 =	vld [tilespmem:$0x1FFE0]  }
0x2cc: {  	v33 =	vld [tilespmem:$0x1FF70]  }
0x2cd: {  	v36 =	vld [tilespmem:$0x1FF60];
	_ =	sdelay $0x1  }
0x2ce: {  	v29 =	vcvt.s32.f32 v28;
	v63 =	vpop (erf)  }
0x2cf: {  	v2 =	vcvt.s32.f32 v32;
	v27 =	vpop (erf)  }
0x2d0: {  	v35 =	vmul.f32 $5.000000000e-01, v51;
	v3 =	vsub.f32 v33, v29;
	v6 =	vmul.f32 v27, v44;
	v31 =	vpop (erf)  }
0x2d1: {  	v40 =	vmul.f32 $5.000000000e-01, v52;
	v2 =	vsub.f32 v36, v2;
	v7 =	vmul.f32 v31, v49  }
0x2d2: {  	v38 =	vadd.f32 v35, v3;
	v3 =	vsub.f32 v3, v35;
	v34 =	vmul.f32 $5.000000000e-01, v6  }
0x2d3: {  	v42 =	vadd.f32 v40, v2;
	v2 =	vsub.f32 v2, v40;
	v39 =	vmul.f32 $5.000000000e-01, v7  }
0x2d4: {  	v37 =	vadd.f32 v34, v61;
	v23 =	vsub.f32 v61, v34  }
0x2d5: {  	v41 =	vadd.f32 v39, v63;
	v1 =	vsub.f32 v63, v39  }
0x2d6: {  	v43 =	vmin.f32 v37, v38  }
0x2d7: {  	v3 =	vmax.f32 v23, v3;
	v44 =	vmin.f32 v41, v42;
	v1 =	vmax.f32 v1, v2  }
0x2d8: {  	v45 =	vsub.f32 v43, v3;
	v1 =	vsub.f32 v44, v1  }
0x2d9: {  	v4 =	vmul.f32 v52, v51;
	v46 =	vmul.f32 v7, v6  }
0x2da: {  	v2 =	vmax.f32 v45, $0.0e+00;
	v1 =	vmax.f32 v1, $0.0e+00  }
0x2db: {  	v47 =	vadd.f32 v46, v4;
	v1 =	vmul.f32 v1, v2;
	_ =	sdelay $0x1  }
0x2dc: {  	v2 =	vsub.f32 v47, v1;
	_ =	sdelay $0x1  }
0x2dd: {  	v2 =	vadd.f32 $1.000000010e-07, v2;
	_ =	sdelay $0x1  }
0x2de: {  	(erf) = vrcp.f32 v2;
	_ =	sdelay $0x3  }
0x2df: {  	v48 =	vmax.f32 v16, v18;
	v50 =	vmul.f32 v13, v12;
	v0 =	vmul.f32 v8, v0  }
0x2e0: {  	v51 =	vmax.f32 v10, v14;
	v52 =	vmax.f32 v11, v15;
	v49 =	vmax.f32 v17, v19  }
0x2e1: {  	v0 =	vsub.f32 $1.000000000e+00, v0;
	v53 =	vmax.f32 v51, v52;
	v2 =	vmax.f32 v48, v49  }
0x2e2: {  	vm12 =	vlt.f32 v53, $4.000000000e+00;
	v54 =	vmax.f32 v9, v56;
	vm10 =	vlt.f32 v2, $4.000000000e+00  }
0x2e3: {  	v55 =	vmax.f32 v20, v57;
	v3 =	vsub.f32 $1.000000000e+00, v50;
	vm11 =	vmand vm1, vm10  }
0x2e4: {  	vm13 =	vmand vm0, vm12;
	v58 =	vmax.f32 v54, v55;
	v56 =	vsel vm11, $0x3F800000, v30;
	v59 =	vpop (erf)  }
0x2e5: {  	vm14 =	vlt.f32 v58, $4.000000000e+00;
	v57 =	vmul.f32 v3, v56;
	v1 =	vmul.f32 v59, v1  }
0x2e6: {  	v60 =	vsel vm13, $0x3F800000, v30;
	vm15 =	vmand vm2, vm14  }
0x2e7: {  	v0 =	vmul.f32 v0, v60;
	v2 =	vadd.f32 $0.0e+00, v57;
	v1 =	vsub.f32 $1.000000000e+00, v1  }
0x2e8: {  	v61 =	vsel vm15, $0x3F800000, v30;
	v62 =	vadd.f32 v60, v56  }
0x2e9: {  	v0 =	vadd.f32 v0, v2;
	v1 =	vmul.f32 v1, v61  }
0x2ea: {  	v63 =	vadd.f32 v61, v62  }
0x2eb: {  	v0 =	vadd.f32 v1, v0  }
0x2ec: {  	s29 =	sshll.u32 s0, $0x4;
	[tilespmem:$0x4250] =	vst v63  }
0x2ed: {  	s30 =	simm.s32 $0x4200;
	s31 =	simm.s32 $0x5;
	s2 =	sadd.s32 s2, s29;
	[tilespmem:$0x4220] =	vst v0  }
0x2ee: {  	[hbm4b:s2+s3] =	stream.linear.scatter [tilespmem:s30], [sflag:$0x5], $0x80, $0x38;
	[tilespmem:$0x4280] =	vst v63  }
0x2ef: {  	_ =	swait.ge [sflag:s31], $0x80  }
0x2f0: {  	[sflag:s31] =	ssyncset.done $0x0  }
0x2f1: {  	[sflag:s31] =	ssyncadd.s32 $0xFFFFFF80  }
0x2f2: {  	_ =	sfence.sel $0x180000  }
0x2f3: {  	[bflag:$0x0] =	sbarrier.arrive $0xFFFF  }
0x2f4: {  	p0 =	sne.s32 s0, $0x0;
	_ =	strace $0x90000047  }
0x2f5: {  	s0 =	sadd.s32 @!p0 $0x100000, s1;
	[bflag:$0x2] =	sbarrier.arrive $0xFFFF  }
0x2f6: {  	[sflag:s0] =	ssyncadd.tile.s32 @!p0 $0x1;
	_ =	shalt  }
.LBB2_5:
.Ltmp6:
0x2f7: {  	(pc) =	sbr.rel .LBB2_12-.Ltmp6, $2  }
0x2f8: {  	_ =	sdelay $0x2  }
0x2f9: {  	v3 =	vmov v23;
	v2 =	vmov v22;
	s7 =	simm.s32 $0x2E00  }
.LBB2_7:
.Ltmp7:
0x2fa: {  	(pc) =	sbr.rel .LBB2_12-.Ltmp7, $2  }
0x2fb: {  	_ =	sdelay $0x2  }
0x2fc: {  	v3 =	vmov v23;
	v2 =	vmov v22;
	s7 =	simm.s32 $0x2E00  }
.LBB2_9:
.Ltmp8:
0x2fd: {  	(pc) =	sbr.rel .LBB2_12-.Ltmp8, $2  }
0x2fe: {  	_ =	sdelay $0x2  }
0x2ff: {  	v3 =	vmov v23;
	v2 =	vmov v22;
	s7 =	simm.s32 $0x2E00  }
.Lfunc_end2:
_tile_overlayer_lowered:
.L_overlay_start_2:
0x300: {  	(tag) =	ssettag $0x2  }
0x301: {  	s0 =	rddreg [dreg:$0x0];
	s2 =	stileid.u32  }
0x302: {  	s1 =	rddreg [dreg:$0x1];
	p0 =	sne.s32 s2, $0x0  }
0x303: {  	s3 =	rddreg [dreg:$0x2];
	[bflag:$0x3] =	sbarrier.arrive $0xFFFF;
	s2 =	simm.s32 @!p0 $0x1C05  }
0x304: {  	[timem:s3], [sflag:s2] =	dma.local @!p0 [hbm:s0], s1  }
0x305: {  	s0 =	simm.s32 @!p0 $0x5  }
0x306: {  	_ =	swait.ge @!p0 [sflag:s0], s1  }
0x307: {  	s1 =	ssub.s32 @!p0 $0x0, s1;
	[sflag:s0] =	ssyncset.done @!p0 $0x0  }
0x308: {  	[sflag:s0] =	ssyncadd.s32 @!p0 s1  }
0x309: {  	[bflag:$0x3] =	sbarrier.arrive $0xFFFF  }
0x30a: {  	_ =	shalt  }

</sc_bundles>
